<compile_context>
chip_gen: v7x
topology: tpu7x:2x2x1
jax: 0.10.2.dev20260603
libtpu: 0.0.44.dev20260713+nightly
codegen_flags: <defaults>
</compile_context>

<pallas_src>
import functools

import jax
import jax.numpy as jnp
from jax import lax
from jax.experimental import pallas as pl
from jax.experimental.pallas import tpu as pltpu
from jax.experimental.pallas import tpu_sc as plsc

NB = 8192
RROWS = NB // 128
EMAX = 15.0
EMIN = -13.0
WIDTH = (EMAX - EMIN) / NB
INV_W = 1.0 / WIDTH

NTILES = 32
TOTAL = 16 * 512 * 512
NROWS = TOTAL // 512
ROWS_PER_TILE = NROWS // NTILES
CROWS = 32
CHUNK = CROWS * 512
NCHUNK = ROWS_PER_TILE // CROWS
LANES = 16


UNROLL = 8
NBUF = 3


def _sc_hist_body(x_hbm, t_hbm, out_hbm,
                  xbuf_a, tbuf_a, xbuf_b, tbuf_b, xbuf_c, tbuf_c, hist,
                  semx_a, semt_a, semx_b, semt_b, semx_c, semt_c):
    cid = lax.axis_index("c")
    sid = lax.axis_index("s")
    wid = sid * 2 + cid
    base = wid * ROWS_PER_TILE

    bufsets = [(xbuf_a, tbuf_a, semx_a, semt_a),
               (xbuf_b, tbuf_b, semx_b, semt_b),
               (xbuf_c, tbuf_c, semx_c, semt_c)]

    def start_fetch(k, bs):
        row = base + k * CROWS
        pltpu.async_copy(x_hbm.at[pl.ds(row, CROWS)], bs[0], bs[2])
        pltpu.async_copy(t_hbm.at[pl.ds(row, CROWS)], bs[1], bs[3])

    def wait_fetch(k, bs):
        row = base + k * CROWS
        pltpu.make_async_copy(x_hbm.at[pl.ds(row, CROWS)], bs[0], bs[2]).wait()
        pltpu.make_async_copy(t_hbm.at[pl.ds(row, CROWS)], bs[1], bs[3]).wait()

    start_fetch(0, bufsets[0])
    start_fetch(1, bufsets[1])

    zeros16 = jnp.zeros((LANES,), jnp.int32)

    def zero_body(j, _):
        for u in range(8):
            hist[pl.ds((j * 8 + u) * LANES, LANES)] = zeros16
        return 0

    lax.fori_loop(0, (2 * NB) // (8 * LANES), zero_body, 0)

    ones16 = jnp.ones((LANES,), jnp.int32)

    def consume(xbuf, tbuf):
        def inner(i):
            r = i >> 5
            c = (i & 31) * LANES
            x16 = xbuf[r, pl.ds(c, LANES)]
            t16 = tbuf[r, pl.ds(c, LANES)]
            m = jnp.where(t16 >= 1, INV_W, -INV_W).astype(jnp.float32)
            q = x16 * m + (EMAX - 1.0) * INV_W
            q = jnp.minimum(jnp.maximum(q, 0.0), float(NB - 1))
            b = q.astype(jnp.int32) + t16 * NB
            plsc.addupdate_scatter(hist, [b], ones16)

        plsc.parallel_loop(0, CHUNK // LANES, unroll=UNROLL)(inner)

    for k in range(NCHUNK):
        cur = bufsets[k % NBUF]
        wait_fetch(k, cur)
        if k + 2 < NCHUNK:
            start_fetch(k + 2, bufsets[(k + 2) % NBUF])
        consume(cur[0], cur[1])

    pltpu.sync_copy(hist, out_hbm.at[pl.ds(wid * 2 * NB, 2 * NB)])


def _sc_hist(x_flat, t_flat):
    mesh = plsc.VectorSubcoreMesh(core_axis_name="c", subcore_axis_name="s")
    return pl.kernel(
        _sc_hist_body,
        mesh=mesh,
        out_type=jax.ShapeDtypeStruct((NTILES * 2 * NB,), jnp.int32),
        scratch_types=[
            pltpu.VMEM((CROWS, 512), jnp.float32),
            pltpu.VMEM((CROWS, 512), jnp.int32),
            pltpu.VMEM((CROWS, 512), jnp.float32),
            pltpu.VMEM((CROWS, 512), jnp.int32),
            pltpu.VMEM((CROWS, 512), jnp.float32),
            pltpu.VMEM((CROWS, 512), jnp.int32),
            pltpu.VMEM((2 * NB,), jnp.int32),
            pltpu.SemaphoreType.DMA,
            pltpu.SemaphoreType.DMA,
            pltpu.SemaphoreType.DMA,
            pltpu.SemaphoreType.DMA,
            pltpu.SemaphoreType.DMA,
            pltpu.SemaphoreType.DMA,
        ],
        compiler_params=pltpu.CompilerParams(needs_layout_passes=False),
    )(x_flat, t_flat)


def _tc_scan_kernel(hists_ref, out_ref):
    h = hists_ref[...].astype(jnp.float32)
    hs = jnp.sum(h, axis=0)
    neg = hs[0]
    pos = hs[1]

    r_i = lax.broadcasted_iota(jnp.int32, (RROWS, 128), 0).astype(jnp.float32)
    c_i = lax.broadcasted_iota(jnp.int32, (RROWS, 128), 1).astype(jnp.float32)
    u_r = lax.broadcasted_iota(jnp.int32, (128, 128), 0)
    u_c = lax.broadcasted_iota(jnp.int32, (128, 128), 1)
    upper = (u_r <= u_c).astype(jnp.float32)
    l_r = lax.broadcasted_iota(jnp.int32, (RROWS, RROWS), 0)
    l_c = lax.broadcasted_iota(jnp.int32, (RROWS, RROWS), 1)
    lstrict = (l_c < l_r).astype(jnp.float32)
    ones = jnp.ones((128, 128), jnp.float32)

    def cumsum2d(x):
        within = jax.lax.dot_general(
            x, upper, (((1,), (0,)), ((), ())),
            preferred_element_type=jnp.float32)
        prev_rows = jax.lax.dot_general(
            lstrict, x, (((1,), (0,)), ((), ())),
            preferred_element_type=jnp.float32)
        offs = jax.lax.dot_general(
            prev_rows, ones, (((1,), (0,)), ((), ())),
            preferred_element_type=jnp.float32)
        return within + offs

    p_cum = cumsum2d(pos)
    n_cum = cumsum2d(neg)
    g = jnp.sum(pos)

    p_prev = p_cum - pos
    n_prev = n_cum - neg
    num = (g - p_prev) * neg + pos * (g + n_prev)
    den = (g + n_prev) * (g + n_cum)
    dj = jnp.where(g + n_prev > 0.0,
                   num / jnp.maximum(den, 1.0),
                   jnp.where(n_cum > 0.0, 1.0, 0.0))

    bidx = r_i * 128.0 + c_i
    v = EMAX - (bidx + 0.5) * WIDTH
    relu_v = jnp.maximum(v, 0.0)
    out_ref[...] = jnp.sum(relu_v * dj, axis=(0, 1), keepdims=True)


def _tc_scan_call(hists):
    grid_spec = pl.GridSpec(
        grid=(),
        in_specs=[pl.BlockSpec(hists.shape, lambda: (0, 0, 0, 0))],
        out_specs=pl.BlockSpec((1, 1), lambda: (0, 0)),
    )
    return pl.pallas_call(
        _tc_scan_kernel,
        grid_spec=grid_spec,
        out_shape=jax.ShapeDtypeStruct((1, 1), jnp.float32),
    )(hists)


def kernel(inputs, targets):
    x2 = inputs.reshape(NROWS, 512)
    t2 = targets.reshape(NROWS, 512)
    hists = _sc_hist(x2, t2)
    hists4 = hists.reshape(NTILES, 2, RROWS, 128)
    loss = _tc_scan_call(hists4)
    return loss.reshape(())

# --- scband reference (transcript-rebuilt; emitter-appended) ---
"""Pipeline reference for scband-lovasz-24421184045608 (READ-ONLY COPY).

The authoritative reference and input builder live on the scoring server;
editing this copy changes nothing except your own understanding.
"""

import jax, jax.numpy as jnp
import numpy as np


def setup_inputs(seed: int = 0) -> dict:
    key = jax.random.key(seed)
    k1, k2 = jax.random.split(key)
    inputs = jax.random.normal(k1, (16, 1, 512, 512), dtype=jnp.float32)
    targets = jax.random.randint(k2, (16, 1, 512, 512), 0, 2).astype(jnp.int32)
    return {"inputs": inputs, "targets": targets}


def _lovasz_grad(gt_sorted):
    # gt_sorted: float32 [P] of 0/1 sorted by descending error
    gts = gt_sorted.sum()
    intersection = gts - jnp.cumsum(gt_sorted, axis=0)
    union = gts + jnp.cumsum(1.0 - gt_sorted, axis=0)
    jaccard = 1.0 - intersection / union
    # jaccard[1:p] = jaccard[1:p] - jaccard[0:-1]
    jaccard = jnp.concatenate([jaccard[:1], jaccard[1:] - jaccard[:-1]], axis=0)
    return jaccard


def _lovasz_hinge_flat(logits, labels):
    signs = 2.0 * labels - 1.0
    errors = 1.0 - logits * signs
    perm = jnp.argsort(-errors)  # descending sort of errors
    errors_sorted = errors[perm]
    gt_sorted = labels[perm]
    grad = _lovasz_grad(gt_sorted)
    loss = jnp.dot(jax.nn.relu(errors_sorted), grad)
    return loss


def reference(inputs, targets):
    # smp.losses.LovaszLoss(mode='binary', per_image=False):
    # flatten all scores and labels, single global lovasz hinge
    logits = inputs.reshape(-1)
    labels = targets.reshape(-1).astype(jnp.float32)
    return _lovasz_hinge_flat(logits, labels)

if __name__ == "__main__":
    import jax
    _d = setup_inputs()
    print(jax.jit(kernel)(*tuple(_d.values())))

</pallas_src>

<mosaic_0001>
#map = affine_map<(d0, d1) -> (0, 0)>
#map1 = affine_map<(d0, d1) -> (0)>
module attributes {stable_mosaic.version = 14 : i64} {
  func.func @_sc_hist_body(%arg0: i32, %arg1: i32, %arg2: memref<8192x512xf32, #tpu.memory_space<hbm>>, %arg3: memref<8192x512xi32, #tpu.memory_space<hbm>>, %arg4: memref<524288xi32, #tpu.memory_space<hbm>>, %arg5: memref<32x512xf32, #tpu.memory_space<vmem>>, %arg6: memref<32x512xi32, #tpu.memory_space<vmem>>, %arg7: memref<32x512xf32, #tpu.memory_space<vmem>>, %arg8: memref<32x512xi32, #tpu.memory_space<vmem>>, %arg9: memref<32x512xf32, #tpu.memory_space<vmem>>, %arg10: memref<32x512xi32, #tpu.memory_space<vmem>>, %arg11: memref<16384xi32, #tpu.memory_space<vmem>>, %arg12: memref<!tpu.dma_semaphore, #tpu.memory_space<semaphore_mem>>, %arg13: memref<!tpu.dma_semaphore, #tpu.memory_space<semaphore_mem>>, %arg14: memref<!tpu.dma_semaphore, #tpu.memory_space<semaphore_mem>>, %arg15: memref<!tpu.dma_semaphore, #tpu.memory_space<semaphore_mem>>, %arg16: memref<!tpu.dma_semaphore, #tpu.memory_space<semaphore_mem>>, %arg17: memref<!tpu.dma_semaphore, #tpu.memory_space<semaphore_mem>>) attributes {dimension_semantics = [#tpu.dimension_semantics<core_parallel>, #tpu.dimension_semantics<subcore_parallel>], iteration_bounds = array<i64: 2, 16>, scalar_prefetch = 0 : i64, scratch_operands = 13 : i64, tpu.core_type = #tpu.core_type<sc_vector_subcore>, window_params = [{transform_indices = #map}, {transform_indices = #map}, {transform_indices = #map1}]} {
    %mul3A = arith.constant 2 : i32
    %mul3A_0 = arith.muli %arg1, %mul3A : i32
    %add3A = arith.addi %mul3A_0, %arg0 : i32
    %mul3A_1 = arith.constant 256 : i32
    %mul3A_2 = arith.muli %add3A, %mul3A_1 : i32
    %add3A_3 = arith.constant 0 : i32
    %add3A_4 = arith.addi %mul3A_2, %add3A_3 : i32
    %dma_start3A = arith.constant 0 : i32
    %dma_start3A_5 = tpu.memref_slice %arg2[%add3A_4, %dma_start3A] : memref<8192x512xf32, #tpu.memory_space<hbm>> -> memref<32x512xf32, #tpu.memory_space<hbm>>
    %dma_start3A_6 = arith.constant 0 : i32
    %dma_start3A_7 = tpu.memref_slice %arg2[%add3A_4, %dma_start3A_6] : memref<8192x512xf32, #tpu.memory_space<hbm>> -> memref<32x512xf32, #tpu.memory_space<hbm>>
    tpu.enqueue_dma source(%dma_start3A_7 : memref<32x512xf32, #tpu.memory_space<hbm>>) target(%arg5 : memref<32x512xf32, #tpu.memory_space<vmem>>) target_semaphore(%arg12 : memref<!tpu.dma_semaphore, #tpu.memory_space<semaphore_mem>>)
    %dma_start3A_8 = arith.constant 0 : i32
    %dma_start3A_9 = tpu.memref_slice %arg3[%add3A_4, %dma_start3A_8] : memref<8192x512xi32, #tpu.memory_space<hbm>> -> memref<32x512xi32, #tpu.memory_space<hbm>>
    %dma_start3A_10 = arith.constant 0 : i32
    %dma_start3A_11 = tpu.memref_slice %arg3[%add3A_4, %dma_start3A_10] : memref<8192x512xi32, #tpu.memory_space<hbm>> -> memref<32x512xi32, #tpu.memory_space<hbm>>
    tpu.enqueue_dma source(%dma_start3A_11 : memref<32x512xi32, #tpu.memory_space<hbm>>) target(%arg6 : memref<32x512xi32, #tpu.memory_space<vmem>>) target_semaphore(%arg13 : memref<!tpu.dma_semaphore, #tpu.memory_space<semaphore_mem>>)
    %add3A_12 = arith.constant 32 : i32
    %add3A_13 = arith.addi %mul3A_2, %add3A_12 : i32
    %dma_start3A_14 = arith.constant 0 : i32
    %dma_start3A_15 = tpu.memref_slice %arg2[%add3A_13, %dma_start3A_14] : memref<8192x512xf32, #tpu.memory_space<hbm>> -> memref<32x512xf32, #tpu.memory_space<hbm>>
    %dma_start3A_16 = arith.constant 0 : i32
    %dma_start3A_17 = tpu.memref_slice %arg2[%add3A_13, %dma_start3A_16] : memref<8192x512xf32, #tpu.memory_space<hbm>> -> memref<32x512xf32, #tpu.memory_space<hbm>>
    tpu.enqueue_dma source(%dma_start3A_17 : memref<32x512xf32, #tpu.memory_space<hbm>>) target(%arg7 : memref<32x512xf32, #tpu.memory_space<vmem>>) target_semaphore(%arg14 : memref<!tpu.dma_semaphore, #tpu.memory_space<semaphore_mem>>)
    %dma_start3A_18 = arith.constant 0 : i32
    %dma_start3A_19 = tpu.memref_slice %arg3[%add3A_13, %dma_start3A_18] : memref<8192x512xi32, #tpu.memory_space<hbm>> -> memref<32x512xi32, #tpu.memory_space<hbm>>
    %dma_start3A_20 = arith.constant 0 : i32
    %dma_start3A_21 = tpu.memref_slice %arg3[%add3A_13, %dma_start3A_20] : memref<8192x512xi32, #tpu.memory_space<hbm>> -> memref<32x512xi32, #tpu.memory_space<hbm>>
    tpu.enqueue_dma source(%dma_start3A_21 : memref<32x512xi32, #tpu.memory_space<hbm>>) target(%arg8 : memref<32x512xi32, #tpu.memory_space<vmem>>) target_semaphore(%arg15 : memref<!tpu.dma_semaphore, #tpu.memory_space<semaphore_mem>>)
    %broadcast_in_dim3A = arith.constant 0 : i32
    %broadcast_in_dim3A_22 = vector.broadcast %broadcast_in_dim3A : i32 to vector<16xi32>
    %scan3A = arith.constant 0 : i32
    %scan3A_23 = arith.constant 0 : i32
    %scan3A_24 = arith.constant 128 : i32
    %scan3A_25 = arith.addi %scan3A_23, %scan3A_24 : i32
    %scan3A_26 = arith.constant 1 : i32
    %scan3A_27 = scf.for %scan3A_197 = %scan3A_23 to %scan3A_25 step %scan3A_26 iter_args(%scan3A_198 = %scan3A) -> (i32)  : i32 {
      %mul3A_199 = arith.constant 8 : i32
      %mul3A_200 = arith.muli %scan3A_197, %mul3A_199 : i32
      %add3A_201 = arith.constant 0 : i32
      %add3A_202 = arith.addi %mul3A_200, %add3A_201 : i32
      %mul3A_203 = arith.constant 16 : i32
      %mul3A_204 = arith.muli %add3A_202, %mul3A_203 : i32
      %swap3A = arith.index_cast %mul3A_204 : i32 to index
      %swap3A_205 = tpu.vector_load %arg11[%swap3A] {strides = array<i32>} : memref<16384xi32, #tpu.memory_space<vmem>>, vector<16xi32>,
      tpu.vector_store %arg11[%swap3A], %broadcast_in_dim3A_22 {strides = array<i32>} : memref<16384xi32, #tpu.memory_space<vmem>>, vector<16xi32>,
      %mul3A_206 = arith.constant 8 : i32
      %mul3A_207 = arith.muli %scan3A_197, %mul3A_206 : i32
      %add3A_208 = arith.constant 1 : i32
      %add3A_209 = arith.addi %mul3A_207, %add3A_208 : i32
      %mul3A_210 = arith.constant 16 : i32
      %mul3A_211 = arith.muli %add3A_209, %mul3A_210 : i32
      %swap3A_212 = arith.index_cast %mul3A_211 : i32 to index
      %swap3A_213 = tpu.vector_load %arg11[%swap3A_212] {strides = array<i32>} : memref<16384xi32, #tpu.memory_space<vmem>>, vector<16xi32>,
      tpu.vector_store %arg11[%swap3A_212], %broadcast_in_dim3A_22 {strides = array<i32>} : memref<16384xi32, #tpu.memory_space<vmem>>, vector<16xi32>,
      %mul3A_214 = arith.constant 8 : i32
      %mul3A_215 = arith.muli %scan3A_197, %mul3A_214 : i32
      %add3A_216 = arith.constant 2 : i32
      %add3A_217 = arith.addi %mul3A_215, %add3A_216 : i32
      %mul3A_218 = arith.constant 16 : i32
      %mul3A_219 = arith.muli %add3A_217, %mul3A_218 : i32
      %swap3A_220 = arith.index_cast %mul3A_219 : i32 to index
      %swap3A_221 = tpu.vector_load %arg11[%swap3A_220] {strides = array<i32>} : memref<16384xi32, #tpu.memory_space<vmem>>, vector<16xi32>,
      tpu.vector_store %arg11[%swap3A_220], %broadcast_in_dim3A_22 {strides = array<i32>} : memref<16384xi32, #tpu.memory_space<vmem>>, vector<16xi32>,
      %mul3A_222 = arith.constant 8 : i32
      %mul3A_223 = arith.muli %scan3A_197, %mul3A_222 : i32
      %add3A_224 = arith.constant 3 : i32
      %add3A_225 = arith.addi %mul3A_223, %add3A_224 : i32
      %mul3A_226 = arith.constant 16 : i32
      %mul3A_227 = arith.muli %add3A_225, %mul3A_226 : i32
      %swap3A_228 = arith.index_cast %mul3A_227 : i32 to index
      %swap3A_229 = tpu.vector_load %arg11[%swap3A_228] {strides = array<i32>} : memref<16384xi32, #tpu.memory_space<vmem>>, vector<16xi32>,
      tpu.vector_store %arg11[%swap3A_228], %broadcast_in_dim3A_22 {strides = array<i32>} : memref<16384xi32, #tpu.memory_space<vmem>>, vector<16xi32>,
      %mul3A_230 = arith.constant 8 : i32
      %mul3A_231 = arith.muli %scan3A_197, %mul3A_230 : i32
      %add3A_232 = arith.constant 4 : i32
      %add3A_233 = arith.addi %mul3A_231, %add3A_232 : i32
      %mul3A_234 = arith.constant 16 : i32
      %mul3A_235 = arith.muli %add3A_233, %mul3A_234 : i32
      %swap3A_236 = arith.index_cast %mul3A_235 : i32 to index
      %swap3A_237 = tpu.vector_load %arg11[%swap3A_236] {strides = array<i32>} : memref<16384xi32, #tpu.memory_space<vmem>>, vector<16xi32>,
      tpu.vector_store %arg11[%swap3A_236], %broadcast_in_dim3A_22 {strides = array<i32>} : memref<16384xi32, #tpu.memory_space<vmem>>, vector<16xi32>,
      %mul3A_238 = arith.constant 8 : i32
      %mul3A_239 = arith.muli %scan3A_197, %mul3A_238 : i32
      %add3A_240 = arith.constant 5 : i32
      %add3A_241 = arith.addi %mul3A_239, %add3A_240 : i32
      %mul3A_242 = arith.constant 16 : i32
      %mul3A_243 = arith.muli %add3A_241, %mul3A_242 : i32
      %swap3A_244 = arith.index_cast %mul3A_243 : i32 to index
      %swap3A_245 = tpu.vector_load %arg11[%swap3A_244] {strides = array<i32>} : memref<16384xi32, #tpu.memory_space<vmem>>, vector<16xi32>,
      tpu.vector_store %arg11[%swap3A_244], %broadcast_in_dim3A_22 {strides = array<i32>} : memref<16384xi32, #tpu.memory_space<vmem>>, vector<16xi32>,
      %mul3A_246 = arith.constant 8 : i32
      %mul3A_247 = arith.muli %scan3A_197, %mul3A_246 : i32
      %add3A_248 = arith.constant 6 : i32
      %add3A_249 = arith.addi %mul3A_247, %add3A_248 : i32
      %mul3A_250 = arith.constant 16 : i32
      %mul3A_251 = arith.muli %add3A_249, %mul3A_250 : i32
      %swap3A_252 = arith.index_cast %mul3A_251 : i32 to index
      %swap3A_253 = tpu.vector_load %arg11[%swap3A_252] {strides = array<i32>} : memref<16384xi32, #tpu.memory_space<vmem>>, vector<16xi32>,
      tpu.vector_store %arg11[%swap3A_252], %broadcast_in_dim3A_22 {strides = array<i32>} : memref<16384xi32, #tpu.memory_space<vmem>>, vector<16xi32>,
      %mul3A_254 = arith.constant 8 : i32
      %mul3A_255 = arith.muli %scan3A_197, %mul3A_254 : i32
      %add3A_256 = arith.constant 7 : i32
      %add3A_257 = arith.addi %mul3A_255, %add3A_256 : i32
      %mul3A_258 = arith.constant 16 : i32
      %mul3A_259 = arith.muli %add3A_257, %mul3A_258 : i32
      %swap3A_260 = arith.index_cast %mul3A_259 : i32 to index
      %swap3A_261 = tpu.vector_load %arg11[%swap3A_260] {strides = array<i32>} : memref<16384xi32, #tpu.memory_space<vmem>>, vector<16xi32>,
      tpu.vector_store %arg11[%swap3A_260], %broadcast_in_dim3A_22 {strides = array<i32>} : memref<16384xi32, #tpu.memory_space<vmem>>, vector<16xi32>,
      %scan3A_262 = arith.constant 0 : i32
      scf.yield %scan3A_262 : i32
    }
    %scan3A_28 = arith.constant 128 : i32
    %broadcast_in_dim3A_29 = arith.constant 1 : i32
    %broadcast_in_dim3A_30 = vector.broadcast %broadcast_in_dim3A_29 : i32 to vector<16xi32>
    %add3A_31 = arith.constant 0 : i32
    %add3A_32 = arith.addi %mul3A_2, %add3A_31 : i32
    %dma_wait3A = arith.constant 0 : i32
    %dma_wait3A_33 = tpu.memref_slice %arg2[%add3A_32, %dma_wait3A] : memref<8192x512xf32, #tpu.memory_space<hbm>> -> memref<32x512xf32, #tpu.memory_space<hbm>>
    %dma_wait3A_34 = arith.constant 0 : i32
    %dma_wait3A_35 = tpu.memref_slice %arg2[%add3A_32, %dma_wait3A_34] : memref<8192x512xf32, #tpu.memory_space<hbm>> -> memref<32x512xf32, #tpu.memory_space<hbm>>
    tpu.wait_dma2 semaphore(%arg12 : memref<!tpu.dma_semaphore, #tpu.memory_space<semaphore_mem>>) src(%dma_wait3A_35 : memref<32x512xf32, #tpu.memory_space<hbm>>) dst(%arg5 : memref<32x512xf32, #tpu.memory_space<vmem>>)
    %dma_wait3A_36 = arith.constant 0 : i32
    %dma_wait3A_37 = tpu.memref_slice %arg3[%add3A_32, %dma_wait3A_36] : memref<8192x512xi32, #tpu.memory_space<hbm>> -> memref<32x512xi32, #tpu.memory_space<hbm>>
    %dma_wait3A_38 = arith.constant 0 : i32
    %dma_wait3A_39 = tpu.memref_slice %arg3[%add3A_32, %dma_wait3A_38] : memref<8192x512xi32, #tpu.memory_space<hbm>> -> memref<32x512xi32, #tpu.memory_space<hbm>>
    tpu.wait_dma2 semaphore(%arg13 : memref<!tpu.dma_semaphore, #tpu.memory_space<semaphore_mem>>) src(%dma_wait3A_39 : memref<32x512xi32, #tpu.memory_space<hbm>>) dst(%arg6 : memref<32x512xi32, #tpu.memory_space<vmem>>)
    %add3A_40 = arith.constant 64 : i32
    %add3A_41 = arith.addi %mul3A_2, %add3A_40 : i32
    %dma_start3A_42 = arith.constant 0 : i32
    %dma_start3A_43 = tpu.memref_slice %arg2[%add3A_41, %dma_start3A_42] : memref<8192x512xf32, #tpu.memory_space<hbm>> -> memref<32x512xf32, #tpu.memory_space<hbm>>
    %dma_start3A_44 = arith.constant 0 : i32
    %dma_start3A_45 = tpu.memref_slice %arg2[%add3A_41, %dma_start3A_44] : memref<8192x512xf32, #tpu.memory_space<hbm>> -> memref<32x512xf32, #tpu.memory_space<hbm>>
    tpu.enqueue_dma source(%dma_start3A_45 : memref<32x512xf32, #tpu.memory_space<hbm>>) target(%arg9 : memref<32x512xf32, #tpu.memory_space<vmem>>) target_semaphore(%arg16 : memref<!tpu.dma_semaphore, #tpu.memory_space<semaphore_mem>>)
    %dma_start3A_46 = arith.constant 0 : i32
    %dma_start3A_47 = tpu.memref_slice %arg3[%add3A_41, %dma_start3A_46] : memref<8192x512xi32, #tpu.memory_space<hbm>> -> memref<32x512xi32, #tpu.memory_space<hbm>>
    %dma_start3A_48 = arith.constant 0 : i32
    %dma_start3A_49 = tpu.memref_slice %arg3[%add3A_41, %dma_start3A_48] : memref<8192x512xi32, #tpu.memory_space<hbm>> -> memref<32x512xi32, #tpu.memory_space<hbm>>
    tpu.enqueue_dma source(%dma_start3A_49 : memref<32x512xi32, #tpu.memory_space<hbm>>) target(%arg10 : memref<32x512xi32, #tpu.memory_space<vmem>>) target_semaphore(%arg17 : memref<!tpu.dma_semaphore, #tpu.memory_space<semaphore_mem>>)
    %parallel_loop3A = arith.constant 0 : i32
    %parallel_loop3A_50 = arith.constant 1024 : i32
    %parallel_loop3A_51 = arith.constant 1 : i32
    scf.for %parallel_loop3A_197 = %parallel_loop3A to %parallel_loop3A_50 step %parallel_loop3A_51  : i32 {
      %parallel_loop3A_198 = arith.constant 5 : i32
      %parallel_loop3A_199 = arith.shrsi %parallel_loop3A_197, %parallel_loop3A_198 : i32
      %parallel_loop3A_200 = arith.constant 31 : i32
      %parallel_loop3A_201 = arith.andi %parallel_loop3A_197, %parallel_loop3A_200 : i32
      %parallel_loop3A_202 = arith.constant 16 : i32
      %parallel_loop3A_203 = arith.muli %parallel_loop3A_201, %parallel_loop3A_202 : i32
      %parallel_loop3A_204 = arith.index_cast %parallel_loop3A_199 : i32 to index
      %parallel_loop3A_205 = arith.index_cast %parallel_loop3A_203 : i32 to index
      %parallel_loop3A_206 = tpu.vector_load %arg5[%parallel_loop3A_204, %parallel_loop3A_205] {strides = array<i32>} : memref<32x512xf32, #tpu.memory_space<vmem>>, vector<16xf32>,
      %parallel_loop3A_207 = arith.index_cast %parallel_loop3A_199 : i32 to index
      %parallel_loop3A_208 = arith.index_cast %parallel_loop3A_203 : i32 to index
      %parallel_loop3A_209 = tpu.vector_load %arg6[%parallel_loop3A_207, %parallel_loop3A_208] {strides = array<i32>} : memref<32x512xi32, #tpu.memory_space<vmem>>, vector<16xi32>,
      %parallel_loop3A_210 = arith.constant 1 : i32
      %parallel_loop3A_211 = vector.broadcast %parallel_loop3A_210 : i32 to vector<16xi32>
      %parallel_loop3A_212 = arith.cmpi sge, %parallel_loop3A_209, %parallel_loop3A_211 : vector<16xi32>
      %parallel_loop3A_213 = arith.constant 292.571442 : f32
      %parallel_loop3A_214 = arith.constant -292.571442 : f32
      %parallel_loop3A_215 = vector.broadcast %parallel_loop3A_213 : f32 to vector<16xf32>
      %parallel_loop3A_216 = vector.broadcast %parallel_loop3A_214 : f32 to vector<16xf32>
      %parallel_loop3A_217 = arith.select %parallel_loop3A_212, %parallel_loop3A_215, %parallel_loop3A_216 : vector<16xi1>, vector<16xf32>
      %parallel_loop3A_218 = arith.mulf %parallel_loop3A_206, %parallel_loop3A_217 : vector<16xf32>
      %parallel_loop3A_219 = arith.constant 4.096000e+03 : f32
      %parallel_loop3A_220 = vector.broadcast %parallel_loop3A_219 : f32 to vector<16xf32>
      %parallel_loop3A_221 = arith.addf %parallel_loop3A_218, %parallel_loop3A_220 : vector<16xf32>
      %parallel_loop3A_222 = arith.constant 0.000000e+00 : f32
      %parallel_loop3A_223 = vector.broadcast %parallel_loop3A_222 : f32 to vector<16xf32>
      %parallel_loop3A_224 = arith.maximumf %parallel_loop3A_221, %parallel_loop3A_223 : vector<16xf32>
      %parallel_loop3A_225 = arith.constant 8.191000e+03 : f32
      %parallel_loop3A_226 = vector.broadcast %parallel_loop3A_225 : f32 to vector<16xf32>
      %parallel_loop3A_227 = arith.minimumf %parallel_loop3A_224, %parallel_loop3A_226 : vector<16xf32>
      %parallel_loop3A_228 = arith.fptosi %parallel_loop3A_227 : vector<16xf32> to vector<16xi32>
      %parallel_loop3A_229 = arith.constant 8192 : i32
      %parallel_loop3A_230 = vector.broadcast %parallel_loop3A_229 : i32 to vector<16xi32>
      %parallel_loop3A_231 = arith.muli %parallel_loop3A_209, %parallel_loop3A_230 : vector<16xi32>
      %parallel_loop3A_232 = arith.addi %parallel_loop3A_228, %parallel_loop3A_231 : vector<16xi32>
      tpu.vector_store_idx %arg11[%parallel_loop3A_232], %broadcast_in_dim3A_30 {add = true} : memref<16384xi32, #tpu.memory_space<vmem>>[vector<16xi32>], vector<16xi32>,
    } {sc.loop_unroll_factor = 8 : i64, sc.parallel_access}
    %add3A_52 = arith.constant 32 : i32
    %add3A_53 = arith.addi %mul3A_2, %add3A_52 : i32
    %dma_wait3A_54 = arith.constant 0 : i32
    %dma_wait3A_55 = tpu.memref_slice %arg2[%add3A_53, %dma_wait3A_54] : memref<8192x512xf32, #tpu.memory_space<hbm>> -> memref<32x512xf32, #tpu.memory_space<hbm>>
    %dma_wait3A_56 = arith.constant 0 : i32
    %dma_wait3A_57 = tpu.memref_slice %arg2[%add3A_53, %dma_wait3A_56] : memref<8192x512xf32, #tpu.memory_space<hbm>> -> memref<32x512xf32, #tpu.memory_space<hbm>>
    tpu.wait_dma2 semaphore(%arg14 : memref<!tpu.dma_semaphore, #tpu.memory_space<semaphore_mem>>) src(%dma_wait3A_57 : memref<32x512xf32, #tpu.memory_space<hbm>>) dst(%arg7 : memref<32x512xf32, #tpu.memory_space<vmem>>)
    %dma_wait3A_58 = arith.constant 0 : i32
    %dma_wait3A_59 = tpu.memref_slice %arg3[%add3A_53, %dma_wait3A_58] : memref<8192x512xi32, #tpu.memory_space<hbm>> -> memref<32x512xi32, #tpu.memory_space<hbm>>
    %dma_wait3A_60 = arith.constant 0 : i32
    %dma_wait3A_61 = tpu.memref_slice %arg3[%add3A_53, %dma_wait3A_60] : memref<8192x512xi32, #tpu.memory_space<hbm>> -> memref<32x512xi32, #tpu.memory_space<hbm>>
    tpu.wait_dma2 semaphore(%arg15 : memref<!tpu.dma_semaphore, #tpu.memory_space<semaphore_mem>>) src(%dma_wait3A_61 : memref<32x512xi32, #tpu.memory_space<hbm>>) dst(%arg8 : memref<32x512xi32, #tpu.memory_space<vmem>>)
    %add3A_62 = arith.constant 96 : i32
    %add3A_63 = arith.addi %mul3A_2, %add3A_62 : i32
    %dma_start3A_64 = arith.constant 0 : i32
    %dma_start3A_65 = tpu.memref_slice %arg2[%add3A_63, %dma_start3A_64] : memref<8192x512xf32, #tpu.memory_space<hbm>> -> memref<32x512xf32, #tpu.memory_space<hbm>>
    %dma_start3A_66 = arith.constant 0 : i32
    %dma_start3A_67 = tpu.memref_slice %arg2[%add3A_63, %dma_start3A_66] : memref<8192x512xf32, #tpu.memory_space<hbm>> -> memref<32x512xf32, #tpu.memory_space<hbm>>
    tpu.enqueue_dma source(%dma_start3A_67 : memref<32x512xf32, #tpu.memory_space<hbm>>) target(%arg5 : memref<32x512xf32, #tpu.memory_space<vmem>>) target_semaphore(%arg12 : memref<!tpu.dma_semaphore, #tpu.memory_space<semaphore_mem>>)
    %dma_start3A_68 = arith.constant 0 : i32
    %dma_start3A_69 = tpu.memref_slice %arg3[%add3A_63, %dma_start3A_68] : memref<8192x512xi32, #tpu.memory_space<hbm>> -> memref<32x512xi32, #tpu.memory_space<hbm>>
    %dma_start3A_70 = arith.constant 0 : i32
    %dma_start3A_71 = tpu.memref_slice %arg3[%add3A_63, %dma_start3A_70] : memref<8192x512xi32, #tpu.memory_space<hbm>> -> memref<32x512xi32, #tpu.memory_space<hbm>>
    tpu.enqueue_dma source(%dma_start3A_71 : memref<32x512xi32, #tpu.memory_space<hbm>>) target(%arg6 : memref<32x512xi32, #tpu.memory_space<vmem>>) target_semaphore(%arg13 : memref<!tpu.dma_semaphore, #tpu.memory_space<semaphore_mem>>)
    %parallel_loop3A_72 = arith.constant 0 : i32
    %parallel_loop3A_73 = arith.constant 1024 : i32
    %parallel_loop3A_74 = arith.constant 1 : i32
    scf.for %parallel_loop3A_197 = %parallel_loop3A_72 to %parallel_loop3A_73 step %parallel_loop3A_74  : i32 {
      %parallel_loop3A_198 = arith.constant 5 : i32
      %parallel_loop3A_199 = arith.shrsi %parallel_loop3A_197, %parallel_loop3A_198 : i32
      %parallel_loop3A_200 = arith.constant 31 : i32
      %parallel_loop3A_201 = arith.andi %parallel_loop3A_197, %parallel_loop3A_200 : i32
      %parallel_loop3A_202 = arith.constant 16 : i32
      %parallel_loop3A_203 = arith.muli %parallel_loop3A_201, %parallel_loop3A_202 : i32
      %parallel_loop3A_204 = arith.index_cast %parallel_loop3A_199 : i32 to index
      %parallel_loop3A_205 = arith.index_cast %parallel_loop3A_203 : i32 to index
      %parallel_loop3A_206 = tpu.vector_load %arg7[%parallel_loop3A_204, %parallel_loop3A_205] {strides = array<i32>} : memref<32x512xf32, #tpu.memory_space<vmem>>, vector<16xf32>,
      %parallel_loop3A_207 = arith.index_cast %parallel_loop3A_199 : i32 to index
      %parallel_loop3A_208 = arith.index_cast %parallel_loop3A_203 : i32 to index
      %parallel_loop3A_209 = tpu.vector_load %arg8[%parallel_loop3A_207, %parallel_loop3A_208] {strides = array<i32>} : memref<32x512xi32, #tpu.memory_space<vmem>>, vector<16xi32>,
      %parallel_loop3A_210 = arith.constant 1 : i32
      %parallel_loop3A_211 = vector.broadcast %parallel_loop3A_210 : i32 to vector<16xi32>
      %parallel_loop3A_212 = arith.cmpi sge, %parallel_loop3A_209, %parallel_loop3A_211 : vector<16xi32>
      %parallel_loop3A_213 = arith.constant 292.571442 : f32
      %parallel_loop3A_214 = arith.constant -292.571442 : f32
      %parallel_loop3A_215 = vector.broadcast %parallel_loop3A_213 : f32 to vector<16xf32>
      %parallel_loop3A_216 = vector.broadcast %parallel_loop3A_214 : f32 to vector<16xf32>
      %parallel_loop3A_217 = arith.select %parallel_loop3A_212, %parallel_loop3A_215, %parallel_loop3A_216 : vector<16xi1>, vector<16xf32>
      %parallel_loop3A_218 = arith.mulf %parallel_loop3A_206, %parallel_loop3A_217 : vector<16xf32>
      %parallel_loop3A_219 = arith.constant 4.096000e+03 : f32
      %parallel_loop3A_220 = vector.broadcast %parallel_loop3A_219 : f32 to vector<16xf32>
      %parallel_loop3A_221 = arith.addf %parallel_loop3A_218, %parallel_loop3A_220 : vector<16xf32>
      %parallel_loop3A_222 = arith.constant 0.000000e+00 : f32
      %parallel_loop3A_223 = vector.broadcast %parallel_loop3A_222 : f32 to vector<16xf32>
      %parallel_loop3A_224 = arith.maximumf %parallel_loop3A_221, %parallel_loop3A_223 : vector<16xf32>
      %parallel_loop3A_225 = arith.constant 8.191000e+03 : f32
      %parallel_loop3A_226 = vector.broadcast %parallel_loop3A_225 : f32 to vector<16xf32>
      %parallel_loop3A_227 = arith.minimumf %parallel_loop3A_224, %parallel_loop3A_226 : vector<16xf32>
      %parallel_loop3A_228 = arith.fptosi %parallel_loop3A_227 : vector<16xf32> to vector<16xi32>
      %parallel_loop3A_229 = arith.constant 8192 : i32
      %parallel_loop3A_230 = vector.broadcast %parallel_loop3A_229 : i32 to vector<16xi32>
      %parallel_loop3A_231 = arith.muli %parallel_loop3A_209, %parallel_loop3A_230 : vector<16xi32>
      %parallel_loop3A_232 = arith.addi %parallel_loop3A_228, %parallel_loop3A_231 : vector<16xi32>
      tpu.vector_store_idx %arg11[%parallel_loop3A_232], %broadcast_in_dim3A_30 {add = true} : memref<16384xi32, #tpu.memory_space<vmem>>[vector<16xi32>], vector<16xi32>,
    } {sc.loop_unroll_factor = 8 : i64, sc.parallel_access}
    %add3A_75 = arith.constant 64 : i32
    %add3A_76 = arith.addi %mul3A_2, %add3A_75 : i32
    %dma_wait3A_77 = arith.constant 0 : i32
    %dma_wait3A_78 = tpu.memref_slice %arg2[%add3A_76, %dma_wait3A_77] : memref<8192x512xf32, #tpu.memory_space<hbm>> -> memref<32x512xf32, #tpu.memory_space<hbm>>
    %dma_wait3A_79 = arith.constant 0 : i32
    %dma_wait3A_80 = tpu.memref_slice %arg2[%add3A_76, %dma_wait3A_79] : memref<8192x512xf32, #tpu.memory_space<hbm>> -> memref<32x512xf32, #tpu.memory_space<hbm>>
    tpu.wait_dma2 semaphore(%arg16 : memref<!tpu.dma_semaphore, #tpu.memory_space<semaphore_mem>>) src(%dma_wait3A_80 : memref<32x512xf32, #tpu.memory_space<hbm>>) dst(%arg9 : memref<32x512xf32, #tpu.memory_space<vmem>>)
    %dma_wait3A_81 = arith.constant 0 : i32
    %dma_wait3A_82 = tpu.memref_slice %arg3[%add3A_76, %dma_wait3A_81] : memref<8192x512xi32, #tpu.memory_space<hbm>> -> memref<32x512xi32, #tpu.memory_space<hbm>>
    %dma_wait3A_83 = arith.constant 0 : i32
    %dma_wait3A_84 = tpu.memref_slice %arg3[%add3A_76, %dma_wait3A_83] : memref<8192x512xi32, #tpu.memory_space<hbm>> -> memref<32x512xi32, #tpu.memory_space<hbm>>
    tpu.wait_dma2 semaphore(%arg17 : memref<!tpu.dma_semaphore, #tpu.memory_space<semaphore_mem>>) src(%dma_wait3A_84 : memref<32x512xi32, #tpu.memory_space<hbm>>) dst(%arg10 : memref<32x512xi32, #tpu.memory_space<vmem>>)
    %add3A_85 = arith.constant 128 : i32
    %add3A_86 = arith.addi %mul3A_2, %add3A_85 : i32
    %dma_start3A_87 = arith.constant 0 : i32
    %dma_start3A_88 = tpu.memref_slice %arg2[%add3A_86, %dma_start3A_87] : memref<8192x512xf32, #tpu.memory_space<hbm>> -> memref<32x512xf32, #tpu.memory_space<hbm>>
    %dma_start3A_89 = arith.constant 0 : i32
    %dma_start3A_90 = tpu.memref_slice %arg2[%add3A_86, %dma_start3A_89] : memref<8192x512xf32, #tpu.memory_space<hbm>> -> memref<32x512xf32, #tpu.memory_space<hbm>>
    tpu.enqueue_dma source(%dma_start3A_90 : memref<32x512xf32, #tpu.memory_space<hbm>>) target(%arg7 : memref<32x512xf32, #tpu.memory_space<vmem>>) target_semaphore(%arg14 : memref<!tpu.dma_semaphore, #tpu.memory_space<semaphore_mem>>)
    %dma_start3A_91 = arith.constant 0 : i32
    %dma_start3A_92 = tpu.memref_slice %arg3[%add3A_86, %dma_start3A_91] : memref<8192x512xi32, #tpu.memory_space<hbm>> -> memref<32x512xi32, #tpu.memory_space<hbm>>
    %dma_start3A_93 = arith.constant 0 : i32
    %dma_start3A_94 = tpu.memref_slice %arg3[%add3A_86, %dma_start3A_93] : memref<8192x512xi32, #tpu.memory_space<hbm>> -> memref<32x512xi32, #tpu.memory_space<hbm>>
    tpu.enqueue_dma source(%dma_start3A_94 : memref<32x512xi32, #tpu.memory_space<hbm>>) target(%arg8 : memref<32x512xi32, #tpu.memory_space<vmem>>) target_semaphore(%arg15 : memref<!tpu.dma_semaphore, #tpu.memory_space<semaphore_mem>>)
    %parallel_loop3A_95 = arith.constant 0 : i32
    %parallel_loop3A_96 = arith.constant 1024 : i32
    %parallel_loop3A_97 = arith.constant 1 : i32
    scf.for %parallel_loop3A_197 = %parallel_loop3A_95 to %parallel_loop3A_96 step %parallel_loop3A_97  : i32 {
      %parallel_loop3A_198 = arith.constant 5 : i32
      %parallel_loop3A_199 = arith.shrsi %parallel_loop3A_197, %parallel_loop3A_198 : i32
      %parallel_loop3A_200 = arith.constant 31 : i32
      %parallel_loop3A_201 = arith.andi %parallel_loop3A_197, %parallel_loop3A_200 : i32
      %parallel_loop3A_202 = arith.constant 16 : i32
      %parallel_loop3A_203 = arith.muli %parallel_loop3A_201, %parallel_loop3A_202 : i32
      %parallel_loop3A_204 = arith.index_cast %parallel_loop3A_199 : i32 to index
      %parallel_loop3A_205 = arith.index_cast %parallel_loop3A_203 : i32 to index
      %parallel_loop3A_206 = tpu.vector_load %arg9[%parallel_loop3A_204, %parallel_loop3A_205] {strides = array<i32>} : memref<32x512xf32, #tpu.memory_space<vmem>>, vector<16xf32>,
      %parallel_loop3A_207 = arith.index_cast %parallel_loop3A_199 : i32 to index
      %parallel_loop3A_208 = arith.index_cast %parallel_loop3A_203 : i32 to index
      %parallel_loop3A_209 = tpu.vector_load %arg10[%parallel_loop3A_207, %parallel_loop3A_208] {strides = array<i32>} : memref<32x512xi32, #tpu.memory_space<vmem>>, vector<16xi32>,
      %parallel_loop3A_210 = arith.constant 1 : i32
      %parallel_loop3A_211 = vector.broadcast %parallel_loop3A_210 : i32 to vector<16xi32>
      %parallel_loop3A_212 = arith.cmpi sge, %parallel_loop3A_209, %parallel_loop3A_211 : vector<16xi32>
      %parallel_loop3A_213 = arith.constant 292.571442 : f32
      %parallel_loop3A_214 = arith.constant -292.571442 : f32
      %parallel_loop3A_215 = vector.broadcast %parallel_loop3A_213 : f32 to vector<16xf32>
      %parallel_loop3A_216 = vector.broadcast %parallel_loop3A_214 : f32 to vector<16xf32>
      %parallel_loop3A_217 = arith.select %parallel_loop3A_212, %parallel_loop3A_215, %parallel_loop3A_216 : vector<16xi1>, vector<16xf32>
      %parallel_loop3A_218 = arith.mulf %parallel_loop3A_206, %parallel_loop3A_217 : vector<16xf32>
      %parallel_loop3A_219 = arith.constant 4.096000e+03 : f32
      %parallel_loop3A_220 = vector.broadcast %parallel_loop3A_219 : f32 to vector<16xf32>
      %parallel_loop3A_221 = arith.addf %parallel_loop3A_218, %parallel_loop3A_220 : vector<16xf32>
      %parallel_loop3A_222 = arith.constant 0.000000e+00 : f32
      %parallel_loop3A_223 = vector.broadcast %parallel_loop3A_222 : f32 to vector<16xf32>
      %parallel_loop3A_224 = arith.maximumf %parallel_loop3A_221, %parallel_loop3A_223 : vector<16xf32>
      %parallel_loop3A_225 = arith.constant 8.191000e+03 : f32
      %parallel_loop3A_226 = vector.broadcast %parallel_loop3A_225 : f32 to vector<16xf32>
      %parallel_loop3A_227 = arith.minimumf %parallel_loop3A_224, %parallel_loop3A_226 : vector<16xf32>
      %parallel_loop3A_228 = arith.fptosi %parallel_loop3A_227 : vector<16xf32> to vector<16xi32>
      %parallel_loop3A_229 = arith.constant 8192 : i32
      %parallel_loop3A_230 = vector.broadcast %parallel_loop3A_229 : i32 to vector<16xi32>
      %parallel_loop3A_231 = arith.muli %parallel_loop3A_209, %parallel_loop3A_230 : vector<16xi32>
      %parallel_loop3A_232 = arith.addi %parallel_loop3A_228, %parallel_loop3A_231 : vector<16xi32>
      tpu.vector_store_idx %arg11[%parallel_loop3A_232], %broadcast_in_dim3A_30 {add = true} : memref<16384xi32, #tpu.memory_space<vmem>>[vector<16xi32>], vector<16xi32>,
    } {sc.loop_unroll_factor = 8 : i64, sc.parallel_access}
    %add3A_98 = arith.constant 96 : i32
    %add3A_99 = arith.addi %mul3A_2, %add3A_98 : i32
    %dma_wait3A_100 = arith.constant 0 : i32
    %dma_wait3A_101 = tpu.memref_slice %arg2[%add3A_99, %dma_wait3A_100] : memref<8192x512xf32, #tpu.memory_space<hbm>> -> memref<32x512xf32, #tpu.memory_space<hbm>>
    %dma_wait3A_102 = arith.constant 0 : i32
    %dma_wait3A_103 = tpu.memref_slice %arg2[%add3A_99, %dma_wait3A_102] : memref<8192x512xf32, #tpu.memory_space<hbm>> -> memref<32x512xf32, #tpu.memory_space<hbm>>
    tpu.wait_dma2 semaphore(%arg12 : memref<!tpu.dma_semaphore, #tpu.memory_space<semaphore_mem>>) src(%dma_wait3A_103 : memref<32x512xf32, #tpu.memory_space<hbm>>) dst(%arg5 : memref<32x512xf32, #tpu.memory_space<vmem>>)
    %dma_wait3A_104 = arith.constant 0 : i32
    %dma_wait3A_105 = tpu.memref_slice %arg3[%add3A_99, %dma_wait3A_104] : memref<8192x512xi32, #tpu.memory_space<hbm>> -> memref<32x512xi32, #tpu.memory_space<hbm>>
    %dma_wait3A_106 = arith.constant 0 : i32
    %dma_wait3A_107 = tpu.memref_slice %arg3[%add3A_99, %dma_wait3A_106] : memref<8192x512xi32, #tpu.memory_space<hbm>> -> memref<32x512xi32, #tpu.memory_space<hbm>>
    tpu.wait_dma2 semaphore(%arg13 : memref<!tpu.dma_semaphore, #tpu.memory_space<semaphore_mem>>) src(%dma_wait3A_107 : memref<32x512xi32, #tpu.memory_space<hbm>>) dst(%arg6 : memref<32x512xi32, #tpu.memory_space<vmem>>)
    %add3A_108 = arith.constant 160 : i32
    %add3A_109 = arith.addi %mul3A_2, %add3A_108 : i32
    %dma_start3A_110 = arith.constant 0 : i32
    %dma_start3A_111 = tpu.memref_slice %arg2[%add3A_109, %dma_start3A_110] : memref<8192x512xf32, #tpu.memory_space<hbm>> -> memref<32x512xf32, #tpu.memory_space<hbm>>
    %dma_start3A_112 = arith.constant 0 : i32
    %dma_start3A_113 = tpu.memref_slice %arg2[%add3A_109, %dma_start3A_112] : memref<8192x512xf32, #tpu.memory_space<hbm>> -> memref<32x512xf32, #tpu.memory_space<hbm>>
    tpu.enqueue_dma source(%dma_start3A_113 : memref<32x512xf32, #tpu.memory_space<hbm>>) target(%arg9 : memref<32x512xf32, #tpu.memory_space<vmem>>) target_semaphore(%arg16 : memref<!tpu.dma_semaphore, #tpu.memory_space<semaphore_mem>>)
    %dma_start3A_114 = arith.constant 0 : i32
    %dma_start3A_115 = tpu.memref_slice %arg3[%add3A_109, %dma_start3A_114] : memref<8192x512xi32, #tpu.memory_space<hbm>> -> memref<32x512xi32, #tpu.memory_space<hbm>>
    %dma_start3A_116 = arith.constant 0 : i32
    %dma_start3A_117 = tpu.memref_slice %arg3[%add3A_109, %dma_start3A_116] : memref<8192x512xi32, #tpu.memory_space<hbm>> -> memref<32x512xi32, #tpu.memory_space<hbm>>
    tpu.enqueue_dma source(%dma_start3A_117 : memref<32x512xi32, #tpu.memory_space<hbm>>) target(%arg10 : memref<32x512xi32, #tpu.memory_space<vmem>>) target_semaphore(%arg17 : memref<!tpu.dma_semaphore, #tpu.memory_space<semaphore_mem>>)
    %parallel_loop3A_118 = arith.constant 0 : i32
    %parallel_loop3A_119 = arith.constant 1024 : i32
    %parallel_loop3A_120 = arith.constant 1 : i32
    scf.for %parallel_loop3A_197 = %parallel_loop3A_118 to %parallel_loop3A_119 step %parallel_loop3A_120  : i32 {
      %parallel_loop3A_198 = arith.constant 5 : i32
      %parallel_loop3A_199 = arith.shrsi %parallel_loop3A_197, %parallel_loop3A_198 : i32
      %parallel_loop3A_200 = arith.constant 31 : i32
      %parallel_loop3A_201 = arith.andi %parallel_loop3A_197, %parallel_loop3A_200 : i32
      %parallel_loop3A_202 = arith.constant 16 : i32
      %parallel_loop3A_203 = arith.muli %parallel_loop3A_201, %parallel_loop3A_202 : i32
      %parallel_loop3A_204 = arith.index_cast %parallel_loop3A_199 : i32 to index
      %parallel_loop3A_205 = arith.index_cast %parallel_loop3A_203 : i32 to index
      %parallel_loop3A_206 = tpu.vector_load %arg5[%parallel_loop3A_204, %parallel_loop3A_205] {strides = array<i32>} : memref<32x512xf32, #tpu.memory_space<vmem>>, vector<16xf32>,
      %parallel_loop3A_207 = arith.index_cast %parallel_loop3A_199 : i32 to index
      %parallel_loop3A_208 = arith.index_cast %parallel_loop3A_203 : i32 to index
      %parallel_loop3A_209 = tpu.vector_load %arg6[%parallel_loop3A_207, %parallel_loop3A_208] {strides = array<i32>} : memref<32x512xi32, #tpu.memory_space<vmem>>, vector<16xi32>,
      %parallel_loop3A_210 = arith.constant 1 : i32
      %parallel_loop3A_211 = vector.broadcast %parallel_loop3A_210 : i32 to vector<16xi32>
      %parallel_loop3A_212 = arith.cmpi sge, %parallel_loop3A_209, %parallel_loop3A_211 : vector<16xi32>
      %parallel_loop3A_213 = arith.constant 292.571442 : f32
      %parallel_loop3A_214 = arith.constant -292.571442 : f32
      %parallel_loop3A_215 = vector.broadcast %parallel_loop3A_213 : f32 to vector<16xf32>
      %parallel_loop3A_216 = vector.broadcast %parallel_loop3A_214 : f32 to vector<16xf32>
      %parallel_loop3A_217 = arith.select %parallel_loop3A_212, %parallel_loop3A_215, %parallel_loop3A_216 : vector<16xi1>, vector<16xf32>
      %parallel_loop3A_218 = arith.mulf %parallel_loop3A_206, %parallel_loop3A_217 : vector<16xf32>
      %parallel_loop3A_219 = arith.constant 4.096000e+03 : f32
      %parallel_loop3A_220 = vector.broadcast %parallel_loop3A_219 : f32 to vector<16xf32>
      %parallel_loop3A_221 = arith.addf %parallel_loop3A_218, %parallel_loop3A_220 : vector<16xf32>
      %parallel_loop3A_222 = arith.constant 0.000000e+00 : f32
      %parallel_loop3A_223 = vector.broadcast %parallel_loop3A_222 : f32 to vector<16xf32>
      %parallel_loop3A_224 = arith.maximumf %parallel_loop3A_221, %parallel_loop3A_223 : vector<16xf32>
      %parallel_loop3A_225 = arith.constant 8.191000e+03 : f32
      %parallel_loop3A_226 = vector.broadcast %parallel_loop3A_225 : f32 to vector<16xf32>
      %parallel_loop3A_227 = arith.minimumf %parallel_loop3A_224, %parallel_loop3A_226 : vector<16xf32>
      %parallel_loop3A_228 = arith.fptosi %parallel_loop3A_227 : vector<16xf32> to vector<16xi32>
      %parallel_loop3A_229 = arith.constant 8192 : i32
      %parallel_loop3A_230 = vector.broadcast %parallel_loop3A_229 : i32 to vector<16xi32>
      %parallel_loop3A_231 = arith.muli %parallel_loop3A_209, %parallel_loop3A_230 : vector<16xi32>
      %parallel_loop3A_232 = arith.addi %parallel_loop3A_228, %parallel_loop3A_231 : vector<16xi32>
      tpu.vector_store_idx %arg11[%parallel_loop3A_232], %broadcast_in_dim3A_30 {add = true} : memref<16384xi32, #tpu.memory_space<vmem>>[vector<16xi32>], vector<16xi32>,
    } {sc.loop_unroll_factor = 8 : i64, sc.parallel_access}
    %add3A_121 = arith.constant 128 : i32
    %add3A_122 = arith.addi %mul3A_2, %add3A_121 : i32
    %dma_wait3A_123 = arith.constant 0 : i32
    %dma_wait3A_124 = tpu.memref_slice %arg2[%add3A_122, %dma_wait3A_123] : memref<8192x512xf32, #tpu.memory_space<hbm>> -> memref<32x512xf32, #tpu.memory_space<hbm>>
    %dma_wait3A_125 = arith.constant 0 : i32
    %dma_wait3A_126 = tpu.memref_slice %arg2[%add3A_122, %dma_wait3A_125] : memref<8192x512xf32, #tpu.memory_space<hbm>> -> memref<32x512xf32, #tpu.memory_space<hbm>>
    tpu.wait_dma2 semaphore(%arg14 : memref<!tpu.dma_semaphore, #tpu.memory_space<semaphore_mem>>) src(%dma_wait3A_126 : memref<32x512xf32, #tpu.memory_space<hbm>>) dst(%arg7 : memref<32x512xf32, #tpu.memory_space<vmem>>)
    %dma_wait3A_127 = arith.constant 0 : i32
    %dma_wait3A_128 = tpu.memref_slice %arg3[%add3A_122, %dma_wait3A_127] : memref<8192x512xi32, #tpu.memory_space<hbm>> -> memref<32x512xi32, #tpu.memory_space<hbm>>
    %dma_wait3A_129 = arith.constant 0 : i32
    %dma_wait3A_130 = tpu.memref_slice %arg3[%add3A_122, %dma_wait3A_129] : memref<8192x512xi32, #tpu.memory_space<hbm>> -> memref<32x512xi32, #tpu.memory_space<hbm>>
    tpu.wait_dma2 semaphore(%arg15 : memref<!tpu.dma_semaphore, #tpu.memory_space<semaphore_mem>>) src(%dma_wait3A_130 : memref<32x512xi32, #tpu.memory_space<hbm>>) dst(%arg8 : memref<32x512xi32, #tpu.memory_space<vmem>>)
    %add3A_131 = arith.constant 192 : i32
    %add3A_132 = arith.addi %mul3A_2, %add3A_131 : i32
    %dma_start3A_133 = arith.constant 0 : i32
    %dma_start3A_134 = tpu.memref_slice %arg2[%add3A_132, %dma_start3A_133] : memref<8192x512xf32, #tpu.memory_space<hbm>> -> memref<32x512xf32, #tpu.memory_space<hbm>>
    %dma_start3A_135 = arith.constant 0 : i32
    %dma_start3A_136 = tpu.memref_slice %arg2[%add3A_132, %dma_start3A_135] : memref<8192x512xf32, #tpu.memory_space<hbm>> -> memref<32x512xf32, #tpu.memory_space<hbm>>
    tpu.enqueue_dma source(%dma_start3A_136 : memref<32x512xf32, #tpu.memory_space<hbm>>) target(%arg5 : memref<32x512xf32, #tpu.memory_space<vmem>>) target_semaphore(%arg12 : memref<!tpu.dma_semaphore, #tpu.memory_space<semaphore_mem>>)
    %dma_start3A_137 = arith.constant 0 : i32
    %dma_start3A_138 = tpu.memref_slice %arg3[%add3A_132, %dma_start3A_137] : memref<8192x512xi32, #tpu.memory_space<hbm>> -> memref<32x512xi32, #tpu.memory_space<hbm>>
    %dma_start3A_139 = arith.constant 0 : i32
    %dma_start3A_140 = tpu.memref_slice %arg3[%add3A_132, %dma_start3A_139] : memref<8192x512xi32, #tpu.memory_space<hbm>> -> memref<32x512xi32, #tpu.memory_space<hbm>>
    tpu.enqueue_dma source(%dma_start3A_140 : memref<32x512xi32, #tpu.memory_space<hbm>>) target(%arg6 : memref<32x512xi32, #tpu.memory_space<vmem>>) target_semaphore(%arg13 : memref<!tpu.dma_semaphore, #tpu.memory_space<semaphore_mem>>)
    %parallel_loop3A_141 = arith.constant 0 : i32
    %parallel_loop3A_142 = arith.constant 1024 : i32
    %parallel_loop3A_143 = arith.constant 1 : i32
    scf.for %parallel_loop3A_197 = %parallel_loop3A_141 to %parallel_loop3A_142 step %parallel_loop3A_143  : i32 {
      %parallel_loop3A_198 = arith.constant 5 : i32
      %parallel_loop3A_199 = arith.shrsi %parallel_loop3A_197, %parallel_loop3A_198 : i32
      %parallel_loop3A_200 = arith.constant 31 : i32
      %parallel_loop3A_201 = arith.andi %parallel_loop3A_197, %parallel_loop3A_200 : i32
      %parallel_loop3A_202 = arith.constant 16 : i32
      %parallel_loop3A_203 = arith.muli %parallel_loop3A_201, %parallel_loop3A_202 : i32
      %parallel_loop3A_204 = arith.index_cast %parallel_loop3A_199 : i32 to index
      %parallel_loop3A_205 = arith.index_cast %parallel_loop3A_203 : i32 to index
      %parallel_loop3A_206 = tpu.vector_load %arg7[%parallel_loop3A_204, %parallel_loop3A_205] {strides = array<i32>} : memref<32x512xf32, #tpu.memory_space<vmem>>, vector<16xf32>,
      %parallel_loop3A_207 = arith.index_cast %parallel_loop3A_199 : i32 to index
      %parallel_loop3A_208 = arith.index_cast %parallel_loop3A_203 : i32 to index
      %parallel_loop3A_209 = tpu.vector_load %arg8[%parallel_loop3A_207, %parallel_loop3A_208] {strides = array<i32>} : memref<32x512xi32, #tpu.memory_space<vmem>>, vector<16xi32>,
      %parallel_loop3A_210 = arith.constant 1 : i32
      %parallel_loop3A_211 = vector.broadcast %parallel_loop3A_210 : i32 to vector<16xi32>
      %parallel_loop3A_212 = arith.cmpi sge, %parallel_loop3A_209, %parallel_loop3A_211 : vector<16xi32>
      %parallel_loop3A_213 = arith.constant 292.571442 : f32
      %parallel_loop3A_214 = arith.constant -292.571442 : f32
      %parallel_loop3A_215 = vector.broadcast %parallel_loop3A_213 : f32 to vector<16xf32>
      %parallel_loop3A_216 = vector.broadcast %parallel_loop3A_214 : f32 to vector<16xf32>
      %parallel_loop3A_217 = arith.select %parallel_loop3A_212, %parallel_loop3A_215, %parallel_loop3A_216 : vector<16xi1>, vector<16xf32>
      %parallel_loop3A_218 = arith.mulf %parallel_loop3A_206, %parallel_loop3A_217 : vector<16xf32>
      %parallel_loop3A_219 = arith.constant 4.096000e+03 : f32
      %parallel_loop3A_220 = vector.broadcast %parallel_loop3A_219 : f32 to vector<16xf32>
      %parallel_loop3A_221 = arith.addf %parallel_loop3A_218, %parallel_loop3A_220 : vector<16xf32>
      %parallel_loop3A_222 = arith.constant 0.000000e+00 : f32
      %parallel_loop3A_223 = vector.broadcast %parallel_loop3A_222 : f32 to vector<16xf32>
      %parallel_loop3A_224 = arith.maximumf %parallel_loop3A_221, %parallel_loop3A_223 : vector<16xf32>
      %parallel_loop3A_225 = arith.constant 8.191000e+03 : f32
      %parallel_loop3A_226 = vector.broadcast %parallel_loop3A_225 : f32 to vector<16xf32>
      %parallel_loop3A_227 = arith.minimumf %parallel_loop3A_224, %parallel_loop3A_226 : vector<16xf32>
      %parallel_loop3A_228 = arith.fptosi %parallel_loop3A_227 : vector<16xf32> to vector<16xi32>
      %parallel_loop3A_229 = arith.constant 8192 : i32
      %parallel_loop3A_230 = vector.broadcast %parallel_loop3A_229 : i32 to vector<16xi32>
      %parallel_loop3A_231 = arith.muli %parallel_loop3A_209, %parallel_loop3A_230 : vector<16xi32>
      %parallel_loop3A_232 = arith.addi %parallel_loop3A_228, %parallel_loop3A_231 : vector<16xi32>
      tpu.vector_store_idx %arg11[%parallel_loop3A_232], %broadcast_in_dim3A_30 {add = true} : memref<16384xi32, #tpu.memory_space<vmem>>[vector<16xi32>], vector<16xi32>,
    } {sc.loop_unroll_factor = 8 : i64, sc.parallel_access}
    %add3A_144 = arith.constant 160 : i32
    %add3A_145 = arith.addi %mul3A_2, %add3A_144 : i32
    %dma_wait3A_146 = arith.constant 0 : i32
    %dma_wait3A_147 = tpu.memref_slice %arg2[%add3A_145, %dma_wait3A_146] : memref<8192x512xf32, #tpu.memory_space<hbm>> -> memref<32x512xf32, #tpu.memory_space<hbm>>
    %dma_wait3A_148 = arith.constant 0 : i32
    %dma_wait3A_149 = tpu.memref_slice %arg2[%add3A_145, %dma_wait3A_148] : memref<8192x512xf32, #tpu.memory_space<hbm>> -> memref<32x512xf32, #tpu.memory_space<hbm>>
    tpu.wait_dma2 semaphore(%arg16 : memref<!tpu.dma_semaphore, #tpu.memory_space<semaphore_mem>>) src(%dma_wait3A_149 : memref<32x512xf32, #tpu.memory_space<hbm>>) dst(%arg9 : memref<32x512xf32, #tpu.memory_space<vmem>>)
    %dma_wait3A_150 = arith.constant 0 : i32
    %dma_wait3A_151 = tpu.memref_slice %arg3[%add3A_145, %dma_wait3A_150] : memref<8192x512xi32, #tpu.memory_space<hbm>> -> memref<32x512xi32, #tpu.memory_space<hbm>>
    %dma_wait3A_152 = arith.constant 0 : i32
    %dma_wait3A_153 = tpu.memref_slice %arg3[%add3A_145, %dma_wait3A_152] : memref<8192x512xi32, #tpu.memory_space<hbm>> -> memref<32x512xi32, #tpu.memory_space<hbm>>
    tpu.wait_dma2 semaphore(%arg17 : memref<!tpu.dma_semaphore, #tpu.memory_space<semaphore_mem>>) src(%dma_wait3A_153 : memref<32x512xi32, #tpu.memory_space<hbm>>) dst(%arg10 : memref<32x512xi32, #tpu.memory_space<vmem>>)
    %add3A_154 = arith.constant 224 : i32
    %add3A_155 = arith.addi %mul3A_2, %add3A_154 : i32
    %dma_start3A_156 = arith.constant 0 : i32
    %dma_start3A_157 = tpu.memref_slice %arg2[%add3A_155, %dma_start3A_156] : memref<8192x512xf32, #tpu.memory_space<hbm>> -> memref<32x512xf32, #tpu.memory_space<hbm>>
    %dma_start3A_158 = arith.constant 0 : i32
    %dma_start3A_159 = tpu.memref_slice %arg2[%add3A_155, %dma_start3A_158] : memref<8192x512xf32, #tpu.memory_space<hbm>> -> memref<32x512xf32, #tpu.memory_space<hbm>>
    tpu.enqueue_dma source(%dma_start3A_159 : memref<32x512xf32, #tpu.memory_space<hbm>>) target(%arg7 : memref<32x512xf32, #tpu.memory_space<vmem>>) target_semaphore(%arg14 : memref<!tpu.dma_semaphore, #tpu.memory_space<semaphore_mem>>)
    %dma_start3A_160 = arith.constant 0 : i32
    %dma_start3A_161 = tpu.memref_slice %arg3[%add3A_155, %dma_start3A_160] : memref<8192x512xi32, #tpu.memory_space<hbm>> -> memref<32x512xi32, #tpu.memory_space<hbm>>
    %dma_start3A_162 = arith.constant 0 : i32
    %dma_start3A_163 = tpu.memref_slice %arg3[%add3A_155, %dma_start3A_162] : memref<8192x512xi32, #tpu.memory_space<hbm>> -> memref<32x512xi32, #tpu.memory_space<hbm>>
    tpu.enqueue_dma source(%dma_start3A_163 : memref<32x512xi32, #tpu.memory_space<hbm>>) target(%arg8 : memref<32x512xi32, #tpu.memory_space<vmem>>) target_semaphore(%arg15 : memref<!tpu.dma_semaphore, #tpu.memory_space<semaphore_mem>>)
    %parallel_loop3A_164 = arith.constant 0 : i32
    %parallel_loop3A_165 = arith.constant 1024 : i32
    %parallel_loop3A_166 = arith.constant 1 : i32
    scf.for %parallel_loop3A_197 = %parallel_loop3A_164 to %parallel_loop3A_165 step %parallel_loop3A_166  : i32 {
      %parallel_loop3A_198 = arith.constant 5 : i32
      %parallel_loop3A_199 = arith.shrsi %parallel_loop3A_197, %parallel_loop3A_198 : i32
      %parallel_loop3A_200 = arith.constant 31 : i32
      %parallel_loop3A_201 = arith.andi %parallel_loop3A_197, %parallel_loop3A_200 : i32
      %parallel_loop3A_202 = arith.constant 16 : i32
      %parallel_loop3A_203 = arith.muli %parallel_loop3A_201, %parallel_loop3A_202 : i32
      %parallel_loop3A_204 = arith.index_cast %parallel_loop3A_199 : i32 to index
      %parallel_loop3A_205 = arith.index_cast %parallel_loop3A_203 : i32 to index
      %parallel_loop3A_206 = tpu.vector_load %arg9[%parallel_loop3A_204, %parallel_loop3A_205] {strides = array<i32>} : memref<32x512xf32, #tpu.memory_space<vmem>>, vector<16xf32>,
      %parallel_loop3A_207 = arith.index_cast %parallel_loop3A_199 : i32 to index
      %parallel_loop3A_208 = arith.index_cast %parallel_loop3A_203 : i32 to index
      %parallel_loop3A_209 = tpu.vector_load %arg10[%parallel_loop3A_207, %parallel_loop3A_208] {strides = array<i32>} : memref<32x512xi32, #tpu.memory_space<vmem>>, vector<16xi32>,
      %parallel_loop3A_210 = arith.constant 1 : i32
      %parallel_loop3A_211 = vector.broadcast %parallel_loop3A_210 : i32 to vector<16xi32>
      %parallel_loop3A_212 = arith.cmpi sge, %parallel_loop3A_209, %parallel_loop3A_211 : vector<16xi32>
      %parallel_loop3A_213 = arith.constant 292.571442 : f32
      %parallel_loop3A_214 = arith.constant -292.571442 : f32
      %parallel_loop3A_215 = vector.broadcast %parallel_loop3A_213 : f32 to vector<16xf32>
      %parallel_loop3A_216 = vector.broadcast %parallel_loop3A_214 : f32 to vector<16xf32>
      %parallel_loop3A_217 = arith.select %parallel_loop3A_212, %parallel_loop3A_215, %parallel_loop3A_216 : vector<16xi1>, vector<16xf32>
      %parallel_loop3A_218 = arith.mulf %parallel_loop3A_206, %parallel_loop3A_217 : vector<16xf32>
      %parallel_loop3A_219 = arith.constant 4.096000e+03 : f32
      %parallel_loop3A_220 = vector.broadcast %parallel_loop3A_219 : f32 to vector<16xf32>
      %parallel_loop3A_221 = arith.addf %parallel_loop3A_218, %parallel_loop3A_220 : vector<16xf32>
      %parallel_loop3A_222 = arith.constant 0.000000e+00 : f32
      %parallel_loop3A_223 = vector.broadcast %parallel_loop3A_222 : f32 to vector<16xf32>
      %parallel_loop3A_224 = arith.maximumf %parallel_loop3A_221, %parallel_loop3A_223 : vector<16xf32>
      %parallel_loop3A_225 = arith.constant 8.191000e+03 : f32
      %parallel_loop3A_226 = vector.broadcast %parallel_loop3A_225 : f32 to vector<16xf32>
      %parallel_loop3A_227 = arith.minimumf %parallel_loop3A_224, %parallel_loop3A_226 : vector<16xf32>
      %parallel_loop3A_228 = arith.fptosi %parallel_loop3A_227 : vector<16xf32> to vector<16xi32>
      %parallel_loop3A_229 = arith.constant 8192 : i32
      %parallel_loop3A_230 = vector.broadcast %parallel_loop3A_229 : i32 to vector<16xi32>
      %parallel_loop3A_231 = arith.muli %parallel_loop3A_209, %parallel_loop3A_230 : vector<16xi32>
      %parallel_loop3A_232 = arith.addi %parallel_loop3A_228, %parallel_loop3A_231 : vector<16xi32>
      tpu.vector_store_idx %arg11[%parallel_loop3A_232], %broadcast_in_dim3A_30 {add = true} : memref<16384xi32, #tpu.memory_space<vmem>>[vector<16xi32>], vector<16xi32>,
    } {sc.loop_unroll_factor = 8 : i64, sc.parallel_access}
    %add3A_167 = arith.constant 192 : i32
    %add3A_168 = arith.addi %mul3A_2, %add3A_167 : i32
    %dma_wait3A_169 = arith.constant 0 : i32
    %dma_wait3A_170 = tpu.memref_slice %arg2[%add3A_168, %dma_wait3A_169] : memref<8192x512xf32, #tpu.memory_space<hbm>> -> memref<32x512xf32, #tpu.memory_space<hbm>>
    %dma_wait3A_171 = arith.constant 0 : i32
    %dma_wait3A_172 = tpu.memref_slice %arg2[%add3A_168, %dma_wait3A_171] : memref<8192x512xf32, #tpu.memory_space<hbm>> -> memref<32x512xf32, #tpu.memory_space<hbm>>
    tpu.wait_dma2 semaphore(%arg12 : memref<!tpu.dma_semaphore, #tpu.memory_space<semaphore_mem>>) src(%dma_wait3A_172 : memref<32x512xf32, #tpu.memory_space<hbm>>) dst(%arg5 : memref<32x512xf32, #tpu.memory_space<vmem>>)
    %dma_wait3A_173 = arith.constant 0 : i32
    %dma_wait3A_174 = tpu.memref_slice %arg3[%add3A_168, %dma_wait3A_173] : memref<8192x512xi32, #tpu.memory_space<hbm>> -> memref<32x512xi32, #tpu.memory_space<hbm>>
    %dma_wait3A_175 = arith.constant 0 : i32
    %dma_wait3A_176 = tpu.memref_slice %arg3[%add3A_168, %dma_wait3A_175] : memref<8192x512xi32, #tpu.memory_space<hbm>> -> memref<32x512xi32, #tpu.memory_space<hbm>>
    tpu.wait_dma2 semaphore(%arg13 : memref<!tpu.dma_semaphore, #tpu.memory_space<semaphore_mem>>) src(%dma_wait3A_176 : memref<32x512xi32, #tpu.memory_space<hbm>>) dst(%arg6 : memref<32x512xi32, #tpu.memory_space<vmem>>)
    %parallel_loop3A_177 = arith.constant 0 : i32
    %parallel_loop3A_178 = arith.constant 1024 : i32
    %parallel_loop3A_179 = arith.constant 1 : i32
    scf.for %parallel_loop3A_197 = %parallel_loop3A_177 to %parallel_loop3A_178 step %parallel_loop3A_179  : i32 {
      %parallel_loop3A_198 = arith.constant 5 : i32
      %parallel_loop3A_199 = arith.shrsi %parallel_loop3A_197, %parallel_loop3A_198 : i32
      %parallel_loop3A_200 = arith.constant 31 : i32
      %parallel_loop3A_201 = arith.andi %parallel_loop3A_197, %parallel_loop3A_200 : i32
      %parallel_loop3A_202 = arith.constant 16 : i32
      %parallel_loop3A_203 = arith.muli %parallel_loop3A_201, %parallel_loop3A_202 : i32
      %parallel_loop3A_204 = arith.index_cast %parallel_loop3A_199 : i32 to index
      %parallel_loop3A_205 = arith.index_cast %parallel_loop3A_203 : i32 to index
      %parallel_loop3A_206 = tpu.vector_load %arg5[%parallel_loop3A_204, %parallel_loop3A_205] {strides = array<i32>} : memref<32x512xf32, #tpu.memory_space<vmem>>, vector<16xf32>,
      %parallel_loop3A_207 = arith.index_cast %parallel_loop3A_199 : i32 to index
      %parallel_loop3A_208 = arith.index_cast %parallel_loop3A_203 : i32 to index
      %parallel_loop3A_209 = tpu.vector_load %arg6[%parallel_loop3A_207, %parallel_loop3A_208] {strides = array<i32>} : memref<32x512xi32, #tpu.memory_space<vmem>>, vector<16xi32>,
      %parallel_loop3A_210 = arith.constant 1 : i32
      %parallel_loop3A_211 = vector.broadcast %parallel_loop3A_210 : i32 to vector<16xi32>
      %parallel_loop3A_212 = arith.cmpi sge, %parallel_loop3A_209, %parallel_loop3A_211 : vector<16xi32>
      %parallel_loop3A_213 = arith.constant 292.571442 : f32
      %parallel_loop3A_214 = arith.constant -292.571442 : f32
      %parallel_loop3A_215 = vector.broadcast %parallel_loop3A_213 : f32 to vector<16xf32>
      %parallel_loop3A_216 = vector.broadcast %parallel_loop3A_214 : f32 to vector<16xf32>
      %parallel_loop3A_217 = arith.select %parallel_loop3A_212, %parallel_loop3A_215, %parallel_loop3A_216 : vector<16xi1>, vector<16xf32>
      %parallel_loop3A_218 = arith.mulf %parallel_loop3A_206, %parallel_loop3A_217 : vector<16xf32>
      %parallel_loop3A_219 = arith.constant 4.096000e+03 : f32
      %parallel_loop3A_220 = vector.broadcast %parallel_loop3A_219 : f32 to vector<16xf32>
      %parallel_loop3A_221 = arith.addf %parallel_loop3A_218, %parallel_loop3A_220 : vector<16xf32>
      %parallel_loop3A_222 = arith.constant 0.000000e+00 : f32
      %parallel_loop3A_223 = vector.broadcast %parallel_loop3A_222 : f32 to vector<16xf32>
      %parallel_loop3A_224 = arith.maximumf %parallel_loop3A_221, %parallel_loop3A_223 : vector<16xf32>
      %parallel_loop3A_225 = arith.constant 8.191000e+03 : f32
      %parallel_loop3A_226 = vector.broadcast %parallel_loop3A_225 : f32 to vector<16xf32>
      %parallel_loop3A_227 = arith.minimumf %parallel_loop3A_224, %parallel_loop3A_226 : vector<16xf32>
      %parallel_loop3A_228 = arith.fptosi %parallel_loop3A_227 : vector<16xf32> to vector<16xi32>
      %parallel_loop3A_229 = arith.constant 8192 : i32
      %parallel_loop3A_230 = vector.broadcast %parallel_loop3A_229 : i32 to vector<16xi32>
      %parallel_loop3A_231 = arith.muli %parallel_loop3A_209, %parallel_loop3A_230 : vector<16xi32>
      %parallel_loop3A_232 = arith.addi %parallel_loop3A_228, %parallel_loop3A_231 : vector<16xi32>
      tpu.vector_store_idx %arg11[%parallel_loop3A_232], %broadcast_in_dim3A_30 {add = true} : memref<16384xi32, #tpu.memory_space<vmem>>[vector<16xi32>], vector<16xi32>,
    } {sc.loop_unroll_factor = 8 : i64, sc.parallel_access}
    %add3A_180 = arith.constant 224 : i32
    %add3A_181 = arith.addi %mul3A_2, %add3A_180 : i32
    %dma_wait3A_182 = arith.constant 0 : i32
    %dma_wait3A_183 = tpu.memref_slice %arg2[%add3A_181, %dma_wait3A_182] : memref<8192x512xf32, #tpu.memory_space<hbm>> -> memref<32x512xf32, #tpu.memory_space<hbm>>
    %dma_wait3A_184 = arith.constant 0 : i32
    %dma_wait3A_185 = tpu.memref_slice %arg2[%add3A_181, %dma_wait3A_184] : memref<8192x512xf32, #tpu.memory_space<hbm>> -> memref<32x512xf32, #tpu.memory_space<hbm>>
    tpu.wait_dma2 semaphore(%arg14 : memref<!tpu.dma_semaphore, #tpu.memory_space<semaphore_mem>>) src(%dma_wait3A_185 : memref<32x512xf32, #tpu.memory_space<hbm>>) dst(%arg7 : memref<32x512xf32, #tpu.memory_space<vmem>>)
    %dma_wait3A_186 = arith.constant 0 : i32
    %dma_wait3A_187 = tpu.memref_slice %arg3[%add3A_181, %dma_wait3A_186] : memref<8192x512xi32, #tpu.memory_space<hbm>> -> memref<32x512xi32, #tpu.memory_space<hbm>>
    %dma_wait3A_188 = arith.constant 0 : i32
    %dma_wait3A_189 = tpu.memref_slice %arg3[%add3A_181, %dma_wait3A_188] : memref<8192x512xi32, #tpu.memory_space<hbm>> -> memref<32x512xi32, #tpu.memory_space<hbm>>
    tpu.wait_dma2 semaphore(%arg15 : memref<!tpu.dma_semaphore, #tpu.memory_space<semaphore_mem>>) src(%dma_wait3A_189 : memref<32x512xi32, #tpu.memory_space<hbm>>) dst(%arg8 : memref<32x512xi32, #tpu.memory_space<vmem>>)
    %parallel_loop3A_190 = arith.constant 0 : i32
    %parallel_loop3A_191 = arith.constant 1024 : i32
    %parallel_loop3A_192 = arith.constant 1 : i32
    scf.for %parallel_loop3A_197 = %parallel_loop3A_190 to %parallel_loop3A_191 step %parallel_loop3A_192  : i32 {
      %parallel_loop3A_198 = arith.constant 5 : i32
      %parallel_loop3A_199 = arith.shrsi %parallel_loop3A_197, %parallel_loop3A_198 : i32
      %parallel_loop3A_200 = arith.constant 31 : i32
      %parallel_loop3A_201 = arith.andi %parallel_loop3A_197, %parallel_loop3A_200 : i32
      %parallel_loop3A_202 = arith.constant 16 : i32
      %parallel_loop3A_203 = arith.muli %parallel_loop3A_201, %parallel_loop3A_202 : i32
      %parallel_loop3A_204 = arith.index_cast %parallel_loop3A_199 : i32 to index
      %parallel_loop3A_205 = arith.index_cast %parallel_loop3A_203 : i32 to index
      %parallel_loop3A_206 = tpu.vector_load %arg7[%parallel_loop3A_204, %parallel_loop3A_205] {strides = array<i32>} : memref<32x512xf32, #tpu.memory_space<vmem>>, vector<16xf32>,
      %parallel_loop3A_207 = arith.index_cast %parallel_loop3A_199 : i32 to index
      %parallel_loop3A_208 = arith.index_cast %parallel_loop3A_203 : i32 to index
      %parallel_loop3A_209 = tpu.vector_load %arg8[%parallel_loop3A_207, %parallel_loop3A_208] {strides = array<i32>} : memref<32x512xi32, #tpu.memory_space<vmem>>, vector<16xi32>,
      %parallel_loop3A_210 = arith.constant 1 : i32
      %parallel_loop3A_211 = vector.broadcast %parallel_loop3A_210 : i32 to vector<16xi32>
      %parallel_loop3A_212 = arith.cmpi sge, %parallel_loop3A_209, %parallel_loop3A_211 : vector<16xi32>
      %parallel_loop3A_213 = arith.constant 292.571442 : f32
      %parallel_loop3A_214 = arith.constant -292.571442 : f32
      %parallel_loop3A_215 = vector.broadcast %parallel_loop3A_213 : f32 to vector<16xf32>
      %parallel_loop3A_216 = vector.broadcast %parallel_loop3A_214 : f32 to vector<16xf32>
      %parallel_loop3A_217 = arith.select %parallel_loop3A_212, %parallel_loop3A_215, %parallel_loop3A_216 : vector<16xi1>, vector<16xf32>
      %parallel_loop3A_218 = arith.mulf %parallel_loop3A_206, %parallel_loop3A_217 : vector<16xf32>
      %parallel_loop3A_219 = arith.constant 4.096000e+03 : f32
      %parallel_loop3A_220 = vector.broadcast %parallel_loop3A_219 : f32 to vector<16xf32>
      %parallel_loop3A_221 = arith.addf %parallel_loop3A_218, %parallel_loop3A_220 : vector<16xf32>
      %parallel_loop3A_222 = arith.constant 0.000000e+00 : f32
      %parallel_loop3A_223 = vector.broadcast %parallel_loop3A_222 : f32 to vector<16xf32>
      %parallel_loop3A_224 = arith.maximumf %parallel_loop3A_221, %parallel_loop3A_223 : vector<16xf32>
      %parallel_loop3A_225 = arith.constant 8.191000e+03 : f32
      %parallel_loop3A_226 = vector.broadcast %parallel_loop3A_225 : f32 to vector<16xf32>
      %parallel_loop3A_227 = arith.minimumf %parallel_loop3A_224, %parallel_loop3A_226 : vector<16xf32>
      %parallel_loop3A_228 = arith.fptosi %parallel_loop3A_227 : vector<16xf32> to vector<16xi32>
      %parallel_loop3A_229 = arith.constant 8192 : i32
      %parallel_loop3A_230 = vector.broadcast %parallel_loop3A_229 : i32 to vector<16xi32>
      %parallel_loop3A_231 = arith.muli %parallel_loop3A_209, %parallel_loop3A_230 : vector<16xi32>
      %parallel_loop3A_232 = arith.addi %parallel_loop3A_228, %parallel_loop3A_231 : vector<16xi32>
      tpu.vector_store_idx %arg11[%parallel_loop3A_232], %broadcast_in_dim3A_30 {add = true} : memref<16384xi32, #tpu.memory_space<vmem>>[vector<16xi32>], vector<16xi32>,
    } {sc.loop_unroll_factor = 8 : i64, sc.parallel_access}
    %mul3A_193 = arith.constant 2 : i32
    %mul3A_194 = arith.muli %add3A, %mul3A_193 : i32
    %mul3A_195 = arith.constant 8192 : i32
    %mul3A_196 = arith.muli %mul3A_194, %mul3A_195 : i32
    "tpu.region"() ({
      %run_scoped3A = tpu.sem_alloc : memref<!tpu.dma_semaphore, #tpu.memory_space<semaphore_mem>>
      %dma_start3A_197 = tpu.memref_slice %arg4[%mul3A_196] : memref<524288xi32, #tpu.memory_space<hbm>> -> memref<16384xi32, #tpu.memory_space<hbm>>
      %dma_start3A_198 = tpu.memref_slice %arg4[%mul3A_196] : memref<524288xi32, #tpu.memory_space<hbm>> -> memref<16384xi32, #tpu.memory_space<hbm>>
      tpu.enqueue_dma source(%arg11 : memref<16384xi32, #tpu.memory_space<vmem>>) target(%dma_start3A_198 : memref<16384xi32, #tpu.memory_space<hbm>>) target_semaphore(%run_scoped3A : memref<!tpu.dma_semaphore, #tpu.memory_space<semaphore_mem>>)
      %dma_wait3A_199 = tpu.memref_slice %arg4[%mul3A_196] : memref<524288xi32, #tpu.memory_space<hbm>> -> memref<16384xi32, #tpu.memory_space<hbm>>
      %dma_wait3A_200 = tpu.memref_slice %arg4[%mul3A_196] : memref<524288xi32, #tpu.memory_space<hbm>> -> memref<16384xi32, #tpu.memory_space<hbm>>
      tpu.wait_dma2 semaphore(%run_scoped3A : memref<!tpu.dma_semaphore, #tpu.memory_space<semaphore_mem>>) src(%arg11 : memref<16384xi32, #tpu.memory_space<vmem>>) dst(%dma_wait3A_200 : memref<16384xi32, #tpu.memory_space<hbm>>)
      tpu.yield
    }) : () -> ()
    return
  }
}

module attributes {stable_mosaic.version = 14 : i64} {
  func.func @_tc_scan_kernel(%arg0: memref<32x2x64x128xi32, #tpu.memory_space<vmem>>, %arg1: memref<1x1xf32, #tpu.memory_space<vmem>>) attributes {dimension_semantics = [], scalar_prefetch = 0 : i64, scratch_operands = 0 : i64, tpu.core_type = #tpu.core_type<tc>} {
    %get3A = arith.constant 0 : index
    %get3A_0 = arith.constant 0 : index
    %get3A_1 = arith.constant 0 : index
    %get3A_2 = arith.constant 0 : index
    %get3A_3 = vector.load %arg0[%get3A, %get3A_0, %get3A_1, %get3A_2] : memref<32x2x64x128xi32, #tpu.memory_space<vmem>>, vector<32x2x64x128xi32>
    %convert_element_type3A = arith.sitofp %get3A_3 : vector<32x2x64x128xi32> to vector<32x2x64x128xf32>
    %reduce_sum3A = arith.constant dense<0.000000e+00> : vector<2x64x128xf32>
    %reduce_sum3A_4 = vector.multi_reduction <add>, %convert_element_type3A, %reduce_sum3A [0] : vector<32x2x64x128xf32> to vector<2x64x128xf32>
    %slice3A = vector.extract_strided_slice %reduce_sum3A_4 {offsets = [0, 0, 0], sizes = [1, 64, 128], strides = [1, 1, 1]} : vector<2x64x128xf32> to vector<1x64x128xf32>
    %squeeze3A = vector.shape_cast %slice3A : vector<1x64x128xf32> to vector<64x128xf32>
    %slice3A_5 = vector.extract_strided_slice %reduce_sum3A_4 {offsets = [1, 0, 0], sizes = [1, 64, 128], strides = [1, 1, 1]} : vector<2x64x128xf32> to vector<1x64x128xf32>
    %squeeze3A_6 = vector.shape_cast %slice3A_5 : vector<1x64x128xf32> to vector<64x128xf32>
    %iota3A = tpu.iota {dimensions = array<i32: 0>} : vector<64x128xi32>
    %convert_element_type3A_7 = arith.sitofp %iota3A : vector<64x128xi32> to vector<64x128xf32>
    %iota3A_8 = tpu.iota {dimensions = array<i32: 1>} : vector<64x128xi32>
    %convert_element_type3A_9 = arith.sitofp %iota3A_8 : vector<64x128xi32> to vector<64x128xf32>
    %iota3A_10 = tpu.iota {dimensions = array<i32: 0>} : vector<128x128xi32>
    %iota3A_11 = tpu.iota {dimensions = array<i32: 1>} : vector<128x128xi32>
    %le3A = arith.cmpi sle, %iota3A_10, %iota3A_11 : vector<128x128xi32>
    %convert_element_type3A_12 = arith.extui %le3A : vector<128x128xi1> to vector<128x128xi32>
    %convert_element_type3A_13 = arith.sitofp %convert_element_type3A_12 : vector<128x128xi32> to vector<128x128xf32>
    %iota3A_14 = tpu.iota {dimensions = array<i32: 0>} : vector<64x64xi32>
    %iota3A_15 = tpu.iota {dimensions = array<i32: 1>} : vector<64x64xi32>
    %lt3A = arith.cmpi slt, %iota3A_15, %iota3A_14 : vector<64x64xi32>
    %convert_element_type3A_16 = arith.extui %lt3A : vector<64x64xi1> to vector<64x64xi32>
    %convert_element_type3A_17 = arith.sitofp %convert_element_type3A_16 : vector<64x64xi32> to vector<64x64xf32>
    %broadcast_in_dim3A = arith.constant 1.000000e+00 : f32
    %broadcast_in_dim3A_18 = vector.broadcast %broadcast_in_dim3A : f32 to vector<128x128xf32>
    %dot_general3A = arith.constant dense<0.000000e+00> : vector<64x128xf32>
    %dot_general3A_19 = tpu.matmul %squeeze3A_6, %convert_element_type3A_13, %dot_general3A {dimension_numbers = #tpu.dot_dimension_numbers<[1], [0], [0], [1], [0, 0, 1, 1], [], []>, transpose_lhs_hint = false} : vector<64x128xf32>, vector<128x128xf32>, vector<64x128xf32> -> vector<64x128xf32>
    %dot_general3A_20 = arith.constant dense<0.000000e+00> : vector<64x128xf32>
    %dot_general3A_21 = tpu.matmul %convert_element_type3A_17, %squeeze3A_6, %dot_general3A_20 {dimension_numbers = #tpu.dot_dimension_numbers<[1], [0], [0], [1], [0, 0, 1, 1], [], []>, transpose_lhs_hint = false} : vector<64x64xf32>, vector<64x128xf32>, vector<64x128xf32> -> vector<64x128xf32>
    %dot_general3A_22 = arith.constant dense<0.000000e+00> : vector<64x128xf32>
    %dot_general3A_23 = tpu.matmul %dot_general3A_21, %broadcast_in_dim3A_18, %dot_general3A_22 {dimension_numbers = #tpu.dot_dimension_numbers<[1], [0], [0], [1], [0, 0, 1, 1], [], []>, transpose_lhs_hint = false} : vector<64x128xf32>, vector<128x128xf32>, vector<64x128xf32> -> vector<64x128xf32>
    %add3A = arith.addf %dot_general3A_19, %dot_general3A_23 : vector<64x128xf32>
    %dot_general3A_24 = arith.constant dense<0.000000e+00> : vector<64x128xf32>
    %dot_general3A_25 = tpu.matmul %squeeze3A, %convert_element_type3A_13, %dot_general3A_24 {dimension_numbers = #tpu.dot_dimension_numbers<[1], [0], [0], [1], [0, 0, 1, 1], [], []>, transpose_lhs_hint = false} : vector<64x128xf32>, vector<128x128xf32>, vector<64x128xf32> -> vector<64x128xf32>
    %dot_general3A_26 = arith.constant dense<0.000000e+00> : vector<64x128xf32>
    %dot_general3A_27 = tpu.matmul %convert_element_type3A_17, %squeeze3A, %dot_general3A_26 {dimension_numbers = #tpu.dot_dimension_numbers<[1], [0], [0], [1], [0, 0, 1, 1], [], []>, transpose_lhs_hint = false} : vector<64x64xf32>, vector<64x128xf32>, vector<64x128xf32> -> vector<64x128xf32>
    %dot_general3A_28 = arith.constant dense<0.000000e+00> : vector<64x128xf32>
    %dot_general3A_29 = tpu.matmul %dot_general3A_27, %broadcast_in_dim3A_18, %dot_general3A_28 {dimension_numbers = #tpu.dot_dimension_numbers<[1], [0], [0], [1], [0, 0, 1, 1], [], []>, transpose_lhs_hint = false} : vector<64x128xf32>, vector<128x128xf32>, vector<64x128xf32> -> vector<64x128xf32>
    %add3A_30 = arith.addf %dot_general3A_25, %dot_general3A_29 : vector<64x128xf32>
    %reduce_sum3A_31 = vector.shape_cast %squeeze3A_6 : vector<64x128xf32> to vector<1x64x128xf32>
    %reduce_sum3A_32 = arith.constant dense<0.000000e+00> : vector<1xf32>
    %reduce_sum3A_33 = vector.multi_reduction <add>, %reduce_sum3A_31, %reduce_sum3A_32 [1, 2] : vector<1x64x128xf32> to vector<1xf32>
    %reduce_sum3A_34 = vector.shape_cast %reduce_sum3A_33 : vector<1xf32> to vector<1x1x1xf32>
    %reduce_sum3A_35 = vector.extract %reduce_sum3A_34[0, 0, 0] : f32 from vector<1x1x1xf32>
    %sub3A = arith.subf %add3A, %squeeze3A_6 : vector<64x128xf32>
    %sub3A_36 = arith.subf %add3A_30, %squeeze3A : vector<64x128xf32>
    %sub3A_37 = vector.broadcast %reduce_sum3A_35 : f32 to vector<64x128xf32>
    %sub3A_38 = arith.subf %sub3A_37, %sub3A : vector<64x128xf32>
    %mul3A = arith.mulf %sub3A_38, %squeeze3A : vector<64x128xf32>
    %add3A_39 = vector.broadcast %reduce_sum3A_35 : f32 to vector<64x128xf32>
    %add3A_40 = arith.addf %add3A_39, %sub3A_36 : vector<64x128xf32>
    %mul3A_41 = arith.mulf %squeeze3A_6, %add3A_40 : vector<64x128xf32>
    %add3A_42 = arith.addf %mul3A, %mul3A_41 : vector<64x128xf32>
    %add3A_43 = vector.broadcast %reduce_sum3A_35 : f32 to vector<64x128xf32>
    %add3A_44 = arith.addf %add3A_43, %sub3A_36 : vector<64x128xf32>
    %add3A_45 = vector.broadcast %reduce_sum3A_35 : f32 to vector<64x128xf32>
    %add3A_46 = arith.addf %add3A_45, %add3A_30 : vector<64x128xf32>
    %mul3A_47 = arith.mulf %add3A_44, %add3A_46 : vector<64x128xf32>
    %add3A_48 = vector.broadcast %reduce_sum3A_35 : f32 to vector<64x128xf32>
    %add3A_49 = arith.addf %add3A_48, %sub3A_36 : vector<64x128xf32>
    %gt3A = arith.constant 0.000000e+00 : f32
    %gt3A_50 = vector.broadcast %gt3A : f32 to vector<64x128xf32>
    %gt3A_51 = arith.cmpf ogt, %add3A_49, %gt3A_50 : vector<64x128xf32>
    %max3A = arith.constant 1.000000e+00 : f32
    %max3A_52 = vector.broadcast %max3A : f32 to vector<64x128xf32>
    %max3A_53 = arith.maximumf %mul3A_47, %max3A_52 : vector<64x128xf32>
    %div3A = arith.divf %add3A_42, %max3A_53 : vector<64x128xf32>
    %gt3A_54 = arith.constant 0.000000e+00 : f32
    %gt3A_55 = vector.broadcast %gt3A_54 : f32 to vector<64x128xf32>
    %gt3A_56 = arith.cmpf ogt, %add3A_30, %gt3A_55 : vector<64x128xf32>
    %jit3A = arith.constant 1.000000e+00 : f32
    %jit3A_57 = arith.constant 0.000000e+00 : f32
    %broadcast_in_dim3A_58 = vector.broadcast %jit3A : f32 to vector<64x128xf32>
    %broadcast_in_dim3A_59 = vector.broadcast %jit3A_57 : f32 to vector<64x128xf32>
    %select_n3A = arith.select %gt3A_56, %broadcast_in_dim3A_58, %broadcast_in_dim3A_59 : vector<64x128xi1>, vector<64x128xf32>
    %select_n3A_60 = arith.select %gt3A_51, %div3A, %select_n3A : vector<64x128xi1>, vector<64x128xf32>
    %mul3A_61 = arith.constant 1.280000e+02 : f32
    %mul3A_62 = vector.broadcast %mul3A_61 : f32 to vector<64x128xf32>
    %mul3A_63 = arith.mulf %convert_element_type3A_7, %mul3A_62 : vector<64x128xf32>
    %add3A_64 = arith.addf %mul3A_63, %convert_element_type3A_9 : vector<64x128xf32>
    %add3A_65 = arith.constant 5.000000e-01 : f32
    %add3A_66 = vector.broadcast %add3A_65 : f32 to vector<64x128xf32>
    %add3A_67 = arith.addf %add3A_64, %add3A_66 : vector<64x128xf32>
    %mul3A_68 = arith.constant 0.00341796875 : f32
    %mul3A_69 = vector.broadcast %mul3A_68 : f32 to vector<64x128xf32>
    %mul3A_70 = arith.mulf %add3A_67, %mul3A_69 : vector<64x128xf32>
    %sub3A_71 = arith.constant 1.500000e+01 : f32
    %sub3A_72 = vector.broadcast %sub3A_71 : f32 to vector<64x128xf32>
    %sub3A_73 = arith.subf %sub3A_72, %mul3A_70 : vector<64x128xf32>
    %max3A_74 = arith.constant 0.000000e+00 : f32
    %max3A_75 = vector.broadcast %max3A_74 : f32 to vector<64x128xf32>
    %max3A_76 = arith.maximumf %sub3A_73, %max3A_75 : vector<64x128xf32>
    %mul3A_77 = arith.mulf %max3A_76, %select_n3A_60 : vector<64x128xf32>
    %reduce_sum3A_78 = vector.shape_cast %mul3A_77 : vector<64x128xf32> to vector<1x64x128xf32>
    %reduce_sum3A_79 = arith.constant dense<0.000000e+00> : vector<1xf32>
    %reduce_sum3A_80 = vector.multi_reduction <add>, %reduce_sum3A_78, %reduce_sum3A_79 [1, 2] : vector<1x64x128xf32> to vector<1xf32>
    %reduce_sum3A_81 = vector.shape_cast %reduce_sum3A_80 : vector<1xf32> to vector<1x1x1xf32>
    %reduce_sum3A_82 = vector.extract %reduce_sum3A_81[0, 0, 0] : f32 from vector<1x1x1xf32>
    %broadcast_in_dim3A_83 = vector.broadcast %reduce_sum3A_82 : f32 to vector<1x1xf32>
    %swap3A = arith.constant 0 : index
    %swap3A_84 = arith.constant 0 : index
    %swap3A_85 = vector.load %arg1[%swap3A, %swap3A_84] : memref<1x1xf32, #tpu.memory_space<vmem>>, vector<1x1xf32>
    tpu.vector_store %arg1[%swap3A, %swap3A_84], %broadcast_in_dim3A_83 {strides = array<i32>} : memref<1x1xf32, #tpu.memory_space<vmem>>, vector<1x1xf32>,
    return
  }
}

</mosaic_0001>

<sc_bundles>
// kernel: kernel.4.cloned.1.call-start
scs
__scs_entry_jumppad:
0x0: {  	(pc) =	sbr.rel $0x88, $3  }
0x1: {  	(tag) =	ssettag $0x0;
	lr =	simm.s32 $0x1  }
0x2: {  	[smem:$0x3F9F] =	sst lr;
	_ =	strace $0xD0000000  }
0x3: {  	_ = 	snop  }
0x4: {  	_ = 	snop  }
0x5: {  	_ = 	snop  }
0x6: {  	_ = 	snop  }
0x7: {  	_ = 	snop  }
__scs_overlays_trampoline_lowered:
0x8: {  	[smem:$0x3FAE] =	sst s0  }
0x9: {  	[smem:$0x3FAF] =	sst s1  }
0xa: {  	[smem:$0x3FB0] =	sst s2  }
0xb: {  	[smem:$0x3FB1] =	sst s3  }
0xc: {  	[smem:$0x3FB2] =	sst s4  }
0xd: {  	[smem:$0x3FB3] =	sst s5  }
0xe: {  	[smem:$0x3FB4] =	sst s6  }
0xf: {  	[smem:$0x3FB5] =	sst s7  }
0x10: {  	[smem:$0x3FB6] =	sst s8  }
0x11: {  	[smem:$0x3FB7] =	sst s9;
	s0 =	simm.s32 @!p0 $0x0  }
0x12: {  	s1 =	sld [smem:$0x3F9D];
	s0 =	simm.s32 @p0 $0x1  }
0x13: {  	[smem:$0x3FB8] =	sst s0;
	s0 =	simm.s32 @!p1 $0x0  }
0x14: {  	s2 =	sld [smem:$0x3F9C];
	s0 =	simm.s32 @p1 $0x1  }
0x15: {  	[smem:$0x3FB9] =	sst s0;
	s0 =	simm.s32 @!p2 $0x0  }
0x16: {  	s3 =	sld [smem:$0x3FDB];
	s0 =	simm.s32 @p2 $0x1  }
0x17: {  	s4 =	simm.s32 $0x1BF5;
	[smem:$0x3FBB] =	sst s0  }
0x18: {  	s0 =	sld [smem:$0x3F9E];
	_ =	swait.ge [sflag:s4], $0x0  }
0x19: {  	s7 =	sld [smem:$0x3F9F]  }
0x1a: {  	s8 =	sadd.s32 $0xFFFFE003, lr  }
0x1b: {  	s9 =	sadd.s32 $0xFFFFFEF7, lr;
	s5 =	simm.s32 $0xFFFFFFFF;
	p2 =	slt.u32 s8, $0xFFFFF086  }
0x1c: {  	p1 =	slt.u32 s9, $0xF7A;
	s5 =	simm.s32 @!p2 $0x0  }
0x1d: {  	s5 =	simm.s32 @p1 $0x1;
	p0 =	seq.s32 s7, s2  }
0x1e: {  	s7 =	smul.u32 @!p0 $0xF7A, s2;
	p2 =	seq.s32 @!p0 s5, $0x0  }
0x1f: {  	s9 =	smul.u32 $0xF7A, s1;
	s8 =	simm.s32 @!p0 $0x1BF5;
	p2 =	por !p2, p0  }
0x20: {  	[sflag:s8] =	ssyncset.s32 @!p0 $0xFFFFF086;
	s6 =	sadd.s32 @!p0 s3, s7;
	s7 =	simm.s32 @!p0 $0x108  }
0x21: {  	s3 =	sadd.s32 s3, s9;
	s6 =	sadd.s32 @!p0 $0x88, s6;
	s7 =	simm.s32 @p2 $0x1082  }
0x22: {  	[simem:s7], [sflag:s8] =	dma.local @!p0 [hbm:s6], $0xF7A  }
0x23: {  	s9 =	sor.u32 $0xD0000000, s2;
	s6 =	simm.s32 $0x108;
	_ =	swait.ge @!p0 [sflag:s8], $0x0  }
0x24: {  	s3 =	sadd.s32 $0x88, s3;
	s6 =	simm.s32 @!p1 $0x1082;
	[sflag:s4] =	ssyncset.s32 $0xFFFFF086  }
0x25: {  	[simem:s6], [sflag:s4] =	dma.local [hbm:s3], $0xF7A  }
0x26: {  	[smem:$0x3F9F] =	sst s1;
	(tag) =	ssettag s2;
	_ =	strace s9  }
0x27: {  	s1 =	sld [smem:$0x3FAF]  }
0x28: {  	s2 =	sld [smem:$0x3FB0]  }
0x29: {  	s4 =	sld [smem:$0x3FB2]  }
0x2a: {  	p0 =	seq.s32 s5, $0x0;
	s5 =	sld [smem:$0x3FB3]  }
0x2b: {  	s6 =	sld [smem:$0x3FB4]  }
0x2c: {  	s7 =	sld [smem:$0x3FB5]  }
0x2d: {  	s3 =	simm.s32 $0x108;
	s8 =	sld [smem:$0x3FB6]  }
0x2e: {  	s3 =	simm.s32 @!p0 $0x1082;
	s9 =	sld [smem:$0x3FB7]  }
0x2f: {  	lr =	sadd.s32 s0, s3;
	s0 =	sld [smem:$0x3FAE]  }
0x30: {  	s3 =	sld [smem:$0x3FB1]  }
0x31: {  	[smem:$0x3FBA] =	sst s10  }
0x32: {  	s10 =	sld [smem:$0x3FB8];
	_ =	sdelay $0x3  }
0x33: {  	p0 =	seq.s32 s10, $0x1;
	s10 =	sld [smem:$0x3FBA];
	_ =	sdelay $0x3  }
0x34: {  	[smem:$0x3FBA] =	sst s10  }
0x35: {  	s10 =	sld [smem:$0x3FB9];
	_ =	sdelay $0x3  }
0x36: {  	p1 =	seq.s32 s10, $0x1;
	s10 =	sld [smem:$0x3FBA];
	_ =	sdelay $0x3  }
0x37: {  	[smem:$0x3FBA] =	sst s10  }
0x38: {  	s10 =	sld [smem:$0x3FBB]  }
0x39: {  	_ = 	snop;
	(pc) =	sbr.ind lr, $3  }
0x3a: {  	_ = 	snop  }
0x3b: {  	_ = 	snop  }
0x3c: {  	p2 =	seq.s32 s10, $0x1;
	s10 =	sld [smem:$0x3FBA]  }
0x3d: {  	_ =	shalt  }
0x3e: {  	_ =	shalt  }
0x3f: {  	_ =	shalt  }
0x40: {  	_ =	shalt  }
0x41: {  	_ =	shalt  }
0x42: {  	_ =	shalt  }
0x43: {  	_ =	shalt  }
0x44: {  	_ =	shalt  }
0x45: {  	_ =	shalt  }
0x46: {  	_ =	shalt  }
0x47: {  	_ =	shalt  }
0x48: {  	_ =	shalt  }
0x49: {  	_ =	shalt  }
0x4a: {  	_ =	shalt  }
0x4b: {  	_ =	shalt  }
0x4c: {  	_ =	shalt  }
0x4d: {  	_ =	shalt  }
0x4e: {  	_ =	shalt  }
0x4f: {  	_ =	shalt  }
0x50: {  	_ =	shalt  }
0x51: {  	_ =	shalt  }
0x52: {  	_ =	shalt  }
0x53: {  	_ =	shalt  }
0x54: {  	_ =	shalt  }
0x55: {  	_ =	shalt  }
0x56: {  	_ =	shalt  }
0x57: {  	_ =	shalt  }
0x58: {  	_ =	shalt  }
0x59: {  	_ =	shalt  }
0x5a: {  	_ =	shalt  }
0x5b: {  	_ =	shalt  }
0x5c: {  	_ =	shalt  }
0x5d: {  	_ =	shalt  }
0x5e: {  	_ =	shalt  }
0x5f: {  	_ =	shalt  }
0x60: {  	_ =	shalt  }
0x61: {  	_ =	shalt  }
0x62: {  	_ =	shalt  }
0x63: {  	_ =	shalt  }
0x64: {  	_ =	shalt  }
0x65: {  	_ =	shalt  }
0x66: {  	_ =	shalt  }
0x67: {  	_ =	shalt  }
0x68: {  	_ =	shalt  }
0x69: {  	_ =	shalt  }
0x6a: {  	_ =	shalt  }
0x6b: {  	_ =	shalt  }
0x6c: {  	_ =	shalt  }
0x6d: {  	_ =	shalt  }
0x6e: {  	_ =	shalt  }
0x6f: {  	_ =	shalt  }
0x70: {  	_ =	shalt  }
0x71: {  	_ =	shalt  }
0x72: {  	_ =	shalt  }
0x73: {  	_ =	shalt  }
0x74: {  	_ =	shalt  }
0x75: {  	_ =	shalt  }
0x76: {  	_ =	shalt  }
0x77: {  	_ =	shalt  }
0x78: {  	_ =	shalt  }
0x79: {  	_ =	shalt  }
0x7a: {  	_ =	shalt  }
0x7b: {  	_ =	shalt  }
0x7c: {  	_ =	shalt  }
0x7d: {  	_ =	shalt  }
0x7e: {  	_ =	shalt  }
0x7f: {  	_ =	shalt  }
0x80: {  	_ =	shalt  }
0x81: {  	_ =	shalt  }
0x82: {  	_ =	shalt  }
0x83: {  	_ =	shalt  }
0x84: {  	_ =	shalt  }
0x85: {  	_ =	shalt  }
0x86: {  	_ =	shalt  }
0x87: {  	_ =	shalt  }
.Lfunc_end0:
.L_simem_size_0:
called_computation_lowered:
.L_overlay_start_0:
0x88: {  	s2 =	sld [smem:$0x3FD9]  }
0x89: {  	s3 =	sld [smem:$0x3FFE];
	_ =	sdelay $0x1  }
0x8a: {  	s1 =	srdreg.scid  }
0x8b: {  	s0 =	sand.u32 $0x1, s1  }
0x8c: {  	s17 =	sshll.u32 s0, $0xA;
	s2 =	sadd.s32 s3, s2  }
0x8d: {  	s2 =	sadd.s32 s2, s17  }
0x8e: {  	[smem:$0x3FC6] =	sst s2  }
0x8f: {  	_ = 	snop  }
0x90: {  	s2 =	sld [smem:$0x3FC9]  }
0x91: {  	s18 =	sld [smem:$0x3FC8];
	(tm) =	ssettm $0x1  }
0x92: {  	s4 =	sld [smem:$0x3FFB];
	_ =	sdelay $0x3  }
0x93: {  	_ =	strace s4  }
0x94: {  	s4 =	sld [smem:$0x3FFC];
	_ =	sdelay $0x3  }
0x95: {  	_ =	strace s4  }
0x96: {  	s4 =	sld [smem:$0x3FFD];
	_ =	sdelay $0x3  }
0x97: {  	_ =	strace s4  }
0x98: {  	_ =	strace $0x8FFFFFFF  }
0x99: {  	s19 =	sld [smem:$0x3FDB];
	_ =	sdelay $0x1  }
0x9a: {  	s5 =	simm.s32 $_scs_section_size  }
0x9b: {  	s6 =	simm.s32 $_size__tile_overlayer_lowered;
	s7 =	simm.s32 $_tile_overlayer_lowered  }
0x9c: {  	s22 =	simm.s32 $0x1BFF;
	s21 =	sshll.u32 s7, $0x1;
	s4 =	sadd.s32 s5, s19  }
0x9d: {  	s8 =	simm.s32 $0x0;
	s20 =	sshll.u32 s6, $0x1;
	s6 =	sadd.s32 s21, s4  }
0x9e: {  	[timem:s8], [sflag:s22] =	dma.local [hbm:s6], s20  }
0x9f: {  	_ =	swait.ge [sflag:s22], s20  }
0xa0: {  	s5 =	ssub.s32 $0x0, s20;
	[sflag:s22] =	ssyncset.done $0x0  }
0xa1: {  	[sflag:s22] =	ssyncadd.s32 s5;
	_ =	sdelay $0x1  }
0xa2: {  	s23 =	simm.s32 $0x1B8B  }
0xa3: {  	_ =	swait.ge [sflag:s23], $0x1  }
0xa4: {  	[sflag:s23] =	ssyncset.done $0x0  }
0xa5: {  	s25 =	simm.s32 $0x1B8E;
	s24 =	sld [smem:$0x3FFE];
	[sflag:s23] =	ssyncadd.s32 $0xFFFFFFFF  }
0xa6: {  	s26 =	simm.s32 $execute0_lowered;
	[smem:$0x3FD2] =	sst s25  }
0xa7: {  	s6 =	sshll.u32 s26, $0x1;
	_ =	strace $0x80000046;
	[dreg:$0x1] =	wrdreg $0xFFFFFFFF  }
0xa8: {  	s28 =	simm.s32 $_size_execute0_lowered;
	s4 =	sadd.s32 s4, s6;
	[dreg:$0x0] =	wrdreg $0x0  }
0xa9: {  	s6 =	sshll.u32 s28, $0x1;
	[dreg:$0x2] =	wrdreg s4  }
0xaa: {  	[dreg:$0x3] =	wrdreg s6  }
0xab: {  	[dreg:$0x4] =	wrdreg $0xC0  }
0xac: {  	_ =	task [dreg:s8], $0x5FFFF  }
0xad: {  	[dreg:$0x1] =	wrdreg $0xFFFFFFFF  }
0xae: {  	[dreg:$0x0] =	wrdreg $0x60  }
0xaf: {  	[dreg:$0x2] =	wrdreg s2  }
0xb0: {  	[dreg:$0x3] =	wrdreg s18  }
0xb1: {  	[dreg:$0x4] =	wrdreg s24  }
0xb2: {  	[dreg:$0x5] =	wrdreg $0x9  }
0xb3: {  	_ =	task.clear_ibuf [dreg:s8], $0x6FFFF;
	_ =	strace $0x90000046  }
0xb4: {  	s29 =	simm.s32 $0x9;
	_ =	strace $0x80000048  }
0xb5: {  	_ =	swait.ge [sflag:s29], $0x1  }
0xb6: {  	[sflag:s29] =	ssyncadd.s32 $0xFFFFFFFF  }
0xb7: {  	_ =	strace $0x90000048  }
0xb8: {  	_ =	sfence  }
0xb9: {  	s30 =	sld [smem:$0x0];
	_ =	sdelay $0x2  }
0xba: {  	s31 =	sshll.u32 s1, $0xD;
	s1 =	sshrl.u32 s1, $0x2  }
0xbb: {  	s3 =	sand.u32 $0x4000, s31;
	s1 =	sadd.s32 s1, s30  }
0xbc: {  	s0 =	sor.u32 s3, s0;
	s1 =	sshll.u32 s1, $0x11  }
0xbd: {  	s0 =	sor.u32 s1, s0  }
0xbe: {  	s0 =	sadd.s32 $0x8F2B, s0  }
0xbf: {  	[sflag:s0] =	ssyncadd.remote.s32 $0x1  }
0xc0: {  	_ =	sfence.sel $0xFFFF  }
0xc1: {  	[dreg:$0x0] =	wrdreg $0xFFFFFFFF;
	(pc) =	sbr.abs _section_cstart, $3  }
0xc2: {  	[dreg:$0x1] =	wrdreg $0xFFFFFFFF  }
0xc3: {  	_ =	task.clear_ibuf [dreg:s8], $0x2FFFF;
	_ =	strace $0x9FFFFFFF  }
0xc4: {  	(tm) =	ssettm $0x7FFFFFFF  }
0xc5: {  	_ =	shalt  }
tec
execute0_lowered:
.L_overlay_start_1:
0x0: {  	(tag) =	ssettag $0x1  }
0x1: {  	s0 =	rddreg [dreg:$0x0]  }
0x2: {  	s1 =	rddreg [dreg:$0x1]  }
0x3: {  	s3 =	rddreg [dreg:$0x2]  }
0x4: {  	s4 =	srdreg.scid;
	s5 =	stileid.u32  }
0x5: {  	s2 =	simm.s32 $0x0;
	s21 =	simm.s32 $0x4000;
	s29 =	simm.s32 $0x18000  }
0x6: {  	s30 =	simm.s32 $0x3;
	s31 =	simm.s32 $0x4;
	s28 =	simm.s32 $0x0  }
0x7: {  	s4 =	sand.u32 $0x1, s4;
	s5 =	sshll.u32 s5, $0x1;
	[smem:$0x7FF] =	sst s2  }
0x8: {  	s5 =	sor.u32 s4, s5;
	s4 =	ssub.s32 $0x2, s4;
	_ =	strace $0x80000047  }
0x9: {  	s6 =	sshll.u32 s5, $0xB;
	s7 =	sshrl.u32 s4, $0x1;
	s5 =	sshll.u32 s5, $0xE  }
0xa: {  	s3 =	sadd.s32 s6, s3;
	s4 =	ssub.s32 s4, s7;
	s22 =	sadd.s32 s0, s5  }
0xb: {  	s23 =	sadd.s32 s1, s5;
	s24 =	sor.u32 $0x800, s5;
	s8 =	sor.u32 $0x1000, s5  }
0xc: {  	s10 =	sor.u32 $0x1800, s5;
	s12 =	sor.u32 $0x2000, s5;
	s14 =	sor.u32 $0x2800, s5  }
0xd: {  	s16 =	sor.u32 $0x3000, s5;
	s5 =	sor.u32 $0x3800, s5;
	[dreg:$0x4] =	wrdreg s22  }
0xe: {  	[dreg:$0x5] =	wrdreg s23;
	s25 =	sadd.s32 s0, s24;
	s6 =	sadd.s32 s1, s24  }
0xf: {  	s26 =	sadd.s32 s0, s8;
	s8 =	sadd.s32 s1, s8;
	s9 =	sadd.s32 s0, s10  }
0x10: {  	s10 =	sadd.s32 s1, s10;
	s11 =	sadd.s32 s0, s12;
	s12 =	sadd.s32 s1, s12  }
0x11: {  	s13 =	sadd.s32 s0, s14;
	s14 =	sadd.s32 s1, s14;
	s15 =	sadd.s32 s0, s16  }
0x12: {  	s16 =	sadd.s32 s1, s16;
	s17 =	sadd.s32 s0, s5;
	s18 =	sadd.s32 s1, s5  }
0x13: {  	s19 =	sadd.s32 $0x600, s3;
	s20 =	smax.u32 s4, $0x1;
	s22 =	simm.s32 $0x8000  }
0x14: {  	s23 =	simm.s32 $0xC000;
	s24 =	simm.s32 $0x1;
	[dreg:$0x6] =	wrdreg s25  }
0x15: {  	s0 =	simm.s32 $0x5;
	s1 =	simm.s32 $0x6;
	[dreg:$0x7] =	wrdreg s6  }
0x16: {  	v0 =	vimm.s32 $0x0;
	v1 =	vimm.f32 $-2.925714420e+02;
	v2 =	vimm.s32 $0x1;
	[dreg:$0x8] =	wrdreg s26;
	s25 =	simm.s32 $0x2;
	s26 =	simm.s32 $0x7  }
.LBB2_1:
0x17: {  	s3 =	rddreg [dreg:$0x4]  }
0x18: {  	[tilespmem:s2], [sflag:$0x1] =	stream.linear.gather [hbm4b:s3+s2], $0x4000, $0x38;
	[tilespmem:$0x1C000] =	vst v63  }
0x19: {  	s5 =	rddreg [dreg:$0x5]  }
0x1a: {  	[tilespmem:s21], [sflag:$0x2] =	stream.linear.gather [hbm4b:s5+s2], $0x4000, $0x38;
	[tilespmem:$0x1C000] =	vst v63  }
0x1b: {  	s6 =	rddreg [dreg:$0x6]  }
0x1c: {  	[tilespmem:s22], [sflag:$0x3] =	stream.linear.gather [hbm4b:s6+s2], $0x4000, $0x38;
	[tilespmem:$0x1C000] =	vst v63  }
0x1d: {  	s7 =	rddreg [dreg:$0x7];
	s4 =	simm.s32 $0x200;
	s3 =	simm.s32 $0x0  }
0x1e: {  	[tilespmem:s23], [sflag:$0x4] =	stream.linear.gather [hbm4b:s7+s2], $0x4000, $0x38;
	[tilespmem:$0x1C000] =	vst v63  }
.LBB2_2:
0x1f: {  	p0 =	sne.s32 s4, $0xFE00;
	[tilespmem:s3+$0x18070] =	vst v0  }
0x20: {  	[tilespmem:s3+$0x18000] =	vst v0  }
0x21: {  	[tilespmem:s3+$0x18010] =	vst v0  }
.Ltmp0:
0x22: {  	[tilespmem:s3+$0x18020] =	vst v0;
	(pc) =	sbr.rel @p0 .LBB2_2-.Ltmp0, $4  }
0x23: {  	[tilespmem:s3+$0x18030] =	vst v0  }
0x24: {  	[tilespmem:s3+$0x18040] =	vst v0  }
0x25: {  	[tilespmem:s3+$0x18050] =	vst v0  }
0x26: {  	[tilespmem:s3+$0x18060] =	vst v0;
	s3 =	sshra.s32 s4, $0x2;
	s4 =	sadd.s32 $0x200, s4  }
0x27: {  	[tilespmem:s3+$0x18070] =	vst v0  }
0x28: {  	[tilespmem:s3+$0x18000] =	vst v0  }
0x29: {  	[tilespmem:s3+$0x18010] =	vst v0  }
0x2a: {  	[tilespmem:s3+$0x18020] =	vst v0  }
0x2b: {  	[tilespmem:s3+$0x18030] =	vst v0  }
0x2c: {  	[tilespmem:s3+$0x18040] =	vst v0  }
0x2d: {  	[tilespmem:s3+$0x18050] =	vst v0  }
0x2e: {  	[tilespmem:s3+$0x18060] =	vst v0  }
0x2f: {  	_ =	swait.ge [sflag:s24], $0x4000  }
0x30: {  	[sflag:s24] =	ssyncset.done $0x0  }
0x31: {  	[sflag:s24] =	ssyncadd.s32 $0xFFFFC000  }
0x32: {  	_ =	swait.ge [sflag:s25], $0x4000  }
0x33: {  	s6 =	simm.s32 $0x0;
	[sflag:s25] =	ssyncset.done $0x0  }
0x34: {  	s5 =	simm.s32 $0x10000;
	s4 =	rddreg [dreg:$0x8];
	[sflag:s25] =	ssyncadd.s32 $0xFFFFC000  }
0x35: {  	[tilespmem:s5], [sflag:$0x5] =	stream.linear.gather [hbm4b:s4+s6], $0x4000, $0x38;
	[tilespmem:$0x1C000] =	vst v63  }
0x36: {  	s7 =	simm.s32 $0x14000;
	s5 =	simm.s32 $0x0  }
0x37: {  	[tilespmem:s7], [sflag:$0x6] =	stream.linear.gather [hbm4b:s8+s6], $0x4000, $0x38;
	[tilespmem:$0x1C000] =	vst v63  }
0x38: {  	s3 =	sand.u32 $0xC00, s6;
	s4 =	sand.u32 $0x3000, s5;
	s6 =	simm.s32 $0x0  }
0x39: {  	s3 =	sor.u32 s3, s4;
	s7 =	sand.u32 $0x380, s6  }
0x3a: {  	s3 =	sor.u32 s7, s3  }
0x3b: {  	v3 =	vld [tilespmem:s3+$0x4070]  }
0x3c: {  	v4 =	vld [tilespmem:s3+$0x4000]  }
0x3d: {  	v6 =	vld [tilespmem:s3+$0x4010]  }
0x3e: {  	v7 =	vld [tilespmem:s3+$0x4020]  }
0x3f: {  	v8 =	vld [tilespmem:s3+$0x4030]  }
0x40: {  	v9 =	vld [tilespmem:s3+$0x4040]  }
0x41: {  	v11 =	vld [tilespmem:s3+$0x4050]  }
0x42: {  	v12 =	vld [tilespmem:s3+$0x4060]  }
0x43: {  	v5 =	vld [tilespmem:s3+$0x70]  }
0x44: {  	v13 =	vld [tilespmem:s3+$0x0];
	vm0 =	vgt.s32 v3, $0x0;
	vm6 =	vgt.s32 v4, $0x0  }
0x45: {  	v15 =	vld [tilespmem:s3+$0x10];
	v4 =	vshll.u32 v4, $0xD;
	vm7 =	vgt.s32 v6, $0x0;
	v6 =	vshll.u32 v6, $0xD  }
0x46: {  	v17 =	vld [tilespmem:s3+$0x20];
	vm8 =	vgt.s32 v7, $0x0;
	v7 =	vshll.u32 v7, $0xD;
	vm9 =	vgt.s32 v8, $0x0  }
0x47: {  	v21 =	vld [tilespmem:s3+$0x40];
	vm10 =	vgt.s32 v9, $0x0;
	vm11 =	vgt.s32 v11, $0x0;
	vm12 =	vgt.s32 v12, $0x0  }
0x48: {  	v8 =	vshll.u32 v8, $0xD;
	v3 =	vshll.u32 v3, $0xD;
	v9 =	vshll.u32 v9, $0xD  }
0x49: {  	v11 =	vshll.u32 v11, $0xD;
	v10 =	vsel vm0, $0x43924925, v1;
	v14 =	vsel vm7, $0x43924925, v1  }
0x4a: {  	v16 =	vsel vm8, $0x43924925, v1;
	v20 =	vsel vm10, $0x43924925, v1;
	v5 =	vmul.f32 v10, v5  }
0x4b: {  	v10 =	vsel vm6, $0x43924925, v1;
	v14 =	vmul.f32 v14, v15;
	v16 =	vmul.f32 v16, v17  }
0x4c: {  	v12 =	vshll.u32 v12, $0xD;
	v15 =	vld [tilespmem:s3+$0x60];
	v17 =	vmul.f32 v20, v21;
	v10 =	vmul.f32 v10, v13  }
0x4d: {  	v18 =	vsel vm9, $0x43924925, v1;
	v13 =	vld [tilespmem:s3+$0x50];
	v5 =	vadd.f32 $4.096000000e+03, v5;
	v16 =	vadd.f32 $4.096000000e+03, v16  }
0x4e: {  	s5 =	simm.s32 $0x80;
	s6 =	simm.s32 $0x400;
	v22 =	vsel vm11, $0x43924925, v1;
	v17 =	vadd.f32 $4.096000000e+03, v17;
	v10 =	vadd.f32 $4.096000000e+03, v10  }
0x4f: {  	s4 =	sand.u32 $0xC00, s6;
	s7 =	simm.s32 $0x20;
	v19 =	vld [tilespmem:s3+$0x30];
	v23 =	vsel vm12, $0x43924925, v1;
	s3 =	sand.u32 $0x3000, s5;
	v5 =	vmax.f32 v5, $0.0e+00;
	v16 =	vmax.f32 v16, $0.0e+00  }
0x50: {  	s5 =	sand.u32 $0x380, s7;
	s3 =	sor.u32 s4, s3;
	v17 =	vmax.f32 v17, $0.0e+00;
	v5 =	vmin.f32 v5, $8.191000000e+03;
	v10 =	vmax.f32 v10, $0.0e+00  }
0x51: {  	s3 =	sor.u32 s5, s3;
	v15 =	vmul.f32 v23, v15;
	v16 =	vmin.f32 v16, $8.191000000e+03;
	v5 =	vtrunc.f32 v5  }
0x52: {  	v21 =	vld [tilespmem:s3+$0x4010];
	v17 =	vmin.f32 v17, $8.191000000e+03;
	v13 =	vmul.f32 v22, v13;
	v16 =	vtrunc.f32 v16  }
0x53: {  	v10 =	vmin.f32 v10, $8.191000000e+03;
	v17 =	vtrunc.f32 v17;
	v5 =	vcvt.f32.s32 v5  }
0x54: {  	v23 =	vld [tilespmem:s3+$0x4050];
	v15 =	vadd.f32 $4.096000000e+03, v15;
	v10 =	vtrunc.f32 v10;
	v16 =	vcvt.f32.s32 v16  }
0x55: {  	v13 =	vadd.f32 $4.096000000e+03, v13;
	v10 =	vcvt.f32.s32 v10;
	v3 =	vadd.s32 v5, v3  }
0x56: {  	v5 =	vadd.f32 $4.096000000e+03, v14;
	v14 =	vmul.f32 v18, v19;
	v15 =	vmax.f32 v15, $0.0e+00  }
0x57: {  	v18 =	vld [tilespmem:s3+$0x4070];
	v7 =	vadd.s32 v16, v7;
	vm14 =	vgt.s32 v21, $0x0;
	v13 =	vmax.f32 v13, $0.0e+00  }
0x58: {  	v15 =	vmin.f32 v15, $8.191000000e+03;
	v4 =	vadd.s32 v10, v4;
	v14 =	vadd.f32 $4.096000000e+03, v14  }
0x59: {  	v20 =	vld [tilespmem:s3+$0x70];
	vm6 =	vgt.s32 v23, $0x0;
	v5 =	vmax.f32 v5, $0.0e+00;
	v13 =	vmin.f32 v13, $8.191000000e+03  }
0x5a: {  	v19 =	vld [tilespmem:s3+$0x4000];
	v15 =	vtrunc.f32 v15;
	v5 =	vmin.f32 v5, $8.191000000e+03;
	v14 =	vmax.f32 v14, $0.0e+00  }
0x5b: {  	v31 =	vsel vm6, $0x43924925, v1;
	v5 =	vtrunc.f32 v5;
	v14 =	vmin.f32 v14, $8.191000000e+03  }
0x5c: {  	v24 =	vld [tilespmem:s3+$0x10];
	v5 =	vcvt.f32.s32 v5;
	vm13 =	vgt.s32 v18, $0x0;
	v14 =	vtrunc.f32 v14  }
0x5d: {  	v26 =	vld [tilespmem:s3+$0x20];
	v13 =	vtrunc.f32 v13;
	v16 =	vsel vm13, $0x43924925, v1;
	v10 =	vcvt.f32.s32 v14  }
0x5e: {  	v14 =	vcvt.f32.s32 v17;
	v17 =	vld [tilespmem:s3+$0x4020];
	v5 =	vadd.s32 v5, v6;
	v6 =	vcvt.f32.s32 v13  }
0x5f: {  	vm1 =	vgt.s32 v19, $0x0;
	v13 =	vcvt.f32.s32 v15;
	v15 =	vld [tilespmem:s3+$0x4030];
	v16 =	vmul.f32 v16, v20  }
0x60: {  	v19 =	vshll.u32 v19, $0xD;
	v18 =	vshll.u32 v18, $0xD;
	v22 =	vsel vm1, $0x43924925, v1;
	v20 =	vld [tilespmem:s3+$0x4060]  }
0x61: {  	v8 =	vadd.s32 v10, v8;
	v10 =	vld [tilespmem:s3+$0x4040];
	v9 =	vadd.s32 v14, v9;
	v16 =	vadd.f32 $4.096000000e+03, v16  }
0x62: {  	v14 =	vshll.u32 v21, $0xD;
	v6 =	vadd.s32 v6, v11;
	v11 =	vld [tilespmem:s3+$0x0];
	v21 =	vsel vm14, $0x43924925, v1  }
0x63: {  	v49 =	vld [tilespmem:s3+$0x60];
	v21 =	vmul.f32 v21, v24;
	v16 =	vmax.f32 v16, $0.0e+00;
	vm15 =	vgt.s32 v17, $0x0  }
0x64: {  	vm4 =	vgt.s32 v15, $0x0;
	v17 =	vshll.u32 v17, $0xD;
	v16 =	vmin.f32 v16, $8.191000000e+03  }
0x65: {  	v28 =	vld [tilespmem:s3+$0x30];
	vm7 =	vgt.s32 v20, $0x0;
	v15 =	vshll.u32 v15, $0xD;
	v25 =	vsel vm15, $0x43924925, v1  }
0x66: {  	v30 =	vld [tilespmem:s3+$0x40];
	v27 =	vsel vm4, $0x43924925, v1;
	v16 =	vtrunc.f32 v16;
	v32 =	vsel vm7, $0x43924925, v1  }
0x67: {  	[tilespmem:v5+s29+$0x0] =	vst.idx.add.s32.msk $0xffff, v2;
	vm5 =	vgt.s32 v10, $0x0;
	v11 =	vmul.f32 v22, v11;
	v16 =	vcvt.f32.s32 v16  }
0x68: {  	v22 =	vld [tilespmem:s3+$0x50];
	v25 =	vmul.f32 v25, v26;
	v5 =	vmul.f32 v32, v49;
	v29 =	vsel vm5, $0x43924925, v1  }
0x69: {  	v11 =	vadd.f32 $4.096000000e+03, v11;
	v16 =	vadd.s32 v16, v18;
	v18 =	vadd.f32 $4.096000000e+03, v21  }
0x6a: {  	[tilespmem:v3+s29+$0x0] =	vst.idx.add.s32.msk $0xffff, v2;
	v21 =	vmul.f32 v27, v28;
	v25 =	vadd.f32 $4.096000000e+03, v25;
	v5 =	vadd.f32 $4.096000000e+03, v5  }
0x6b: {  	[tilespmem:v7+s29+$0x0] =	vst.idx.add.s32.msk $0xffff, v2;
	v50 =	vmul.f32 v29, v30;
	v3 =	vmax.f32 v11, $0.0e+00;
	v11 =	vmax.f32 v18, $0.0e+00  }
0x6c: {  	s6 =	simm.s32 $0x100;
	[tilespmem:v4+s29+$0x0] =	vst.idx.add.s32.msk $0xffff, v2;
	s3 =	simm.s32 $0x800;
	v4 =	vadd.f32 $4.096000000e+03, v21;
	v21 =	vmax.f32 v25, $0.0e+00;
	v5 =	vmax.f32 v5, $0.0e+00  }
0x6d: {  	s4 =	sand.u32 $0x3000, s6;
	s6 =	simm.s32 $0x40;
	[tilespmem:v8+s29+$0x0] =	vst.idx.add.s32.msk $0xffff, v2;
	s7 =	sand.u32 $0xC00, s3;
	v18 =	vmul.f32 v31, v22;
	v22 =	vadd.f32 $4.096000000e+03, v50;
	v3 =	vmin.f32 v3, $8.191000000e+03  }
0x6e: {  	[tilespmem:v9+s29+$0x0] =	vst.idx.add.s32.msk $0xffff, v2;
	s4 =	sor.u32 s7, s4;
	s7 =	sand.u32 $0x380, s6;
	v7 =	vmin.f32 v11, $8.191000000e+03;
	v8 =	vmin.f32 v21, $8.191000000e+03;
	v5 =	vmin.f32 v5, $8.191000000e+03  }
0x6f: {  	[tilespmem:v6+s29+$0x0] =	vst.idx.add.s32.msk $0xffff, v2;
	s4 =	sor.u32 s7, s4;
	v4 =	vmax.f32 v4, $0.0e+00;
	v7 =	vtrunc.f32 v7;
	v6 =	vtrunc.f32 v8  }
0x70: {  	v21 =	vld [tilespmem:s4+$0x4070];
	v18 =	vadd.f32 $4.096000000e+03, v18;
	v11 =	vmax.f32 v22, $0.0e+00;
	v4 =	vmin.f32 v4, $8.191000000e+03  }
0x71: {  	[tilespmem:v16+s29+$0x0] =	vst.idx.add.s32.msk $0xffff, v2;
	v16 =	vtrunc.f32 v3;
	v3 =	vshll.u32 v20, $0xD;
	v20 =	vtrunc.f32 v5  }
0x72: {  	v5 =	vadd.s32 v13, v12;
	v12 =	vld [tilespmem:s4+$0x70];
	v7 =	vcvt.f32.s32 v7;
	v9 =	vmin.f32 v11, $8.191000000e+03  }
0x73: {  	v13 =	vld [tilespmem:s4+$0x4010];
	v4 =	vtrunc.f32 v4;
	v16 =	vcvt.f32.s32 v16;
	v18 =	vmax.f32 v18, $0.0e+00  }
0x74: {  	v8 =	vtrunc.f32 v9;
	v11 =	vmin.f32 v18, $8.191000000e+03;
	v18 =	vshll.u32 v23, $0xD;
	v23 =	vld [tilespmem:s4+$0x4020]  }
0x75: {  	v16 =	vadd.s32 v16, v19;
	v19 =	vcvt.f32.s32 v4;
	v4 =	vcvt.f32.s32 v20;
	v20 =	vld [tilespmem:s4+$0x4030]  }
0x76: {  	v10 =	vshll.u32 v10, $0xD;
	v6 =	vcvt.f32.s32 v6;
	v22 =	vcvt.f32.s32 v8;
	v8 =	vld [tilespmem:s4+$0x4050]  }
0x77: {  	v14 =	vadd.s32 v7, v14;
	vm8 =	vgt.s32 v21, $0x0;
	v9 =	vtrunc.f32 v11;
	v11 =	vld [tilespmem:s4+$0x4000]  }
0x78: {  	v17 =	vadd.s32 v6, v17;
	v21 =	vshll.u32 v21, $0xD;
	v7 =	vsel vm8, $0x43924925, v1  }
0x79: {  	v53 =	vld [tilespmem:s4+$0x10];
	v51 =	vcvt.f32.s32 v9;
	v15 =	vadd.s32 v19, v15;
	v12 =	vmul.f32 v7, v12  }
0x7a: {  	v60 =	vld [tilespmem:s4+$0x50];
	v22 =	vadd.s32 v22, v10;
	vm10 =	vgt.s32 v13, $0x0;
	v7 =	vshll.u32 v13, $0xD  }
0x7b: {  	v19 =	vld [tilespmem:s4+$0x4040];
	v12 =	vadd.f32 $4.096000000e+03, v12;
	vm11 =	vgt.s32 v23, $0x0;
	v10 =	vshll.u32 v23, $0xD  }
0x7c: {  	v9 =	vld [tilespmem:s4+$0x4060];
	vm12 =	vgt.s32 v20, $0x0;
	vm14 =	vgt.s32 v8, $0x0;
	vm9 =	vgt.s32 v11, $0x0  }
0x7d: {  	v13 =	vld [tilespmem:s4+$0x0];
	v6 =	vshll.u32 v11, $0xD;
	v11 =	vadd.s32 v51, v18;
	v18 =	vsel vm10, $0x43924925, v1  }
0x7e: {  	v23 =	vld [tilespmem:s4+$0x20];
	v54 =	vsel vm11, $0x43924925, v1;
	v55 =	vsel vm12, $0x43924925, v1;
	v12 =	vmax.f32 v12, $0.0e+00  }
0x7f: {  	v56 =	vld [tilespmem:s4+$0x30];
	v59 =	vsel vm14, $0x43924925, v1;
	v52 =	vsel vm9, $0x43924925, v1;
	v12 =	vmin.f32 v12, $8.191000000e+03  }
0x80: {  	v58 =	vld [tilespmem:s4+$0x40];
	vm13 =	vgt.s32 v19, $0x0;
	v18 =	vmul.f32 v18, v53;
	v12 =	vtrunc.f32 v12  }
0x81: {  	vm15 =	vgt.s32 v9, $0x0;
	v25 =	vmul.f32 v59, v60;
	v33 =	vcvt.f32.s32 v12  }
0x82: {  	v57 =	vsel vm13, $0x43924925, v1;
	v13 =	vmul.f32 v52, v13;
	v12 =	vshll.u32 v20, $0xD;
	v20 =	vld [tilespmem:s4+$0x60]  }
0x83: {  	[tilespmem:v14+s29+$0x0] =	vst.idx.add.s32.msk $0xffff, v2;
	v61 =	vsel vm15, $0x43924925, v1;
	v23 =	vmul.f32 v54, v23;
	v21 =	vadd.s32 v33, v21  }
0x84: {  	[tilespmem:v16+s29+$0x0] =	vst.idx.add.s32.msk $0xffff, v2;
	v16 =	vadd.f32 $4.096000000e+03, v18;
	v18 =	vmul.f32 v55, v56;
	v62 =	vadd.f32 $4.096000000e+03, v13  }
0x85: {  	[tilespmem:v17+s29+$0x0] =	vst.idx.add.s32.msk $0xffff, v2;
	v13 =	vshll.u32 v19, $0xD;
	v19 =	vadd.f32 $4.096000000e+03, v23;
	v23 =	vmul.f32 v57, v58  }
0x86: {  	[tilespmem:v15+s29+$0x0] =	vst.idx.add.s32.msk $0xffff, v2;
	v16 =	vmax.f32 v16, $0.0e+00;
	v63 =	vadd.f32 $4.096000000e+03, v18;
	v14 =	vmax.f32 v62, $0.0e+00  }
0x87: {  	[tilespmem:v22+s29+$0x0] =	vst.idx.add.s32.msk $0xffff, v2;
	v14 =	vmin.f32 v14, $8.191000000e+03;
	v17 =	vadd.f32 $4.096000000e+03, v23;
	v18 =	vmul.f32 v61, v20  }
0x88: {  	s4 =	simm.s32 $0x10;
	v15 =	vmax.f32 v19, $0.0e+00;
	v19 =	vmax.f32 v63, $0.0e+00;
	v20 =	vadd.f32 $4.096000000e+03, v25;
	[tilespmem:v21+s29+$0x0] =	vst.idx.add.s32.msk $0xffff, v2  }
.LBB2_4:
0x89: {  	s4 =	sadd.s32 $0x8, s4;
	v16 =	vmin.f32 v16, $8.191000000e+03;
	v17 =	vmax.f32 v17, $0.0e+00;
	v18 =	vadd.f32 $4.096000000e+03, v18;
	[tilespmem:v11+s29+$0x0] =	vst.idx.add.s32.msk $0xffff, v2  }
0x8a: {  	v11 =	vmin.f32 v15, $8.191000000e+03;
	v15 =	vmin.f32 v19, $8.191000000e+03;
	s3 =	sadd.s32 $0x400, s3;
	s5 =	sshll.u32 s4, $0x4;
	p0 =	slt.u32 s4, $0x3F8;
	v19 =	vmax.f32 v20, $0.0e+00;
	[tilespmem:v5+s29+$0x0] =	vst.idx.add.s32.msk $0xffff, v2  }
0x8b: {  	s6 =	sand.u32 $0xC00, s3;
	s7 =	sshll.u32 s4, $0x2;
	v5 =	vmin.f32 v17, $8.191000000e+03;
	s5 =	sand.u32 $0x3000, s5;
	v17 =	vmin.f32 v19, $8.191000000e+03;
	v18 =	vmax.f32 v18, $0.0e+00  }
0x8c: {  	v14 =	vtrunc.f32 v14;
	v16 =	vtrunc.f32 v16;
	s5 =	sor.u32 s6, s5;
	s6 =	sand.u32 $0x380, s7;
	v18 =	vmin.f32 v18, $8.191000000e+03  }
0x8d: {  	v11 =	vtrunc.f32 v11;
	v15 =	vtrunc.f32 v15;
	v19 =	vshll.u32 v8, $0xD;
	s5 =	sor.u32 s6, s5  }
0x8e: {  	v9 =	vshll.u32 v9, $0xD;
	v8 =	vtrunc.f32 v5;
	v17 =	vtrunc.f32 v17;
	v20 =	vld [tilespmem:s5+$0x4070]  }
0x8f: {  	v14 =	vcvt.f32.s32 v14;
	v5 =	vadd.s32 v4, v3;
	v3 =	vmovc v9;
	v18 =	vtrunc.f32 v18;
	v21 =	vld [tilespmem:s5+$0x4000]  }
0x90: {  	v4 =	vcvt.f32.s32 v16;
	v11 =	vcvt.f32.s32 v11;
	v9 =	vld [tilespmem:s5+$0x70]  }
0x91: {  	v14 =	vadd.s32 v14, v6;
	v6 =	vcvt.f32.s32 v15;
	v15 =	vcvt.f32.s32 v8;
	v16 =	vld [tilespmem:s5+$0x4010]  }
0x92: {  	v23 =	vadd.s32 v4, v7;
	v17 =	vcvt.f32.s32 v17;
	v4 =	vcvt.f32.s32 v18;
	v22 =	vld [tilespmem:s5+$0x4020]  }
0x93: {  	v24 =	vadd.s32 v11, v10;
	v25 =	vadd.s32 v6, v12;
	v18 =	vld [tilespmem:s5+$0x4030];
	vm0 =	vgt.s32 v20, $0x0  }
0x94: {  	vm1 =	vgt.s32 v21, $0x0;
	v6 =	vshll.u32 v21, $0xD;
	v21 =	vld [tilespmem:s5+$0x4040];
	v7 =	vsel vm0, $0x43924925, v1  }
0x95: {  	v26 =	vadd.s32 v15, v13;
	v12 =	vsel vm1, $0x43924925, v1;
	v8 =	vld [tilespmem:s5+$0x4050];
	v10 =	vmul.f32 v7, v9  }
0x96: {  	v11 =	vadd.s32 v17, v19;
	vm0 =	vgt.s32 v16, $0x0;
	v7 =	vshll.u32 v16, $0xD;
	v9 =	vld [tilespmem:s5+$0x4060]  }
0x97: {  	v13 =	vld [tilespmem:s5+$0x0];
	v15 =	vsel vm0, $0x43924925, v1;
	vm0 =	vgt.s32 v22, $0x0;
	v16 =	vadd.f32 $4.096000000e+03, v10  }
0x98: {  	v10 =	vshll.u32 v22, $0xD;
	v17 =	vld [tilespmem:s5+$0x10];
	v19 =	vsel vm0, $0x43924925, v1;
	vm0 =	vgt.s32 v18, $0x0  }
0x99: {  	v22 =	vld [tilespmem:s5+$0x20];
	v27 =	vsel vm0, $0x43924925, v1;
	vm0 =	vgt.s32 v21, $0x0;
	v16 =	vmax.f32 v16, $0.0e+00  }
0x9a: {  	v28 =	vld [tilespmem:s5+$0x30];
	v29 =	vsel vm0, $0x43924925, v1;
	vm0 =	vgt.s32 v8, $0x0;
	v16 =	vmin.f32 v16, $8.191000000e+03  }
0x9b: {  	v30 =	vld [tilespmem:s5+$0x40];
	v31 =	vsel vm0, $0x43924925, v1;
	vm0 =	vgt.s32 v9, $0x0;
	v16 =	vtrunc.f32 v16  }
0x9c: {  	v13 =	vmul.f32 v12, v13;
	v32 =	vld [tilespmem:s5+$0x50];
	v33 =	vsel vm0, $0x43924925, v1;
	v16 =	vcvt.f32.s32 v16  }
0x9d: {  	v12 =	vshll.u32 v18, $0xD;
	v15 =	vmul.f32 v15, v17;
	v18 =	vld [tilespmem:s5+$0x60];
	v17 =	vshll.u32 v20, $0xD  }
0x9e: {  	v20 =	vadd.f32 $4.096000000e+03, v13;
	v19 =	vmul.f32 v19, v22;
	v22 =	vadd.s32 v16, v17;
	[tilespmem:v14+s29+$0x0] =	vst.idx.add.s32.msk $0xffff, v2  }
.Ltmp1:
0x9f: {  	v13 =	vshll.u32 v21, $0xD;
	v14 =	vadd.f32 $4.096000000e+03, v15;
	v15 =	vmul.f32 v27, v28;
	[tilespmem:v23+s29+$0x0] =	vst.idx.add.s32.msk $0xffff, v2;
	(pc) =	sbr.rel @p0 .LBB2_4-.Ltmp1, $4  }
0xa0: {  	v20 =	vmax.f32 v20, $0.0e+00;
	v17 =	vadd.f32 $4.096000000e+03, v19;
	v19 =	vmul.f32 v29, v30;
	[tilespmem:v24+s29+$0x0] =	vst.idx.add.s32.msk $0xffff, v2  }
0xa1: {  	v16 =	vmax.f32 v14, $0.0e+00;
	v21 =	vadd.f32 $4.096000000e+03, v15;
	v23 =	vmul.f32 v31, v32;
	[tilespmem:v25+s29+$0x0] =	vst.idx.add.s32.msk $0xffff, v2  }
0xa2: {  	v15 =	vmax.f32 v17, $0.0e+00;
	v17 =	vadd.f32 $4.096000000e+03, v19;
	v18 =	vmul.f32 v33, v18;
	[tilespmem:v26+s29+$0x0] =	vst.idx.add.s32.msk $0xffff, v2  }
0xa3: {  	v14 =	vmin.f32 v20, $8.191000000e+03;
	v19 =	vmax.f32 v21, $0.0e+00;
	v20 =	vadd.f32 $4.096000000e+03, v23;
	[tilespmem:v22+s29+$0x0] =	vst.idx.add.s32.msk $0xffff, v2  }
0xa4: {  	_ =	sdelay $0x1  }
0xa5: {  	v16 =	vmin.f32 v16, $8.191000000e+03;
	v17 =	vmax.f32 v17, $0.0e+00  }
0xa6: {  	v18 =	vadd.f32 $4.096000000e+03, v18;
	v15 =	vmin.f32 v15, $8.191000000e+03;
	v19 =	vmin.f32 v19, $8.191000000e+03  }
0xa7: {  	v14 =	vtrunc.f32 v14;
	[tilespmem:v5+s29+$0x0] =	vst.idx.add.s32.msk $0xffff, v2;
	v5 =	vshll.u32 v8, $0xD;
	v3 =	vadd.s32 v4, v3  }
0xa8: {  	v20 =	vmax.f32 v20, $0.0e+00;
	v16 =	vtrunc.f32 v16;
	v14 =	vcvt.f32.s32 v14  }
0xa9: {  	v17 =	vmin.f32 v17, $8.191000000e+03;
	v15 =	vtrunc.f32 v15;
	v19 =	vtrunc.f32 v19  }
0xaa: {  	v20 =	vmin.f32 v20, $8.191000000e+03;
	v18 =	vmax.f32 v18, $0.0e+00;
	v16 =	vcvt.f32.s32 v16  }
0xab: {  	v15 =	vcvt.f32.s32 v15;
	v6 =	vadd.s32 v14, v6;
	v14 =	vtrunc.f32 v17  }
0xac: {  	[tilespmem:v11+s29+$0x0] =	vst.idx.add.s32.msk $0xffff, v2;
	v17 =	vcvt.f32.s32 v19;
	v11 =	vmin.f32 v18, $8.191000000e+03;
	v7 =	vadd.s32 v16, v7  }
0xad: {  	v16 =	vtrunc.f32 v20;
	v14 =	vcvt.f32.s32 v14;
	v10 =	vadd.s32 v15, v10  }
0xae: {  	v8 =	vtrunc.f32 v11;
	v15 =	vcvt.f32.s32 v16;
	v12 =	vadd.s32 v17, v12  }
0xaf: {  	v8 =	vcvt.f32.s32 v8;
	[tilespmem:v3+s29+$0x0] =	vst.idx.add.s32.msk $0xffff, v2;
	v11 =	vadd.s32 v14, v13  }
0xb0: {  	v5 =	vadd.s32 v15, v5;
	[tilespmem:v6+s29+$0x0] =	vst.idx.add.s32.msk $0xffff, v2;
	v6 =	vshll.u32 v9, $0xD  }
0xb1: {  	[tilespmem:v7+s29+$0x0] =	vst.idx.add.s32.msk $0xffff, v2;
	v4 =	vadd.s32 v8, v6  }
0xb2: {  	[tilespmem:v10+s29+$0x0] =	vst.idx.add.s32.msk $0xffff, v2  }
0xb3: {  	[tilespmem:v12+s29+$0x0] =	vst.idx.add.s32.msk $0xffff, v2  }
0xb4: {  	[tilespmem:v11+s29+$0x0] =	vst.idx.add.s32.msk $0xffff, v2  }
0xb5: {  	[tilespmem:v5+s29+$0x0] =	vst.idx.add.s32.msk $0xffff, v2  }
0xb6: {  	[tilespmem:v4+s29+$0x0] =	vst.idx.add.s32.msk $0xffff, v2  }
0xb7: {  	_ =	swait.ge [sflag:s30], $0x4000  }
0xb8: {  	[sflag:s30] =	ssyncset.done $0x0  }
0xb9: {  	[sflag:s30] =	ssyncadd.s32 $0xFFFFC000  }
0xba: {  	_ =	swait.ge [sflag:s31], $0x4000  }
0xbb: {  	[sflag:s31] =	ssyncset.done $0x0  }
0xbc: {  	s3 =	simm.s32 $0x0;
	[sflag:s31] =	ssyncadd.s32 $0xFFFFC000  }
0xbd: {  	[tilespmem:s3], [sflag:$0x1] =	stream.linear.gather [hbm4b:s9+s3], $0x4000, $0x38;
	[tilespmem:$0x1C000] =	vst v63  }
0xbe: {  	s4 =	simm.s32 $0x0  }
0xbf: {  	[tilespmem:s21], [sflag:$0x2] =	stream.linear.gather [hbm4b:s10+s3], $0x4000, $0x38;
	[tilespmem:$0x1C000] =	vst v63  }
0xc0: {  	s5 =	simm.s32 $0x0;
	s4 =	sand.u32 $0x3000, s4;
	s3 =	sand.u32 $0xC00, s3  }
0xc1: {  	s7 =	sand.u32 $0x380, s5;
	s3 =	sor.u32 s3, s4  }
0xc2: {  	s3 =	sor.u32 s7, s3  }
0xc3: {  	v3 =	vld [tilespmem:s3+$0xC070]  }
0xc4: {  	v4 =	vld [tilespmem:s3+$0xC000]  }
0xc5: {  	v6 =	vld [tilespmem:s3+$0xC010]  }
0xc6: {  	v7 =	vld [tilespmem:s3+$0xC020]  }
0xc7: {  	v8 =	vld [tilespmem:s3+$0xC030]  }
0xc8: {  	v9 =	vld [tilespmem:s3+$0xC040]  }
0xc9: {  	v11 =	vld [tilespmem:s3+$0xC050]  }
0xca: {  	v12 =	vld [tilespmem:s3+$0xC060]  }
0xcb: {  	v5 =	vld [tilespmem:s3+$0x8070]  }
0xcc: {  	v13 =	vld [tilespmem:s3+$0x8000];
	vm0 =	vgt.s32 v3, $0x0;
	vm6 =	vgt.s32 v4, $0x0  }
0xcd: {  	v15 =	vld [tilespmem:s3+$0x8010];
	v4 =	vshll.u32 v4, $0xD;
	vm7 =	vgt.s32 v6, $0x0;
	v6 =	vshll.u32 v6, $0xD  }
0xce: {  	v17 =	vld [tilespmem:s3+$0x8020];
	vm8 =	vgt.s32 v7, $0x0;
	v7 =	vshll.u32 v7, $0xD;
	vm9 =	vgt.s32 v8, $0x0  }
0xcf: {  	v21 =	vld [tilespmem:s3+$0x8040];
	vm10 =	vgt.s32 v9, $0x0;
	vm11 =	vgt.s32 v11, $0x0;
	vm12 =	vgt.s32 v12, $0x0  }
0xd0: {  	v8 =	vshll.u32 v8, $0xD;
	v3 =	vshll.u32 v3, $0xD;
	v9 =	vshll.u32 v9, $0xD  }
0xd1: {  	v11 =	vshll.u32 v11, $0xD;
	v10 =	vsel vm0, $0x43924925, v1;
	v14 =	vsel vm7, $0x43924925, v1  }
0xd2: {  	v16 =	vsel vm8, $0x43924925, v1;
	v20 =	vsel vm10, $0x43924925, v1;
	v5 =	vmul.f32 v10, v5  }
0xd3: {  	v10 =	vsel vm6, $0x43924925, v1;
	v14 =	vmul.f32 v14, v15;
	v16 =	vmul.f32 v16, v17  }
0xd4: {  	v12 =	vshll.u32 v12, $0xD;
	v15 =	vld [tilespmem:s3+$0x8060];
	v17 =	vmul.f32 v20, v21;
	v10 =	vmul.f32 v10, v13  }
0xd5: {  	v18 =	vsel vm9, $0x43924925, v1;
	v13 =	vld [tilespmem:s3+$0x8050];
	v5 =	vadd.f32 $4.096000000e+03, v5;
	v16 =	vadd.f32 $4.096000000e+03, v16  }
0xd6: {  	s6 =	simm.s32 $0x400;
	s5 =	simm.s32 $0x80;
	v22 =	vsel vm11, $0x43924925, v1;
	v17 =	vadd.f32 $4.096000000e+03, v17;
	v10 =	vadd.f32 $4.096000000e+03, v10  }
0xd7: {  	s4 =	sand.u32 $0xC00, s6;
	s7 =	simm.s32 $0x20;
	v19 =	vld [tilespmem:s3+$0x8030];
	v23 =	vsel vm12, $0x43924925, v1;
	s3 =	sand.u32 $0x3000, s5;
	v5 =	vmax.f32 v5, $0.0e+00;
	v16 =	vmax.f32 v16, $0.0e+00  }
0xd8: {  	s5 =	sand.u32 $0x380, s7;
	s3 =	sor.u32 s4, s3;
	v17 =	vmax.f32 v17, $0.0e+00;
	v5 =	vmin.f32 v5, $8.191000000e+03;
	v10 =	vmax.f32 v10, $0.0e+00  }
0xd9: {  	s3 =	sor.u32 s5, s3;
	v15 =	vmul.f32 v23, v15;
	v16 =	vmin.f32 v16, $8.191000000e+03;
	v5 =	vtrunc.f32 v5  }
0xda: {  	v21 =	vld [tilespmem:s3+$0xC010];
	v17 =	vmin.f32 v17, $8.191000000e+03;
	v13 =	vmul.f32 v22, v13;
	v16 =	vtrunc.f32 v16  }
0xdb: {  	v10 =	vmin.f32 v10, $8.191000000e+03;
	v17 =	vtrunc.f32 v17;
	v5 =	vcvt.f32.s32 v5  }
0xdc: {  	v23 =	vld [tilespmem:s3+$0xC050];
	v15 =	vadd.f32 $4.096000000e+03, v15;
	v10 =	vtrunc.f32 v10;
	v16 =	vcvt.f32.s32 v16  }
0xdd: {  	v13 =	vadd.f32 $4.096000000e+03, v13;
	v10 =	vcvt.f32.s32 v10;
	v3 =	vadd.s32 v5, v3  }
0xde: {  	v5 =	vadd.f32 $4.096000000e+03, v14;
	v14 =	vmul.f32 v18, v19;
	v15 =	vmax.f32 v15, $0.0e+00  }
0xdf: {  	v18 =	vld [tilespmem:s3+$0xC070];
	v7 =	vadd.s32 v16, v7;
	vm14 =	vgt.s32 v21, $0x0;
	v13 =	vmax.f32 v13, $0.0e+00  }
0xe0: {  	v15 =	vmin.f32 v15, $8.191000000e+03;
	v4 =	vadd.s32 v10, v4;
	v14 =	vadd.f32 $4.096000000e+03, v14  }
0xe1: {  	v20 =	vld [tilespmem:s3+$0x8070];
	vm6 =	vgt.s32 v23, $0x0;
	v5 =	vmax.f32 v5, $0.0e+00;
	v13 =	vmin.f32 v13, $8.191000000e+03  }
0xe2: {  	v19 =	vld [tilespmem:s3+$0xC000];
	v15 =	vtrunc.f32 v15;
	v5 =	vmin.f32 v5, $8.191000000e+03;
	v14 =	vmax.f32 v14, $0.0e+00  }
0xe3: {  	v31 =	vsel vm6, $0x43924925, v1;
	v5 =	vtrunc.f32 v5;
	v14 =	vmin.f32 v14, $8.191000000e+03  }
0xe4: {  	v24 =	vld [tilespmem:s3+$0x8010];
	v5 =	vcvt.f32.s32 v5;
	vm13 =	vgt.s32 v18, $0x0;
	v14 =	vtrunc.f32 v14  }
0xe5: {  	v26 =	vld [tilespmem:s3+$0x8020];
	v13 =	vtrunc.f32 v13;
	v16 =	vsel vm13, $0x43924925, v1;
	v10 =	vcvt.f32.s32 v14  }
0xe6: {  	v14 =	vcvt.f32.s32 v17;
	v17 =	vld [tilespmem:s3+$0xC020];
	v5 =	vadd.s32 v5, v6;
	v6 =	vcvt.f32.s32 v13  }
0xe7: {  	vm1 =	vgt.s32 v19, $0x0;
	v13 =	vcvt.f32.s32 v15;
	v15 =	vld [tilespmem:s3+$0xC030];
	v16 =	vmul.f32 v16, v20  }
0xe8: {  	v19 =	vshll.u32 v19, $0xD;
	v18 =	vshll.u32 v18, $0xD;
	v22 =	vsel vm1, $0x43924925, v1;
	v20 =	vld [tilespmem:s3+$0xC060]  }
0xe9: {  	v8 =	vadd.s32 v10, v8;
	v10 =	vld [tilespmem:s3+$0xC040];
	v9 =	vadd.s32 v14, v9;
	v16 =	vadd.f32 $4.096000000e+03, v16  }
0xea: {  	v14 =	vshll.u32 v21, $0xD;
	v6 =	vadd.s32 v6, v11;
	v11 =	vld [tilespmem:s3+$0x8000];
	v21 =	vsel vm14, $0x43924925, v1  }
0xeb: {  	v49 =	vld [tilespmem:s3+$0x8060];
	v21 =	vmul.f32 v21, v24;
	v16 =	vmax.f32 v16, $0.0e+00;
	vm15 =	vgt.s32 v17, $0x0  }
0xec: {  	vm4 =	vgt.s32 v15, $0x0;
	v17 =	vshll.u32 v17, $0xD;
	v16 =	vmin.f32 v16, $8.191000000e+03  }
0xed: {  	v28 =	vld [tilespmem:s3+$0x8030];
	vm7 =	vgt.s32 v20, $0x0;
	v15 =	vshll.u32 v15, $0xD;
	v25 =	vsel vm15, $0x43924925, v1  }
0xee: {  	v30 =	vld [tilespmem:s3+$0x8040];
	v27 =	vsel vm4, $0x43924925, v1;
	v16 =	vtrunc.f32 v16;
	v32 =	vsel vm7, $0x43924925, v1  }
0xef: {  	[tilespmem:v5+s29+$0x0] =	vst.idx.add.s32.msk $0xffff, v2;
	vm5 =	vgt.s32 v10, $0x0;
	v11 =	vmul.f32 v22, v11;
	v16 =	vcvt.f32.s32 v16  }
0xf0: {  	v22 =	vld [tilespmem:s3+$0x8050];
	v25 =	vmul.f32 v25, v26;
	v5 =	vmul.f32 v32, v49;
	v29 =	vsel vm5, $0x43924925, v1  }
0xf1: {  	v11 =	vadd.f32 $4.096000000e+03, v11;
	v16 =	vadd.s32 v16, v18;
	v18 =	vadd.f32 $4.096000000e+03, v21  }
0xf2: {  	[tilespmem:v3+s29+$0x0] =	vst.idx.add.s32.msk $0xffff, v2;
	v21 =	vmul.f32 v27, v28;
	v25 =	vadd.f32 $4.096000000e+03, v25;
	v5 =	vadd.f32 $4.096000000e+03, v5  }
0xf3: {  	[tilespmem:v7+s29+$0x0] =	vst.idx.add.s32.msk $0xffff, v2;
	v50 =	vmul.f32 v29, v30;
	v3 =	vmax.f32 v11, $0.0e+00;
	v11 =	vmax.f32 v18, $0.0e+00  }
0xf4: {  	s6 =	simm.s32 $0x100;
	[tilespmem:v4+s29+$0x0] =	vst.idx.add.s32.msk $0xffff, v2;
	s3 =	simm.s32 $0x800;
	v4 =	vadd.f32 $4.096000000e+03, v21;
	v21 =	vmax.f32 v25, $0.0e+00;
	v5 =	vmax.f32 v5, $0.0e+00  }
0xf5: {  	s4 =	sand.u32 $0x3000, s6;
	s6 =	simm.s32 $0x40;
	[tilespmem:v8+s29+$0x0] =	vst.idx.add.s32.msk $0xffff, v2;
	s7 =	sand.u32 $0xC00, s3;
	v18 =	vmul.f32 v31, v22;
	v22 =	vadd.f32 $4.096000000e+03, v50;
	v3 =	vmin.f32 v3, $8.191000000e+03  }
0xf6: {  	[tilespmem:v9+s29+$0x0] =	vst.idx.add.s32.msk $0xffff, v2;
	s4 =	sor.u32 s7, s4;
	s7 =	sand.u32 $0x380, s6;
	v7 =	vmin.f32 v11, $8.191000000e+03;
	v8 =	vmin.f32 v21, $8.191000000e+03;
	v5 =	vmin.f32 v5, $8.191000000e+03  }
0xf7: {  	[tilespmem:v6+s29+$0x0] =	vst.idx.add.s32.msk $0xffff, v2;
	s4 =	sor.u32 s7, s4;
	v4 =	vmax.f32 v4, $0.0e+00;
	v7 =	vtrunc.f32 v7;
	v6 =	vtrunc.f32 v8  }
0xf8: {  	v21 =	vld [tilespmem:s4+$0xC070];
	v18 =	vadd.f32 $4.096000000e+03, v18;
	v11 =	vmax.f32 v22, $0.0e+00;
	v4 =	vmin.f32 v4, $8.191000000e+03  }
0xf9: {  	[tilespmem:v16+s29+$0x0] =	vst.idx.add.s32.msk $0xffff, v2;
	v16 =	vtrunc.f32 v3;
	v3 =	vshll.u32 v20, $0xD;
	v20 =	vtrunc.f32 v5  }
0xfa: {  	v5 =	vadd.s32 v13, v12;
	v12 =	vld [tilespmem:s4+$0x8070];
	v7 =	vcvt.f32.s32 v7;
	v9 =	vmin.f32 v11, $8.191000000e+03  }
0xfb: {  	v13 =	vld [tilespmem:s4+$0xC010];
	v4 =	vtrunc.f32 v4;
	v16 =	vcvt.f32.s32 v16;
	v18 =	vmax.f32 v18, $0.0e+00  }
0xfc: {  	v8 =	vtrunc.f32 v9;
	v11 =	vmin.f32 v18, $8.191000000e+03;
	v18 =	vshll.u32 v23, $0xD;
	v23 =	vld [tilespmem:s4+$0xC020]  }
0xfd: {  	v16 =	vadd.s32 v16, v19;
	v19 =	vcvt.f32.s32 v4;
	v4 =	vcvt.f32.s32 v20;
	v20 =	vld [tilespmem:s4+$0xC030]  }
0xfe: {  	v10 =	vshll.u32 v10, $0xD;
	v6 =	vcvt.f32.s32 v6;
	v22 =	vcvt.f32.s32 v8;
	v8 =	vld [tilespmem:s4+$0xC050]  }
0xff: {  	v14 =	vadd.s32 v7, v14;
	vm8 =	vgt.s32 v21, $0x0;
	v9 =	vtrunc.f32 v11;
	v11 =	vld [tilespmem:s4+$0xC000]  }
0x100: {  	v17 =	vadd.s32 v6, v17;
	v21 =	vshll.u32 v21, $0xD;
	v7 =	vsel vm8, $0x43924925, v1  }
0x101: {  	v53 =	vld [tilespmem:s4+$0x8010];
	v51 =	vcvt.f32.s32 v9;
	v15 =	vadd.s32 v19, v15;
	v12 =	vmul.f32 v7, v12  }
0x102: {  	v60 =	vld [tilespmem:s4+$0x8050];
	v22 =	vadd.s32 v22, v10;
	vm10 =	vgt.s32 v13, $0x0;
	v7 =	vshll.u32 v13, $0xD  }
0x103: {  	v19 =	vld [tilespmem:s4+$0xC040];
	v12 =	vadd.f32 $4.096000000e+03, v12;
	vm11 =	vgt.s32 v23, $0x0;
	v10 =	vshll.u32 v23, $0xD  }
0x104: {  	v9 =	vld [tilespmem:s4+$0xC060];
	vm12 =	vgt.s32 v20, $0x0;
	vm14 =	vgt.s32 v8, $0x0;
	vm9 =	vgt.s32 v11, $0x0  }
0x105: {  	v13 =	vld [tilespmem:s4+$0x8000];
	v6 =	vshll.u32 v11, $0xD;
	v11 =	vadd.s32 v51, v18;
	v18 =	vsel vm10, $0x43924925, v1  }
0x106: {  	v23 =	vld [tilespmem:s4+$0x8020];
	v54 =	vsel vm11, $0x43924925, v1;
	v55 =	vsel vm12, $0x43924925, v1;
	v12 =	vmax.f32 v12, $0.0e+00  }
0x107: {  	v56 =	vld [tilespmem:s4+$0x8030];
	v59 =	vsel vm14, $0x43924925, v1;
	v52 =	vsel vm9, $0x43924925, v1;
	v12 =	vmin.f32 v12, $8.191000000e+03  }
0x108: {  	v58 =	vld [tilespmem:s4+$0x8040];
	vm13 =	vgt.s32 v19, $0x0;
	v18 =	vmul.f32 v18, v53;
	v12 =	vtrunc.f32 v12  }
0x109: {  	vm15 =	vgt.s32 v9, $0x0;
	v25 =	vmul.f32 v59, v60;
	v33 =	vcvt.f32.s32 v12  }
0x10a: {  	v57 =	vsel vm13, $0x43924925, v1;
	v13 =	vmul.f32 v52, v13;
	v12 =	vshll.u32 v20, $0xD;
	v20 =	vld [tilespmem:s4+$0x8060]  }
0x10b: {  	[tilespmem:v14+s29+$0x0] =	vst.idx.add.s32.msk $0xffff, v2;
	v61 =	vsel vm15, $0x43924925, v1;
	v23 =	vmul.f32 v54, v23;
	v21 =	vadd.s32 v33, v21  }
0x10c: {  	[tilespmem:v16+s29+$0x0] =	vst.idx.add.s32.msk $0xffff, v2;
	v16 =	vadd.f32 $4.096000000e+03, v18;
	v18 =	vmul.f32 v55, v56;
	v62 =	vadd.f32 $4.096000000e+03, v13  }
0x10d: {  	[tilespmem:v17+s29+$0x0] =	vst.idx.add.s32.msk $0xffff, v2;
	v13 =	vshll.u32 v19, $0xD;
	v19 =	vadd.f32 $4.096000000e+03, v23;
	v23 =	vmul.f32 v57, v58  }
0x10e: {  	[tilespmem:v15+s29+$0x0] =	vst.idx.add.s32.msk $0xffff, v2;
	v16 =	vmax.f32 v16, $0.0e+00;
	v63 =	vadd.f32 $4.096000000e+03, v18;
	v14 =	vmax.f32 v62, $0.0e+00  }
0x10f: {  	[tilespmem:v22+s29+$0x0] =	vst.idx.add.s32.msk $0xffff, v2;
	v14 =	vmin.f32 v14, $8.191000000e+03;
	v17 =	vadd.f32 $4.096000000e+03, v23;
	v18 =	vmul.f32 v61, v20  }
0x110: {  	s4 =	simm.s32 $0x10;
	v15 =	vmax.f32 v19, $0.0e+00;
	v19 =	vmax.f32 v63, $0.0e+00;
	v20 =	vadd.f32 $4.096000000e+03, v25;
	[tilespmem:v21+s29+$0x0] =	vst.idx.add.s32.msk $0xffff, v2  }
.LBB2_6:
0x111: {  	s4 =	sadd.s32 $0x8, s4;
	v16 =	vmin.f32 v16, $8.191000000e+03;
	v17 =	vmax.f32 v17, $0.0e+00;
	v18 =	vadd.f32 $4.096000000e+03, v18;
	[tilespmem:v11+s29+$0x0] =	vst.idx.add.s32.msk $0xffff, v2  }
0x112: {  	v11 =	vmin.f32 v15, $8.191000000e+03;
	v15 =	vmin.f32 v19, $8.191000000e+03;
	s3 =	sadd.s32 $0x400, s3;
	s5 =	sshll.u32 s4, $0x4;
	p0 =	slt.u32 s4, $0x3F8;
	v19 =	vmax.f32 v20, $0.0e+00;
	[tilespmem:v5+s29+$0x0] =	vst.idx.add.s32.msk $0xffff, v2  }
0x113: {  	s6 =	sand.u32 $0xC00, s3;
	s7 =	sshll.u32 s4, $0x2;
	v5 =	vmin.f32 v17, $8.191000000e+03;
	s5 =	sand.u32 $0x3000, s5;
	v17 =	vmin.f32 v19, $8.191000000e+03;
	v18 =	vmax.f32 v18, $0.0e+00  }
0x114: {  	v14 =	vtrunc.f32 v14;
	v16 =	vtrunc.f32 v16;
	s5 =	sor.u32 s6, s5;
	s6 =	sand.u32 $0x380, s7;
	v18 =	vmin.f32 v18, $8.191000000e+03  }
0x115: {  	v11 =	vtrunc.f32 v11;
	v15 =	vtrunc.f32 v15;
	v19 =	vshll.u32 v8, $0xD;
	s5 =	sor.u32 s6, s5  }
0x116: {  	v9 =	vshll.u32 v9, $0xD;
	v8 =	vtrunc.f32 v5;
	v17 =	vtrunc.f32 v17;
	v20 =	vld [tilespmem:s5+$0xC070]  }
0x117: {  	v14 =	vcvt.f32.s32 v14;
	v5 =	vadd.s32 v4, v3;
	v3 =	vmovc v9;
	v18 =	vtrunc.f32 v18;
	v21 =	vld [tilespmem:s5+$0xC000]  }
0x118: {  	v4 =	vcvt.f32.s32 v16;
	v11 =	vcvt.f32.s32 v11;
	v9 =	vld [tilespmem:s5+$0x8070]  }
0x119: {  	v14 =	vadd.s32 v14, v6;
	v6 =	vcvt.f32.s32 v15;
	v15 =	vcvt.f32.s32 v8;
	v16 =	vld [tilespmem:s5+$0xC010]  }
0x11a: {  	v23 =	vadd.s32 v4, v7;
	v17 =	vcvt.f32.s32 v17;
	v4 =	vcvt.f32.s32 v18;
	v22 =	vld [tilespmem:s5+$0xC020]  }
0x11b: {  	v24 =	vadd.s32 v11, v10;
	v25 =	vadd.s32 v6, v12;
	v18 =	vld [tilespmem:s5+$0xC030];
	vm0 =	vgt.s32 v20, $0x0  }
0x11c: {  	vm1 =	vgt.s32 v21, $0x0;
	v6 =	vshll.u32 v21, $0xD;
	v21 =	vld [tilespmem:s5+$0xC040];
	v7 =	vsel vm0, $0x43924925, v1  }
0x11d: {  	v26 =	vadd.s32 v15, v13;
	v12 =	vsel vm1, $0x43924925, v1;
	v8 =	vld [tilespmem:s5+$0xC050];
	v10 =	vmul.f32 v7, v9  }
0x11e: {  	v11 =	vadd.s32 v17, v19;
	vm0 =	vgt.s32 v16, $0x0;
	v7 =	vshll.u32 v16, $0xD;
	v9 =	vld [tilespmem:s5+$0xC060]  }
0x11f: {  	v13 =	vld [tilespmem:s5+$0x8000];
	v15 =	vsel vm0, $0x43924925, v1;
	vm0 =	vgt.s32 v22, $0x0;
	v16 =	vadd.f32 $4.096000000e+03, v10  }
0x120: {  	v10 =	vshll.u32 v22, $0xD;
	v17 =	vld [tilespmem:s5+$0x8010];
	v19 =	vsel vm0, $0x43924925, v1;
	vm0 =	vgt.s32 v18, $0x0  }
0x121: {  	v22 =	vld [tilespmem:s5+$0x8020];
	v27 =	vsel vm0, $0x43924925, v1;
	vm0 =	vgt.s32 v21, $0x0;
	v16 =	vmax.f32 v16, $0.0e+00  }
0x122: {  	v28 =	vld [tilespmem:s5+$0x8030];
	v29 =	vsel vm0, $0x43924925, v1;
	vm0 =	vgt.s32 v8, $0x0;
	v16 =	vmin.f32 v16, $8.191000000e+03  }
0x123: {  	v30 =	vld [tilespmem:s5+$0x8040];
	v31 =	vsel vm0, $0x43924925, v1;
	vm0 =	vgt.s32 v9, $0x0;
	v16 =	vtrunc.f32 v16  }
0x124: {  	v13 =	vmul.f32 v12, v13;
	v32 =	vld [tilespmem:s5+$0x8050];
	v33 =	vsel vm0, $0x43924925, v1;
	v16 =	vcvt.f32.s32 v16  }
0x125: {  	v12 =	vshll.u32 v18, $0xD;
	v15 =	vmul.f32 v15, v17;
	v18 =	vld [tilespmem:s5+$0x8060];
	v17 =	vshll.u32 v20, $0xD  }
0x126: {  	v20 =	vadd.f32 $4.096000000e+03, v13;
	v19 =	vmul.f32 v19, v22;
	v22 =	vadd.s32 v16, v17;
	[tilespmem:v14+s29+$0x0] =	vst.idx.add.s32.msk $0xffff, v2  }
.Ltmp2:
0x127: {  	v13 =	vshll.u32 v21, $0xD;
	v14 =	vadd.f32 $4.096000000e+03, v15;
	v15 =	vmul.f32 v27, v28;
	[tilespmem:v23+s29+$0x0] =	vst.idx.add.s32.msk $0xffff, v2;
	(pc) =	sbr.rel @p0 .LBB2_6-.Ltmp2, $4  }
0x128: {  	v20 =	vmax.f32 v20, $0.0e+00;
	v17 =	vadd.f32 $4.096000000e+03, v19;
	v19 =	vmul.f32 v29, v30;
	[tilespmem:v24+s29+$0x0] =	vst.idx.add.s32.msk $0xffff, v2  }
0x129: {  	v16 =	vmax.f32 v14, $0.0e+00;
	v21 =	vadd.f32 $4.096000000e+03, v15;
	v23 =	vmul.f32 v31, v32;
	[tilespmem:v25+s29+$0x0] =	vst.idx.add.s32.msk $0xffff, v2  }
0x12a: {  	v15 =	vmax.f32 v17, $0.0e+00;
	v17 =	vadd.f32 $4.096000000e+03, v19;
	v18 =	vmul.f32 v33, v18;
	[tilespmem:v26+s29+$0x0] =	vst.idx.add.s32.msk $0xffff, v2  }
0x12b: {  	v14 =	vmin.f32 v20, $8.191000000e+03;
	v19 =	vmax.f32 v21, $0.0e+00;
	v20 =	vadd.f32 $4.096000000e+03, v23;
	[tilespmem:v22+s29+$0x0] =	vst.idx.add.s32.msk $0xffff, v2  }
0x12c: {  	_ =	sdelay $0x1  }
0x12d: {  	v16 =	vmin.f32 v16, $8.191000000e+03;
	v17 =	vmax.f32 v17, $0.0e+00  }
0x12e: {  	v18 =	vadd.f32 $4.096000000e+03, v18;
	v15 =	vmin.f32 v15, $8.191000000e+03;
	v19 =	vmin.f32 v19, $8.191000000e+03  }
0x12f: {  	v14 =	vtrunc.f32 v14;
	[tilespmem:v5+s29+$0x0] =	vst.idx.add.s32.msk $0xffff, v2;
	v5 =	vshll.u32 v8, $0xD;
	v3 =	vadd.s32 v4, v3  }
0x130: {  	v20 =	vmax.f32 v20, $0.0e+00;
	v16 =	vtrunc.f32 v16;
	v14 =	vcvt.f32.s32 v14  }
0x131: {  	v17 =	vmin.f32 v17, $8.191000000e+03;
	v15 =	vtrunc.f32 v15;
	v19 =	vtrunc.f32 v19  }
0x132: {  	v20 =	vmin.f32 v20, $8.191000000e+03;
	v18 =	vmax.f32 v18, $0.0e+00;
	v16 =	vcvt.f32.s32 v16  }
0x133: {  	v15 =	vcvt.f32.s32 v15;
	v6 =	vadd.s32 v14, v6;
	v14 =	vtrunc.f32 v17  }
0x134: {  	[tilespmem:v11+s29+$0x0] =	vst.idx.add.s32.msk $0xffff, v2;
	v17 =	vcvt.f32.s32 v19;
	v11 =	vmin.f32 v18, $8.191000000e+03;
	v7 =	vadd.s32 v16, v7  }
0x135: {  	v16 =	vtrunc.f32 v20;
	v14 =	vcvt.f32.s32 v14;
	v10 =	vadd.s32 v15, v10  }
0x136: {  	v8 =	vtrunc.f32 v11;
	v15 =	vcvt.f32.s32 v16;
	v12 =	vadd.s32 v17, v12  }
0x137: {  	v8 =	vcvt.f32.s32 v8;
	[tilespmem:v3+s29+$0x0] =	vst.idx.add.s32.msk $0xffff, v2;
	v11 =	vadd.s32 v14, v13  }
0x138: {  	v5 =	vadd.s32 v15, v5;
	[tilespmem:v6+s29+$0x0] =	vst.idx.add.s32.msk $0xffff, v2;
	v6 =	vshll.u32 v9, $0xD  }
0x139: {  	[tilespmem:v7+s29+$0x0] =	vst.idx.add.s32.msk $0xffff, v2;
	v4 =	vadd.s32 v8, v6  }
0x13a: {  	[tilespmem:v10+s29+$0x0] =	vst.idx.add.s32.msk $0xffff, v2  }
0x13b: {  	[tilespmem:v12+s29+$0x0] =	vst.idx.add.s32.msk $0xffff, v2  }
0x13c: {  	[tilespmem:v11+s29+$0x0] =	vst.idx.add.s32.msk $0xffff, v2  }
0x13d: {  	[tilespmem:v5+s29+$0x0] =	vst.idx.add.s32.msk $0xffff, v2  }
0x13e: {  	[tilespmem:v4+s29+$0x0] =	vst.idx.add.s32.msk $0xffff, v2  }
0x13f: {  	_ =	swait.ge [sflag:s0], $0x4000  }
0x140: {  	[sflag:s0] =	ssyncset.done $0x0  }
0x141: {  	[sflag:s0] =	ssyncadd.s32 $0xFFFFC000  }
0x142: {  	_ =	swait.ge [sflag:s1], $0x4000  }
0x143: {  	[sflag:s1] =	ssyncset.done $0x0  }
0x144: {  	s3 =	simm.s32 $0x0;
	[sflag:s1] =	ssyncadd.s32 $0xFFFFC000  }
0x145: {  	[tilespmem:s22], [sflag:$0x3] =	stream.linear.gather [hbm4b:s11+s3], $0x4000, $0x38;
	[tilespmem:$0x1C000] =	vst v63  }
0x146: {  	s4 =	simm.s32 $0x0  }
0x147: {  	[tilespmem:s23], [sflag:$0x4] =	stream.linear.gather [hbm4b:s12+s3], $0x4000, $0x38;
	[tilespmem:$0x1C000] =	vst v63  }
0x148: {  	s5 =	simm.s32 $0x0;
	s4 =	sand.u32 $0x3000, s4;
	s3 =	sand.u32 $0xC00, s3  }
0x149: {  	s7 =	sand.u32 $0x380, s5;
	s3 =	sor.u32 s3, s4  }
0x14a: {  	s3 =	sor.u32 s7, s3  }
0x14b: {  	v3 =	vld [tilespmem:s3+$0x14070]  }
0x14c: {  	v4 =	vld [tilespmem:s3+$0x14000]  }
0x14d: {  	v6 =	vld [tilespmem:s3+$0x14010]  }
0x14e: {  	v7 =	vld [tilespmem:s3+$0x14020]  }
0x14f: {  	v8 =	vld [tilespmem:s3+$0x14030]  }
0x150: {  	v9 =	vld [tilespmem:s3+$0x14040]  }
0x151: {  	v11 =	vld [tilespmem:s3+$0x14050]  }
0x152: {  	v12 =	vld [tilespmem:s3+$0x14060]  }
0x153: {  	v5 =	vld [tilespmem:s3+$0x10070]  }
0x154: {  	v13 =	vld [tilespmem:s3+$0x10000];
	vm0 =	vgt.s32 v3, $0x0;
	vm6 =	vgt.s32 v4, $0x0  }
0x155: {  	v15 =	vld [tilespmem:s3+$0x10010];
	v4 =	vshll.u32 v4, $0xD;
	vm7 =	vgt.s32 v6, $0x0;
	v6 =	vshll.u32 v6, $0xD  }
0x156: {  	v17 =	vld [tilespmem:s3+$0x10020];
	vm8 =	vgt.s32 v7, $0x0;
	v7 =	vshll.u32 v7, $0xD;
	vm9 =	vgt.s32 v8, $0x0  }
0x157: {  	v21 =	vld [tilespmem:s3+$0x10040];
	vm10 =	vgt.s32 v9, $0x0;
	vm11 =	vgt.s32 v11, $0x0;
	vm12 =	vgt.s32 v12, $0x0  }
0x158: {  	v8 =	vshll.u32 v8, $0xD;
	v3 =	vshll.u32 v3, $0xD;
	v9 =	vshll.u32 v9, $0xD  }
0x159: {  	v11 =	vshll.u32 v11, $0xD;
	v10 =	vsel vm0, $0x43924925, v1;
	v14 =	vsel vm7, $0x43924925, v1  }
0x15a: {  	v16 =	vsel vm8, $0x43924925, v1;
	v20 =	vsel vm10, $0x43924925, v1;
	v5 =	vmul.f32 v10, v5  }
0x15b: {  	v10 =	vsel vm6, $0x43924925, v1;
	v14 =	vmul.f32 v14, v15;
	v16 =	vmul.f32 v16, v17  }
0x15c: {  	v12 =	vshll.u32 v12, $0xD;
	v15 =	vld [tilespmem:s3+$0x10060];
	v17 =	vmul.f32 v20, v21;
	v10 =	vmul.f32 v10, v13  }
0x15d: {  	v18 =	vsel vm9, $0x43924925, v1;
	v13 =	vld [tilespmem:s3+$0x10050];
	v5 =	vadd.f32 $4.096000000e+03, v5;
	v16 =	vadd.f32 $4.096000000e+03, v16  }
0x15e: {  	s6 =	simm.s32 $0x400;
	s5 =	simm.s32 $0x80;
	v22 =	vsel vm11, $0x43924925, v1;
	v17 =	vadd.f32 $4.096000000e+03, v17;
	v10 =	vadd.f32 $4.096000000e+03, v10  }
0x15f: {  	s4 =	sand.u32 $0xC00, s6;
	s7 =	simm.s32 $0x20;
	v19 =	vld [tilespmem:s3+$0x10030];
	v23 =	vsel vm12, $0x43924925, v1;
	s3 =	sand.u32 $0x3000, s5;
	v5 =	vmax.f32 v5, $0.0e+00;
	v16 =	vmax.f32 v16, $0.0e+00  }
0x160: {  	s5 =	sand.u32 $0x380, s7;
	s3 =	sor.u32 s4, s3;
	v17 =	vmax.f32 v17, $0.0e+00;
	v5 =	vmin.f32 v5, $8.191000000e+03;
	v10 =	vmax.f32 v10, $0.0e+00  }
0x161: {  	s3 =	sor.u32 s5, s3;
	v15 =	vmul.f32 v23, v15;
	v16 =	vmin.f32 v16, $8.191000000e+03;
	v5 =	vtrunc.f32 v5  }
0x162: {  	v21 =	vld [tilespmem:s3+$0x14010];
	v17 =	vmin.f32 v17, $8.191000000e+03;
	v13 =	vmul.f32 v22, v13;
	v16 =	vtrunc.f32 v16  }
0x163: {  	v10 =	vmin.f32 v10, $8.191000000e+03;
	v17 =	vtrunc.f32 v17;
	v5 =	vcvt.f32.s32 v5  }
0x164: {  	v23 =	vld [tilespmem:s3+$0x14050];
	v15 =	vadd.f32 $4.096000000e+03, v15;
	v10 =	vtrunc.f32 v10;
	v16 =	vcvt.f32.s32 v16  }
0x165: {  	v13 =	vadd.f32 $4.096000000e+03, v13;
	v10 =	vcvt.f32.s32 v10;
	v3 =	vadd.s32 v5, v3  }
0x166: {  	v5 =	vadd.f32 $4.096000000e+03, v14;
	v14 =	vmul.f32 v18, v19;
	v15 =	vmax.f32 v15, $0.0e+00  }
0x167: {  	v18 =	vld [tilespmem:s3+$0x14070];
	v7 =	vadd.s32 v16, v7;
	vm14 =	vgt.s32 v21, $0x0;
	v13 =	vmax.f32 v13, $0.0e+00  }
0x168: {  	v15 =	vmin.f32 v15, $8.191000000e+03;
	v4 =	vadd.s32 v10, v4;
	v14 =	vadd.f32 $4.096000000e+03, v14  }
0x169: {  	v20 =	vld [tilespmem:s3+$0x10070];
	vm6 =	vgt.s32 v23, $0x0;
	v5 =	vmax.f32 v5, $0.0e+00;
	v13 =	vmin.f32 v13, $8.191000000e+03  }
0x16a: {  	v19 =	vld [tilespmem:s3+$0x14000];
	v15 =	vtrunc.f32 v15;
	v5 =	vmin.f32 v5, $8.191000000e+03;
	v14 =	vmax.f32 v14, $0.0e+00  }
0x16b: {  	v31 =	vsel vm6, $0x43924925, v1;
	v5 =	vtrunc.f32 v5;
	v14 =	vmin.f32 v14, $8.191000000e+03  }
0x16c: {  	v24 =	vld [tilespmem:s3+$0x10010];
	v5 =	vcvt.f32.s32 v5;
	vm13 =	vgt.s32 v18, $0x0;
	v14 =	vtrunc.f32 v14  }
0x16d: {  	v26 =	vld [tilespmem:s3+$0x10020];
	v13 =	vtrunc.f32 v13;
	v16 =	vsel vm13, $0x43924925, v1;
	v10 =	vcvt.f32.s32 v14  }
0x16e: {  	v14 =	vcvt.f32.s32 v17;
	v17 =	vld [tilespmem:s3+$0x14020];
	v5 =	vadd.s32 v5, v6;
	v6 =	vcvt.f32.s32 v13  }
0x16f: {  	vm1 =	vgt.s32 v19, $0x0;
	v13 =	vcvt.f32.s32 v15;
	v15 =	vld [tilespmem:s3+$0x14030];
	v16 =	vmul.f32 v16, v20  }
0x170: {  	v19 =	vshll.u32 v19, $0xD;
	v18 =	vshll.u32 v18, $0xD;
	v22 =	vsel vm1, $0x43924925, v1;
	v20 =	vld [tilespmem:s3+$0x14060]  }
0x171: {  	v8 =	vadd.s32 v10, v8;
	v10 =	vld [tilespmem:s3+$0x14040];
	v9 =	vadd.s32 v14, v9;
	v16 =	vadd.f32 $4.096000000e+03, v16  }
0x172: {  	v14 =	vshll.u32 v21, $0xD;
	v6 =	vadd.s32 v6, v11;
	v11 =	vld [tilespmem:s3+$0x10000];
	v21 =	vsel vm14, $0x43924925, v1  }
0x173: {  	v49 =	vld [tilespmem:s3+$0x10060];
	v21 =	vmul.f32 v21, v24;
	v16 =	vmax.f32 v16, $0.0e+00;
	vm15 =	vgt.s32 v17, $0x0  }
0x174: {  	vm4 =	vgt.s32 v15, $0x0;
	v17 =	vshll.u32 v17, $0xD;
	v16 =	vmin.f32 v16, $8.191000000e+03  }
0x175: {  	v28 =	vld [tilespmem:s3+$0x10030];
	vm7 =	vgt.s32 v20, $0x0;
	v15 =	vshll.u32 v15, $0xD;
	v25 =	vsel vm15, $0x43924925, v1  }
0x176: {  	v30 =	vld [tilespmem:s3+$0x10040];
	v27 =	vsel vm4, $0x43924925, v1;
	v16 =	vtrunc.f32 v16;
	v32 =	vsel vm7, $0x43924925, v1  }
0x177: {  	[tilespmem:v5+s29+$0x0] =	vst.idx.add.s32.msk $0xffff, v2;
	vm5 =	vgt.s32 v10, $0x0;
	v11 =	vmul.f32 v22, v11;
	v16 =	vcvt.f32.s32 v16  }
0x178: {  	v22 =	vld [tilespmem:s3+$0x10050];
	v25 =	vmul.f32 v25, v26;
	v5 =	vmul.f32 v32, v49;
	v29 =	vsel vm5, $0x43924925, v1  }
0x179: {  	v11 =	vadd.f32 $4.096000000e+03, v11;
	v16 =	vadd.s32 v16, v18;
	v18 =	vadd.f32 $4.096000000e+03, v21  }
0x17a: {  	[tilespmem:v3+s29+$0x0] =	vst.idx.add.s32.msk $0xffff, v2;
	v21 =	vmul.f32 v27, v28;
	v25 =	vadd.f32 $4.096000000e+03, v25;
	v5 =	vadd.f32 $4.096000000e+03, v5  }
0x17b: {  	[tilespmem:v7+s29+$0x0] =	vst.idx.add.s32.msk $0xffff, v2;
	v50 =	vmul.f32 v29, v30;
	v3 =	vmax.f32 v11, $0.0e+00;
	v11 =	vmax.f32 v18, $0.0e+00  }
0x17c: {  	s6 =	simm.s32 $0x100;
	[tilespmem:v4+s29+$0x0] =	vst.idx.add.s32.msk $0xffff, v2;
	s3 =	simm.s32 $0x800;
	v4 =	vadd.f32 $4.096000000e+03, v21;
	v21 =	vmax.f32 v25, $0.0e+00;
	v5 =	vmax.f32 v5, $0.0e+00  }
0x17d: {  	s4 =	sand.u32 $0x3000, s6;
	s6 =	simm.s32 $0x40;
	[tilespmem:v8+s29+$0x0] =	vst.idx.add.s32.msk $0xffff, v2;
	s7 =	sand.u32 $0xC00, s3;
	v18 =	vmul.f32 v31, v22;
	v22 =	vadd.f32 $4.096000000e+03, v50;
	v3 =	vmin.f32 v3, $8.191000000e+03  }
0x17e: {  	[tilespmem:v9+s29+$0x0] =	vst.idx.add.s32.msk $0xffff, v2;
	s4 =	sor.u32 s7, s4;
	s7 =	sand.u32 $0x380, s6;
	v7 =	vmin.f32 v11, $8.191000000e+03;
	v8 =	vmin.f32 v21, $8.191000000e+03;
	v5 =	vmin.f32 v5, $8.191000000e+03  }
0x17f: {  	[tilespmem:v6+s29+$0x0] =	vst.idx.add.s32.msk $0xffff, v2;
	s4 =	sor.u32 s7, s4;
	v4 =	vmax.f32 v4, $0.0e+00;
	v7 =	vtrunc.f32 v7;
	v6 =	vtrunc.f32 v8  }
0x180: {  	v21 =	vld [tilespmem:s4+$0x14070];
	v18 =	vadd.f32 $4.096000000e+03, v18;
	v11 =	vmax.f32 v22, $0.0e+00;
	v4 =	vmin.f32 v4, $8.191000000e+03  }
0x181: {  	[tilespmem:v16+s29+$0x0] =	vst.idx.add.s32.msk $0xffff, v2;
	v16 =	vtrunc.f32 v3;
	v3 =	vshll.u32 v20, $0xD;
	v20 =	vtrunc.f32 v5  }
0x182: {  	v5 =	vadd.s32 v13, v12;
	v12 =	vld [tilespmem:s4+$0x10070];
	v7 =	vcvt.f32.s32 v7;
	v9 =	vmin.f32 v11, $8.191000000e+03  }
0x183: {  	v13 =	vld [tilespmem:s4+$0x14010];
	v4 =	vtrunc.f32 v4;
	v16 =	vcvt.f32.s32 v16;
	v18 =	vmax.f32 v18, $0.0e+00  }
0x184: {  	v8 =	vtrunc.f32 v9;
	v11 =	vmin.f32 v18, $8.191000000e+03;
	v18 =	vshll.u32 v23, $0xD;
	v23 =	vld [tilespmem:s4+$0x14020]  }
0x185: {  	v16 =	vadd.s32 v16, v19;
	v19 =	vcvt.f32.s32 v4;
	v4 =	vcvt.f32.s32 v20;
	v20 =	vld [tilespmem:s4+$0x14030]  }
0x186: {  	v10 =	vshll.u32 v10, $0xD;
	v6 =	vcvt.f32.s32 v6;
	v22 =	vcvt.f32.s32 v8;
	v8 =	vld [tilespmem:s4+$0x14050]  }
0x187: {  	v14 =	vadd.s32 v7, v14;
	vm8 =	vgt.s32 v21, $0x0;
	v9 =	vtrunc.f32 v11;
	v11 =	vld [tilespmem:s4+$0x14000]  }
0x188: {  	v17 =	vadd.s32 v6, v17;
	v21 =	vshll.u32 v21, $0xD;
	v7 =	vsel vm8, $0x43924925, v1  }
0x189: {  	v53 =	vld [tilespmem:s4+$0x10010];
	v51 =	vcvt.f32.s32 v9;
	v15 =	vadd.s32 v19, v15;
	v12 =	vmul.f32 v7, v12  }
0x18a: {  	v60 =	vld [tilespmem:s4+$0x10050];
	v22 =	vadd.s32 v22, v10;
	vm10 =	vgt.s32 v13, $0x0;
	v7 =	vshll.u32 v13, $0xD  }
0x18b: {  	v19 =	vld [tilespmem:s4+$0x14040];
	v12 =	vadd.f32 $4.096000000e+03, v12;
	vm11 =	vgt.s32 v23, $0x0;
	v10 =	vshll.u32 v23, $0xD  }
0x18c: {  	v9 =	vld [tilespmem:s4+$0x14060];
	vm12 =	vgt.s32 v20, $0x0;
	vm14 =	vgt.s32 v8, $0x0;
	vm9 =	vgt.s32 v11, $0x0  }
0x18d: {  	v13 =	vld [tilespmem:s4+$0x10000];
	v6 =	vshll.u32 v11, $0xD;
	v11 =	vadd.s32 v51, v18;
	v18 =	vsel vm10, $0x43924925, v1  }
0x18e: {  	v23 =	vld [tilespmem:s4+$0x10020];
	v54 =	vsel vm11, $0x43924925, v1;
	v55 =	vsel vm12, $0x43924925, v1;
	v12 =	vmax.f32 v12, $0.0e+00  }
0x18f: {  	v56 =	vld [tilespmem:s4+$0x10030];
	v59 =	vsel vm14, $0x43924925, v1;
	v52 =	vsel vm9, $0x43924925, v1;
	v12 =	vmin.f32 v12, $8.191000000e+03  }
0x190: {  	v58 =	vld [tilespmem:s4+$0x10040];
	vm13 =	vgt.s32 v19, $0x0;
	v18 =	vmul.f32 v18, v53;
	v12 =	vtrunc.f32 v12  }
0x191: {  	vm15 =	vgt.s32 v9, $0x0;
	v25 =	vmul.f32 v59, v60;
	v33 =	vcvt.f32.s32 v12  }
0x192: {  	v57 =	vsel vm13, $0x43924925, v1;
	v13 =	vmul.f32 v52, v13;
	v12 =	vshll.u32 v20, $0xD;
	v20 =	vld [tilespmem:s4+$0x10060]  }
0x193: {  	[tilespmem:v14+s29+$0x0] =	vst.idx.add.s32.msk $0xffff, v2;
	v61 =	vsel vm15, $0x43924925, v1;
	v23 =	vmul.f32 v54, v23;
	v21 =	vadd.s32 v33, v21  }
0x194: {  	[tilespmem:v16+s29+$0x0] =	vst.idx.add.s32.msk $0xffff, v2;
	v16 =	vadd.f32 $4.096000000e+03, v18;
	v18 =	vmul.f32 v55, v56;
	v62 =	vadd.f32 $4.096000000e+03, v13  }
0x195: {  	[tilespmem:v17+s29+$0x0] =	vst.idx.add.s32.msk $0xffff, v2;
	v13 =	vshll.u32 v19, $0xD;
	v19 =	vadd.f32 $4.096000000e+03, v23;
	v23 =	vmul.f32 v57, v58  }
0x196: {  	[tilespmem:v15+s29+$0x0] =	vst.idx.add.s32.msk $0xffff, v2;
	v16 =	vmax.f32 v16, $0.0e+00;
	v63 =	vadd.f32 $4.096000000e+03, v18;
	v14 =	vmax.f32 v62, $0.0e+00  }
0x197: {  	[tilespmem:v22+s29+$0x0] =	vst.idx.add.s32.msk $0xffff, v2;
	v14 =	vmin.f32 v14, $8.191000000e+03;
	v17 =	vadd.f32 $4.096000000e+03, v23;
	v18 =	vmul.f32 v61, v20  }
0x198: {  	s4 =	simm.s32 $0x10;
	v15 =	vmax.f32 v19, $0.0e+00;
	v19 =	vmax.f32 v63, $0.0e+00;
	v20 =	vadd.f32 $4.096000000e+03, v25;
	[tilespmem:v21+s29+$0x0] =	vst.idx.add.s32.msk $0xffff, v2  }
.LBB2_8:
0x199: {  	s4 =	sadd.s32 $0x8, s4;
	v16 =	vmin.f32 v16, $8.191000000e+03;
	v17 =	vmax.f32 v17, $0.0e+00;
	v18 =	vadd.f32 $4.096000000e+03, v18;
	[tilespmem:v11+s29+$0x0] =	vst.idx.add.s32.msk $0xffff, v2  }
0x19a: {  	v11 =	vmin.f32 v15, $8.191000000e+03;
	v15 =	vmin.f32 v19, $8.191000000e+03;
	s3 =	sadd.s32 $0x400, s3;
	s5 =	sshll.u32 s4, $0x4;
	p0 =	slt.u32 s4, $0x3F8;
	v19 =	vmax.f32 v20, $0.0e+00;
	[tilespmem:v5+s29+$0x0] =	vst.idx.add.s32.msk $0xffff, v2  }
0x19b: {  	s6 =	sand.u32 $0xC00, s3;
	s7 =	sshll.u32 s4, $0x2;
	v5 =	vmin.f32 v17, $8.191000000e+03;
	s5 =	sand.u32 $0x3000, s5;
	v17 =	vmin.f32 v19, $8.191000000e+03;
	v18 =	vmax.f32 v18, $0.0e+00  }
0x19c: {  	v14 =	vtrunc.f32 v14;
	v16 =	vtrunc.f32 v16;
	s5 =	sor.u32 s6, s5;
	s6 =	sand.u32 $0x380, s7;
	v18 =	vmin.f32 v18, $8.191000000e+03  }
0x19d: {  	v11 =	vtrunc.f32 v11;
	v15 =	vtrunc.f32 v15;
	v19 =	vshll.u32 v8, $0xD;
	s5 =	sor.u32 s6, s5  }
0x19e: {  	v9 =	vshll.u32 v9, $0xD;
	v8 =	vtrunc.f32 v5;
	v17 =	vtrunc.f32 v17;
	v20 =	vld [tilespmem:s5+$0x14070]  }
0x19f: {  	v14 =	vcvt.f32.s32 v14;
	v5 =	vadd.s32 v4, v3;
	v3 =	vmovc v9;
	v18 =	vtrunc.f32 v18;
	v21 =	vld [tilespmem:s5+$0x14000]  }
0x1a0: {  	v4 =	vcvt.f32.s32 v16;
	v11 =	vcvt.f32.s32 v11;
	v9 =	vld [tilespmem:s5+$0x10070]  }
0x1a1: {  	v14 =	vadd.s32 v14, v6;
	v6 =	vcvt.f32.s32 v15;
	v15 =	vcvt.f32.s32 v8;
	v16 =	vld [tilespmem:s5+$0x14010]  }
0x1a2: {  	v23 =	vadd.s32 v4, v7;
	v17 =	vcvt.f32.s32 v17;
	v4 =	vcvt.f32.s32 v18;
	v22 =	vld [tilespmem:s5+$0x14020]  }
0x1a3: {  	v24 =	vadd.s32 v11, v10;
	v25 =	vadd.s32 v6, v12;
	v18 =	vld [tilespmem:s5+$0x14030];
	vm0 =	vgt.s32 v20, $0x0  }
0x1a4: {  	vm1 =	vgt.s32 v21, $0x0;
	v6 =	vshll.u32 v21, $0xD;
	v21 =	vld [tilespmem:s5+$0x14040];
	v7 =	vsel vm0, $0x43924925, v1  }
0x1a5: {  	v26 =	vadd.s32 v15, v13;
	v12 =	vsel vm1, $0x43924925, v1;
	v8 =	vld [tilespmem:s5+$0x14050];
	v10 =	vmul.f32 v7, v9  }
0x1a6: {  	v11 =	vadd.s32 v17, v19;
	vm0 =	vgt.s32 v16, $0x0;
	v7 =	vshll.u32 v16, $0xD;
	v9 =	vld [tilespmem:s5+$0x14060]  }
0x1a7: {  	v13 =	vld [tilespmem:s5+$0x10000];
	v15 =	vsel vm0, $0x43924925, v1;
	vm0 =	vgt.s32 v22, $0x0;
	v16 =	vadd.f32 $4.096000000e+03, v10  }
0x1a8: {  	v10 =	vshll.u32 v22, $0xD;
	v17 =	vld [tilespmem:s5+$0x10010];
	v19 =	vsel vm0, $0x43924925, v1;
	vm0 =	vgt.s32 v18, $0x0  }
0x1a9: {  	v22 =	vld [tilespmem:s5+$0x10020];
	v27 =	vsel vm0, $0x43924925, v1;
	vm0 =	vgt.s32 v21, $0x0;
	v16 =	vmax.f32 v16, $0.0e+00  }
0x1aa: {  	v28 =	vld [tilespmem:s5+$0x10030];
	v29 =	vsel vm0, $0x43924925, v1;
	vm0 =	vgt.s32 v8, $0x0;
	v16 =	vmin.f32 v16, $8.191000000e+03  }
0x1ab: {  	v30 =	vld [tilespmem:s5+$0x10040];
	v31 =	vsel vm0, $0x43924925, v1;
	vm0 =	vgt.s32 v9, $0x0;
	v16 =	vtrunc.f32 v16  }
0x1ac: {  	v13 =	vmul.f32 v12, v13;
	v32 =	vld [tilespmem:s5+$0x10050];
	v33 =	vsel vm0, $0x43924925, v1;
	v16 =	vcvt.f32.s32 v16  }
0x1ad: {  	v12 =	vshll.u32 v18, $0xD;
	v15 =	vmul.f32 v15, v17;
	v18 =	vld [tilespmem:s5+$0x10060];
	v17 =	vshll.u32 v20, $0xD  }
0x1ae: {  	v20 =	vadd.f32 $4.096000000e+03, v13;
	v19 =	vmul.f32 v19, v22;
	v22 =	vadd.s32 v16, v17;
	[tilespmem:v14+s29+$0x0] =	vst.idx.add.s32.msk $0xffff, v2  }
.Ltmp3:
0x1af: {  	v13 =	vshll.u32 v21, $0xD;
	v14 =	vadd.f32 $4.096000000e+03, v15;
	v15 =	vmul.f32 v27, v28;
	[tilespmem:v23+s29+$0x0] =	vst.idx.add.s32.msk $0xffff, v2;
	(pc) =	sbr.rel @p0 .LBB2_8-.Ltmp3, $4  }
0x1b0: {  	v20 =	vmax.f32 v20, $0.0e+00;
	v17 =	vadd.f32 $4.096000000e+03, v19;
	v19 =	vmul.f32 v29, v30;
	[tilespmem:v24+s29+$0x0] =	vst.idx.add.s32.msk $0xffff, v2  }
0x1b1: {  	v16 =	vmax.f32 v14, $0.0e+00;
	v21 =	vadd.f32 $4.096000000e+03, v15;
	v23 =	vmul.f32 v31, v32;
	[tilespmem:v25+s29+$0x0] =	vst.idx.add.s32.msk $0xffff, v2  }
0x1b2: {  	v15 =	vmax.f32 v17, $0.0e+00;
	v17 =	vadd.f32 $4.096000000e+03, v19;
	v18 =	vmul.f32 v33, v18;
	[tilespmem:v26+s29+$0x0] =	vst.idx.add.s32.msk $0xffff, v2  }
0x1b3: {  	v14 =	vmin.f32 v20, $8.191000000e+03;
	v19 =	vmax.f32 v21, $0.0e+00;
	v20 =	vadd.f32 $4.096000000e+03, v23;
	[tilespmem:v22+s29+$0x0] =	vst.idx.add.s32.msk $0xffff, v2  }
0x1b4: {  	_ =	sdelay $0x1  }
0x1b5: {  	v16 =	vmin.f32 v16, $8.191000000e+03;
	v17 =	vmax.f32 v17, $0.0e+00  }
0x1b6: {  	v18 =	vadd.f32 $4.096000000e+03, v18;
	v15 =	vmin.f32 v15, $8.191000000e+03;
	v19 =	vmin.f32 v19, $8.191000000e+03  }
0x1b7: {  	v14 =	vtrunc.f32 v14;
	[tilespmem:v5+s29+$0x0] =	vst.idx.add.s32.msk $0xffff, v2;
	v5 =	vshll.u32 v8, $0xD;
	v3 =	vadd.s32 v4, v3  }
0x1b8: {  	v20 =	vmax.f32 v20, $0.0e+00;
	v16 =	vtrunc.f32 v16;
	v14 =	vcvt.f32.s32 v14  }
0x1b9: {  	v17 =	vmin.f32 v17, $8.191000000e+03;
	v15 =	vtrunc.f32 v15;
	v19 =	vtrunc.f32 v19  }
0x1ba: {  	v20 =	vmin.f32 v20, $8.191000000e+03;
	v18 =	vmax.f32 v18, $0.0e+00;
	v16 =	vcvt.f32.s32 v16  }
0x1bb: {  	v15 =	vcvt.f32.s32 v15;
	v6 =	vadd.s32 v14, v6;
	v14 =	vtrunc.f32 v17  }
0x1bc: {  	[tilespmem:v11+s29+$0x0] =	vst.idx.add.s32.msk $0xffff, v2;
	v17 =	vcvt.f32.s32 v19;
	v11 =	vmin.f32 v18, $8.191000000e+03;
	v7 =	vadd.s32 v16, v7  }
0x1bd: {  	v16 =	vtrunc.f32 v20;
	v14 =	vcvt.f32.s32 v14;
	v10 =	vadd.s32 v15, v10  }
0x1be: {  	v8 =	vtrunc.f32 v11;
	v15 =	vcvt.f32.s32 v16;
	v12 =	vadd.s32 v17, v12  }
0x1bf: {  	v8 =	vcvt.f32.s32 v8;
	[tilespmem:v3+s29+$0x0] =	vst.idx.add.s32.msk $0xffff, v2;
	v11 =	vadd.s32 v14, v13  }
0x1c0: {  	v5 =	vadd.s32 v15, v5;
	[tilespmem:v6+s29+$0x0] =	vst.idx.add.s32.msk $0xffff, v2;
	v6 =	vshll.u32 v9, $0xD  }
0x1c1: {  	[tilespmem:v7+s29+$0x0] =	vst.idx.add.s32.msk $0xffff, v2;
	v4 =	vadd.s32 v8, v6  }
0x1c2: {  	[tilespmem:v10+s29+$0x0] =	vst.idx.add.s32.msk $0xffff, v2  }
0x1c3: {  	[tilespmem:v12+s29+$0x0] =	vst.idx.add.s32.msk $0xffff, v2  }
0x1c4: {  	[tilespmem:v11+s29+$0x0] =	vst.idx.add.s32.msk $0xffff, v2  }
0x1c5: {  	[tilespmem:v5+s29+$0x0] =	vst.idx.add.s32.msk $0xffff, v2  }
0x1c6: {  	[tilespmem:v4+s29+$0x0] =	vst.idx.add.s32.msk $0xffff, v2  }
0x1c7: {  	_ =	swait.ge [sflag:s24], $0x4000  }
0x1c8: {  	[sflag:s24] =	ssyncset.done $0x0  }
0x1c9: {  	[sflag:s24] =	ssyncadd.s32 $0xFFFFC000  }
0x1ca: {  	_ =	swait.ge [sflag:s25], $0x4000  }
0x1cb: {  	[sflag:s25] =	ssyncset.done $0x0  }
0x1cc: {  	s3 =	simm.s32 $0x0;
	s4 =	simm.s32 $0x10000;
	[sflag:s25] =	ssyncadd.s32 $0xFFFFC000  }
0x1cd: {  	[tilespmem:s4], [sflag:$0x5] =	stream.linear.gather [hbm4b:s13+s3], $0x4000, $0x38;
	[tilespmem:$0x1C000] =	vst v63  }
0x1ce: {  	s5 =	simm.s32 $0x14000;
	s6 =	simm.s32 $0x0  }
0x1cf: {  	[tilespmem:s5], [sflag:$0x6] =	stream.linear.gather [hbm4b:s14+s3], $0x4000, $0x38;
	[tilespmem:$0x1C000] =	vst v63  }
0x1d0: {  	s4 =	sand.u32 $0x3000, s6;
	s3 =	sand.u32 $0xC00, s3;
	s5 =	simm.s32 $0x0  }
0x1d1: {  	s3 =	sor.u32 s3, s4;
	s7 =	sand.u32 $0x380, s5  }
0x1d2: {  	s3 =	sor.u32 s7, s3  }
0x1d3: {  	v3 =	vld [tilespmem:s3+$0x4070]  }
0x1d4: {  	v4 =	vld [tilespmem:s3+$0x4000]  }
0x1d5: {  	v6 =	vld [tilespmem:s3+$0x4010]  }
0x1d6: {  	v7 =	vld [tilespmem:s3+$0x4020]  }
0x1d7: {  	v8 =	vld [tilespmem:s3+$0x4030]  }
0x1d8: {  	v9 =	vld [tilespmem:s3+$0x4040]  }
0x1d9: {  	v11 =	vld [tilespmem:s3+$0x4050]  }
0x1da: {  	v12 =	vld [tilespmem:s3+$0x4060]  }
0x1db: {  	v5 =	vld [tilespmem:s3+$0x70]  }
0x1dc: {  	v13 =	vld [tilespmem:s3+$0x0];
	vm0 =	vgt.s32 v3, $0x0;
	vm6 =	vgt.s32 v4, $0x0  }
0x1dd: {  	v15 =	vld [tilespmem:s3+$0x10];
	v4 =	vshll.u32 v4, $0xD;
	vm7 =	vgt.s32 v6, $0x0;
	v6 =	vshll.u32 v6, $0xD  }
0x1de: {  	v17 =	vld [tilespmem:s3+$0x20];
	vm8 =	vgt.s32 v7, $0x0;
	v7 =	vshll.u32 v7, $0xD;
	vm9 =	vgt.s32 v8, $0x0  }
0x1df: {  	v21 =	vld [tilespmem:s3+$0x40];
	vm10 =	vgt.s32 v9, $0x0;
	vm11 =	vgt.s32 v11, $0x0;
	vm12 =	vgt.s32 v12, $0x0  }
0x1e0: {  	v8 =	vshll.u32 v8, $0xD;
	v3 =	vshll.u32 v3, $0xD;
	v9 =	vshll.u32 v9, $0xD  }
0x1e1: {  	v11 =	vshll.u32 v11, $0xD;
	v10 =	vsel vm0, $0x43924925, v1;
	v14 =	vsel vm7, $0x43924925, v1  }
0x1e2: {  	v16 =	vsel vm8, $0x43924925, v1;
	v20 =	vsel vm10, $0x43924925, v1;
	v5 =	vmul.f32 v10, v5  }
0x1e3: {  	v10 =	vsel vm6, $0x43924925, v1;
	v14 =	vmul.f32 v14, v15;
	v16 =	vmul.f32 v16, v17  }
0x1e4: {  	v12 =	vshll.u32 v12, $0xD;
	v15 =	vld [tilespmem:s3+$0x60];
	v17 =	vmul.f32 v20, v21;
	v10 =	vmul.f32 v10, v13  }
0x1e5: {  	v18 =	vsel vm9, $0x43924925, v1;
	v13 =	vld [tilespmem:s3+$0x50];
	v5 =	vadd.f32 $4.096000000e+03, v5;
	v16 =	vadd.f32 $4.096000000e+03, v16  }
0x1e6: {  	s6 =	simm.s32 $0x400;
	s5 =	simm.s32 $0x80;
	v22 =	vsel vm11, $0x43924925, v1;
	v17 =	vadd.f32 $4.096000000e+03, v17;
	v10 =	vadd.f32 $4.096000000e+03, v10  }
0x1e7: {  	s4 =	sand.u32 $0xC00, s6;
	s7 =	simm.s32 $0x20;
	v19 =	vld [tilespmem:s3+$0x30];
	v23 =	vsel vm12, $0x43924925, v1;
	s3 =	sand.u32 $0x3000, s5;
	v5 =	vmax.f32 v5, $0.0e+00;
	v16 =	vmax.f32 v16, $0.0e+00  }
0x1e8: {  	s5 =	sand.u32 $0x380, s7;
	s3 =	sor.u32 s4, s3;
	v17 =	vmax.f32 v17, $0.0e+00;
	v5 =	vmin.f32 v5, $8.191000000e+03;
	v10 =	vmax.f32 v10, $0.0e+00  }
0x1e9: {  	s3 =	sor.u32 s5, s3;
	v15 =	vmul.f32 v23, v15;
	v16 =	vmin.f32 v16, $8.191000000e+03;
	v5 =	vtrunc.f32 v5  }
0x1ea: {  	v21 =	vld [tilespmem:s3+$0x4010];
	v17 =	vmin.f32 v17, $8.191000000e+03;
	v13 =	vmul.f32 v22, v13;
	v16 =	vtrunc.f32 v16  }
0x1eb: {  	v10 =	vmin.f32 v10, $8.191000000e+03;
	v17 =	vtrunc.f32 v17;
	v5 =	vcvt.f32.s32 v5  }
0x1ec: {  	v23 =	vld [tilespmem:s3+$0x4050];
	v15 =	vadd.f32 $4.096000000e+03, v15;
	v10 =	vtrunc.f32 v10;
	v16 =	vcvt.f32.s32 v16  }
0x1ed: {  	v13 =	vadd.f32 $4.096000000e+03, v13;
	v10 =	vcvt.f32.s32 v10;
	v3 =	vadd.s32 v5, v3  }
0x1ee: {  	v5 =	vadd.f32 $4.096000000e+03, v14;
	v14 =	vmul.f32 v18, v19;
	v15 =	vmax.f32 v15, $0.0e+00  }
0x1ef: {  	v18 =	vld [tilespmem:s3+$0x4070];
	v7 =	vadd.s32 v16, v7;
	vm14 =	vgt.s32 v21, $0x0;
	v13 =	vmax.f32 v13, $0.0e+00  }
0x1f0: {  	v15 =	vmin.f32 v15, $8.191000000e+03;
	v4 =	vadd.s32 v10, v4;
	v14 =	vadd.f32 $4.096000000e+03, v14  }
0x1f1: {  	v20 =	vld [tilespmem:s3+$0x70];
	vm6 =	vgt.s32 v23, $0x0;
	v5 =	vmax.f32 v5, $0.0e+00;
	v13 =	vmin.f32 v13, $8.191000000e+03  }
0x1f2: {  	v19 =	vld [tilespmem:s3+$0x4000];
	v15 =	vtrunc.f32 v15;
	v5 =	vmin.f32 v5, $8.191000000e+03;
	v14 =	vmax.f32 v14, $0.0e+00  }
0x1f3: {  	v31 =	vsel vm6, $0x43924925, v1;
	v5 =	vtrunc.f32 v5;
	v14 =	vmin.f32 v14, $8.191000000e+03  }
0x1f4: {  	v24 =	vld [tilespmem:s3+$0x10];
	v5 =	vcvt.f32.s32 v5;
	vm13 =	vgt.s32 v18, $0x0;
	v14 =	vtrunc.f32 v14  }
0x1f5: {  	v26 =	vld [tilespmem:s3+$0x20];
	v13 =	vtrunc.f32 v13;
	v16 =	vsel vm13, $0x43924925, v1;
	v10 =	vcvt.f32.s32 v14  }
0x1f6: {  	v14 =	vcvt.f32.s32 v17;
	v17 =	vld [tilespmem:s3+$0x4020];
	v5 =	vadd.s32 v5, v6;
	v6 =	vcvt.f32.s32 v13  }
0x1f7: {  	vm1 =	vgt.s32 v19, $0x0;
	v13 =	vcvt.f32.s32 v15;
	v15 =	vld [tilespmem:s3+$0x4030];
	v16 =	vmul.f32 v16, v20  }
0x1f8: {  	v19 =	vshll.u32 v19, $0xD;
	v18 =	vshll.u32 v18, $0xD;
	v22 =	vsel vm1, $0x43924925, v1;
	v20 =	vld [tilespmem:s3+$0x4060]  }
0x1f9: {  	v8 =	vadd.s32 v10, v8;
	v10 =	vld [tilespmem:s3+$0x4040];
	v9 =	vadd.s32 v14, v9;
	v16 =	vadd.f32 $4.096000000e+03, v16  }
0x1fa: {  	v14 =	vshll.u32 v21, $0xD;
	v6 =	vadd.s32 v6, v11;
	v11 =	vld [tilespmem:s3+$0x0];
	v21 =	vsel vm14, $0x43924925, v1  }
0x1fb: {  	v49 =	vld [tilespmem:s3+$0x60];
	v21 =	vmul.f32 v21, v24;
	v16 =	vmax.f32 v16, $0.0e+00;
	vm15 =	vgt.s32 v17, $0x0  }
0x1fc: {  	vm4 =	vgt.s32 v15, $0x0;
	v17 =	vshll.u32 v17, $0xD;
	v16 =	vmin.f32 v16, $8.191000000e+03  }
0x1fd: {  	v28 =	vld [tilespmem:s3+$0x30];
	vm7 =	vgt.s32 v20, $0x0;
	v15 =	vshll.u32 v15, $0xD;
	v25 =	vsel vm15, $0x43924925, v1  }
0x1fe: {  	v30 =	vld [tilespmem:s3+$0x40];
	v27 =	vsel vm4, $0x43924925, v1;
	v16 =	vtrunc.f32 v16;
	v32 =	vsel vm7, $0x43924925, v1  }
0x1ff: {  	[tilespmem:v5+s29+$0x0] =	vst.idx.add.s32.msk $0xffff, v2;
	vm5 =	vgt.s32 v10, $0x0;
	v11 =	vmul.f32 v22, v11;
	v16 =	vcvt.f32.s32 v16  }
0x200: {  	v22 =	vld [tilespmem:s3+$0x50];
	v25 =	vmul.f32 v25, v26;
	v5 =	vmul.f32 v32, v49;
	v29 =	vsel vm5, $0x43924925, v1  }
0x201: {  	v11 =	vadd.f32 $4.096000000e+03, v11;
	v16 =	vadd.s32 v16, v18;
	v18 =	vadd.f32 $4.096000000e+03, v21  }
0x202: {  	[tilespmem:v3+s29+$0x0] =	vst.idx.add.s32.msk $0xffff, v2;
	v21 =	vmul.f32 v27, v28;
	v25 =	vadd.f32 $4.096000000e+03, v25;
	v5 =	vadd.f32 $4.096000000e+03, v5  }
0x203: {  	[tilespmem:v7+s29+$0x0] =	vst.idx.add.s32.msk $0xffff, v2;
	v50 =	vmul.f32 v29, v30;
	v3 =	vmax.f32 v11, $0.0e+00;
	v11 =	vmax.f32 v18, $0.0e+00  }
0x204: {  	s6 =	simm.s32 $0x100;
	[tilespmem:v4+s29+$0x0] =	vst.idx.add.s32.msk $0xffff, v2;
	s3 =	simm.s32 $0x800;
	v4 =	vadd.f32 $4.096000000e+03, v21;
	v21 =	vmax.f32 v25, $0.0e+00;
	v5 =	vmax.f32 v5, $0.0e+00  }
0x205: {  	s4 =	sand.u32 $0x3000, s6;
	s6 =	simm.s32 $0x40;
	[tilespmem:v8+s29+$0x0] =	vst.idx.add.s32.msk $0xffff, v2;
	s7 =	sand.u32 $0xC00, s3;
	v18 =	vmul.f32 v31, v22;
	v22 =	vadd.f32 $4.096000000e+03, v50;
	v3 =	vmin.f32 v3, $8.191000000e+03  }
0x206: {  	[tilespmem:v9+s29+$0x0] =	vst.idx.add.s32.msk $0xffff, v2;
	s4 =	sor.u32 s7, s4;
	s7 =	sand.u32 $0x380, s6;
	v7 =	vmin.f32 v11, $8.191000000e+03;
	v8 =	vmin.f32 v21, $8.191000000e+03;
	v5 =	vmin.f32 v5, $8.191000000e+03  }
0x207: {  	[tilespmem:v6+s29+$0x0] =	vst.idx.add.s32.msk $0xffff, v2;
	s4 =	sor.u32 s7, s4;
	v4 =	vmax.f32 v4, $0.0e+00;
	v7 =	vtrunc.f32 v7;
	v6 =	vtrunc.f32 v8  }
0x208: {  	v21 =	vld [tilespmem:s4+$0x4070];
	v18 =	vadd.f32 $4.096000000e+03, v18;
	v11 =	vmax.f32 v22, $0.0e+00;
	v4 =	vmin.f32 v4, $8.191000000e+03  }
0x209: {  	[tilespmem:v16+s29+$0x0] =	vst.idx.add.s32.msk $0xffff, v2;
	v16 =	vtrunc.f32 v3;
	v3 =	vshll.u32 v20, $0xD;
	v20 =	vtrunc.f32 v5  }
0x20a: {  	v5 =	vadd.s32 v13, v12;
	v12 =	vld [tilespmem:s4+$0x70];
	v7 =	vcvt.f32.s32 v7;
	v9 =	vmin.f32 v11, $8.191000000e+03  }
0x20b: {  	v13 =	vld [tilespmem:s4+$0x4010];
	v4 =	vtrunc.f32 v4;
	v16 =	vcvt.f32.s32 v16;
	v18 =	vmax.f32 v18, $0.0e+00  }
0x20c: {  	v8 =	vtrunc.f32 v9;
	v11 =	vmin.f32 v18, $8.191000000e+03;
	v18 =	vshll.u32 v23, $0xD;
	v23 =	vld [tilespmem:s4+$0x4020]  }
0x20d: {  	v16 =	vadd.s32 v16, v19;
	v19 =	vcvt.f32.s32 v4;
	v4 =	vcvt.f32.s32 v20;
	v20 =	vld [tilespmem:s4+$0x4030]  }
0x20e: {  	v10 =	vshll.u32 v10, $0xD;
	v6 =	vcvt.f32.s32 v6;
	v22 =	vcvt.f32.s32 v8;
	v8 =	vld [tilespmem:s4+$0x4050]  }
0x20f: {  	v14 =	vadd.s32 v7, v14;
	vm8 =	vgt.s32 v21, $0x0;
	v9 =	vtrunc.f32 v11;
	v11 =	vld [tilespmem:s4+$0x4000]  }
0x210: {  	v17 =	vadd.s32 v6, v17;
	v21 =	vshll.u32 v21, $0xD;
	v7 =	vsel vm8, $0x43924925, v1  }
0x211: {  	v53 =	vld [tilespmem:s4+$0x10];
	v51 =	vcvt.f32.s32 v9;
	v15 =	vadd.s32 v19, v15;
	v12 =	vmul.f32 v7, v12  }
0x212: {  	v60 =	vld [tilespmem:s4+$0x50];
	v22 =	vadd.s32 v22, v10;
	vm10 =	vgt.s32 v13, $0x0;
	v7 =	vshll.u32 v13, $0xD  }
0x213: {  	v19 =	vld [tilespmem:s4+$0x4040];
	v12 =	vadd.f32 $4.096000000e+03, v12;
	vm11 =	vgt.s32 v23, $0x0;
	v10 =	vshll.u32 v23, $0xD  }
0x214: {  	v9 =	vld [tilespmem:s4+$0x4060];
	vm12 =	vgt.s32 v20, $0x0;
	vm14 =	vgt.s32 v8, $0x0;
	vm9 =	vgt.s32 v11, $0x0  }
0x215: {  	v13 =	vld [tilespmem:s4+$0x0];
	v6 =	vshll.u32 v11, $0xD;
	v11 =	vadd.s32 v51, v18;
	v18 =	vsel vm10, $0x43924925, v1  }
0x216: {  	v23 =	vld [tilespmem:s4+$0x20];
	v54 =	vsel vm11, $0x43924925, v1;
	v55 =	vsel vm12, $0x43924925, v1;
	v12 =	vmax.f32 v12, $0.0e+00  }
0x217: {  	v56 =	vld [tilespmem:s4+$0x30];
	v59 =	vsel vm14, $0x43924925, v1;
	v52 =	vsel vm9, $0x43924925, v1;
	v12 =	vmin.f32 v12, $8.191000000e+03  }
0x218: {  	v58 =	vld [tilespmem:s4+$0x40];
	vm13 =	vgt.s32 v19, $0x0;
	v18 =	vmul.f32 v18, v53;
	v12 =	vtrunc.f32 v12  }
0x219: {  	vm15 =	vgt.s32 v9, $0x0;
	v25 =	vmul.f32 v59, v60;
	v33 =	vcvt.f32.s32 v12  }
0x21a: {  	v57 =	vsel vm13, $0x43924925, v1;
	v13 =	vmul.f32 v52, v13;
	v12 =	vshll.u32 v20, $0xD;
	v20 =	vld [tilespmem:s4+$0x60]  }
0x21b: {  	[tilespmem:v14+s29+$0x0] =	vst.idx.add.s32.msk $0xffff, v2;
	v61 =	vsel vm15, $0x43924925, v1;
	v23 =	vmul.f32 v54, v23;
	v21 =	vadd.s32 v33, v21  }
0x21c: {  	[tilespmem:v16+s29+$0x0] =	vst.idx.add.s32.msk $0xffff, v2;
	v16 =	vadd.f32 $4.096000000e+03, v18;
	v18 =	vmul.f32 v55, v56;
	v62 =	vadd.f32 $4.096000000e+03, v13  }
0x21d: {  	[tilespmem:v17+s29+$0x0] =	vst.idx.add.s32.msk $0xffff, v2;
	v13 =	vshll.u32 v19, $0xD;
	v19 =	vadd.f32 $4.096000000e+03, v23;
	v23 =	vmul.f32 v57, v58  }
0x21e: {  	[tilespmem:v15+s29+$0x0] =	vst.idx.add.s32.msk $0xffff, v2;
	v16 =	vmax.f32 v16, $0.0e+00;
	v63 =	vadd.f32 $4.096000000e+03, v18;
	v14 =	vmax.f32 v62, $0.0e+00  }
0x21f: {  	[tilespmem:v22+s29+$0x0] =	vst.idx.add.s32.msk $0xffff, v2;
	v14 =	vmin.f32 v14, $8.191000000e+03;
	v17 =	vadd.f32 $4.096000000e+03, v23;
	v18 =	vmul.f32 v61, v20  }
0x220: {  	s4 =	simm.s32 $0x10;
	v15 =	vmax.f32 v19, $0.0e+00;
	v19 =	vmax.f32 v63, $0.0e+00;
	v20 =	vadd.f32 $4.096000000e+03, v25;
	[tilespmem:v21+s29+$0x0] =	vst.idx.add.s32.msk $0xffff, v2  }
.LBB2_10:
0x221: {  	s4 =	sadd.s32 $0x8, s4;
	v16 =	vmin.f32 v16, $8.191000000e+03;
	v17 =	vmax.f32 v17, $0.0e+00;
	v18 =	vadd.f32 $4.096000000e+03, v18;
	[tilespmem:v11+s29+$0x0] =	vst.idx.add.s32.msk $0xffff, v2  }
0x222: {  	v11 =	vmin.f32 v15, $8.191000000e+03;
	v15 =	vmin.f32 v19, $8.191000000e+03;
	s3 =	sadd.s32 $0x400, s3;
	s5 =	sshll.u32 s4, $0x4;
	p0 =	slt.u32 s4, $0x3F8;
	v19 =	vmax.f32 v20, $0.0e+00;
	[tilespmem:v5+s29+$0x0] =	vst.idx.add.s32.msk $0xffff, v2  }
0x223: {  	s6 =	sand.u32 $0xC00, s3;
	s7 =	sshll.u32 s4, $0x2;
	v5 =	vmin.f32 v17, $8.191000000e+03;
	s5 =	sand.u32 $0x3000, s5;
	v17 =	vmin.f32 v19, $8.191000000e+03;
	v18 =	vmax.f32 v18, $0.0e+00  }
0x224: {  	v14 =	vtrunc.f32 v14;
	v16 =	vtrunc.f32 v16;
	s5 =	sor.u32 s6, s5;
	s6 =	sand.u32 $0x380, s7;
	v18 =	vmin.f32 v18, $8.191000000e+03  }
0x225: {  	v11 =	vtrunc.f32 v11;
	v15 =	vtrunc.f32 v15;
	v19 =	vshll.u32 v8, $0xD;
	s5 =	sor.u32 s6, s5  }
0x226: {  	v9 =	vshll.u32 v9, $0xD;
	v8 =	vtrunc.f32 v5;
	v17 =	vtrunc.f32 v17;
	v20 =	vld [tilespmem:s5+$0x4070]  }
0x227: {  	v14 =	vcvt.f32.s32 v14;
	v5 =	vadd.s32 v4, v3;
	v3 =	vmovc v9;
	v18 =	vtrunc.f32 v18;
	v21 =	vld [tilespmem:s5+$0x4000]  }
0x228: {  	v4 =	vcvt.f32.s32 v16;
	v11 =	vcvt.f32.s32 v11;
	v9 =	vld [tilespmem:s5+$0x70]  }
0x229: {  	v14 =	vadd.s32 v14, v6;
	v6 =	vcvt.f32.s32 v15;
	v15 =	vcvt.f32.s32 v8;
	v16 =	vld [tilespmem:s5+$0x4010]  }
0x22a: {  	v23 =	vadd.s32 v4, v7;
	v17 =	vcvt.f32.s32 v17;
	v4 =	vcvt.f32.s32 v18;
	v22 =	vld [tilespmem:s5+$0x4020]  }
0x22b: {  	v24 =	vadd.s32 v11, v10;
	v25 =	vadd.s32 v6, v12;
	v18 =	vld [tilespmem:s5+$0x4030];
	vm0 =	vgt.s32 v20, $0x0  }
0x22c: {  	vm1 =	vgt.s32 v21, $0x0;
	v6 =	vshll.u32 v21, $0xD;
	v21 =	vld [tilespmem:s5+$0x4040];
	v7 =	vsel vm0, $0x43924925, v1  }
0x22d: {  	v26 =	vadd.s32 v15, v13;
	v12 =	vsel vm1, $0x43924925, v1;
	v8 =	vld [tilespmem:s5+$0x4050];
	v10 =	vmul.f32 v7, v9  }
0x22e: {  	v11 =	vadd.s32 v17, v19;
	vm0 =	vgt.s32 v16, $0x0;
	v7 =	vshll.u32 v16, $0xD;
	v9 =	vld [tilespmem:s5+$0x4060]  }
0x22f: {  	v13 =	vld [tilespmem:s5+$0x0];
	v15 =	vsel vm0, $0x43924925, v1;
	vm0 =	vgt.s32 v22, $0x0;
	v16 =	vadd.f32 $4.096000000e+03, v10  }
0x230: {  	v10 =	vshll.u32 v22, $0xD;
	v17 =	vld [tilespmem:s5+$0x10];
	v19 =	vsel vm0, $0x43924925, v1;
	vm0 =	vgt.s32 v18, $0x0  }
0x231: {  	v22 =	vld [tilespmem:s5+$0x20];
	v27 =	vsel vm0, $0x43924925, v1;
	vm0 =	vgt.s32 v21, $0x0;
	v16 =	vmax.f32 v16, $0.0e+00  }
0x232: {  	v28 =	vld [tilespmem:s5+$0x30];
	v29 =	vsel vm0, $0x43924925, v1;
	vm0 =	vgt.s32 v8, $0x0;
	v16 =	vmin.f32 v16, $8.191000000e+03  }
0x233: {  	v30 =	vld [tilespmem:s5+$0x40];
	v31 =	vsel vm0, $0x43924925, v1;
	vm0 =	vgt.s32 v9, $0x0;
	v16 =	vtrunc.f32 v16  }
0x234: {  	v13 =	vmul.f32 v12, v13;
	v32 =	vld [tilespmem:s5+$0x50];
	v33 =	vsel vm0, $0x43924925, v1;
	v16 =	vcvt.f32.s32 v16  }
0x235: {  	v12 =	vshll.u32 v18, $0xD;
	v15 =	vmul.f32 v15, v17;
	v18 =	vld [tilespmem:s5+$0x60];
	v17 =	vshll.u32 v20, $0xD  }
0x236: {  	v20 =	vadd.f32 $4.096000000e+03, v13;
	v19 =	vmul.f32 v19, v22;
	v22 =	vadd.s32 v16, v17;
	[tilespmem:v14+s29+$0x0] =	vst.idx.add.s32.msk $0xffff, v2  }
.Ltmp4:
0x237: {  	v13 =	vshll.u32 v21, $0xD;
	v14 =	vadd.f32 $4.096000000e+03, v15;
	v15 =	vmul.f32 v27, v28;
	[tilespmem:v23+s29+$0x0] =	vst.idx.add.s32.msk $0xffff, v2;
	(pc) =	sbr.rel @p0 .LBB2_10-.Ltmp4, $4  }
0x238: {  	v20 =	vmax.f32 v20, $0.0e+00;
	v17 =	vadd.f32 $4.096000000e+03, v19;
	v19 =	vmul.f32 v29, v30;
	[tilespmem:v24+s29+$0x0] =	vst.idx.add.s32.msk $0xffff, v2  }
0x239: {  	v16 =	vmax.f32 v14, $0.0e+00;
	v21 =	vadd.f32 $4.096000000e+03, v15;
	v23 =	vmul.f32 v31, v32;
	[tilespmem:v25+s29+$0x0] =	vst.idx.add.s32.msk $0xffff, v2  }
0x23a: {  	v15 =	vmax.f32 v17, $0.0e+00;
	v17 =	vadd.f32 $4.096000000e+03, v19;
	v18 =	vmul.f32 v33, v18;
	[tilespmem:v26+s29+$0x0] =	vst.idx.add.s32.msk $0xffff, v2  }
0x23b: {  	v14 =	vmin.f32 v20, $8.191000000e+03;
	v19 =	vmax.f32 v21, $0.0e+00;
	v20 =	vadd.f32 $4.096000000e+03, v23;
	[tilespmem:v22+s29+$0x0] =	vst.idx.add.s32.msk $0xffff, v2  }
0x23c: {  	_ =	sdelay $0x1  }
0x23d: {  	v16 =	vmin.f32 v16, $8.191000000e+03;
	v17 =	vmax.f32 v17, $0.0e+00  }
0x23e: {  	v18 =	vadd.f32 $4.096000000e+03, v18;
	v15 =	vmin.f32 v15, $8.191000000e+03;
	v19 =	vmin.f32 v19, $8.191000000e+03  }
0x23f: {  	v14 =	vtrunc.f32 v14;
	[tilespmem:v5+s29+$0x0] =	vst.idx.add.s32.msk $0xffff, v2;
	v5 =	vshll.u32 v8, $0xD;
	v3 =	vadd.s32 v4, v3  }
0x240: {  	v20 =	vmax.f32 v20, $0.0e+00;
	v16 =	vtrunc.f32 v16;
	v14 =	vcvt.f32.s32 v14  }
0x241: {  	v17 =	vmin.f32 v17, $8.191000000e+03;
	v15 =	vtrunc.f32 v15;
	v19 =	vtrunc.f32 v19  }
0x242: {  	v20 =	vmin.f32 v20, $8.191000000e+03;
	v18 =	vmax.f32 v18, $0.0e+00;
	v16 =	vcvt.f32.s32 v16  }
0x243: {  	v15 =	vcvt.f32.s32 v15;
	v6 =	vadd.s32 v14, v6;
	v14 =	vtrunc.f32 v17  }
0x244: {  	[tilespmem:v11+s29+$0x0] =	vst.idx.add.s32.msk $0xffff, v2;
	v17 =	vcvt.f32.s32 v19;
	v11 =	vmin.f32 v18, $8.191000000e+03;
	v7 =	vadd.s32 v16, v7  }
0x245: {  	v16 =	vtrunc.f32 v20;
	v14 =	vcvt.f32.s32 v14;
	v10 =	vadd.s32 v15, v10  }
0x246: {  	v8 =	vtrunc.f32 v11;
	v15 =	vcvt.f32.s32 v16;
	v12 =	vadd.s32 v17, v12  }
0x247: {  	v8 =	vcvt.f32.s32 v8;
	[tilespmem:v3+s29+$0x0] =	vst.idx.add.s32.msk $0xffff, v2;
	v11 =	vadd.s32 v14, v13  }
0x248: {  	v5 =	vadd.s32 v15, v5;
	[tilespmem:v6+s29+$0x0] =	vst.idx.add.s32.msk $0xffff, v2;
	v6 =	vshll.u32 v9, $0xD  }
0x249: {  	[tilespmem:v7+s29+$0x0] =	vst.idx.add.s32.msk $0xffff, v2;
	v4 =	vadd.s32 v8, v6  }
0x24a: {  	[tilespmem:v10+s29+$0x0] =	vst.idx.add.s32.msk $0xffff, v2  }
0x24b: {  	[tilespmem:v12+s29+$0x0] =	vst.idx.add.s32.msk $0xffff, v2  }
0x24c: {  	[tilespmem:v11+s29+$0x0] =	vst.idx.add.s32.msk $0xffff, v2  }
0x24d: {  	[tilespmem:v5+s29+$0x0] =	vst.idx.add.s32.msk $0xffff, v2  }
0x24e: {  	[tilespmem:v4+s29+$0x0] =	vst.idx.add.s32.msk $0xffff, v2  }
0x24f: {  	_ =	swait.ge [sflag:s30], $0x4000  }
0x250: {  	[sflag:s30] =	ssyncset.done $0x0  }
0x251: {  	[sflag:s30] =	ssyncadd.s32 $0xFFFFC000  }
0x252: {  	_ =	swait.ge [sflag:s31], $0x4000  }
0x253: {  	[sflag:s31] =	ssyncset.done $0x0  }
0x254: {  	s3 =	simm.s32 $0x0;
	[sflag:s31] =	ssyncadd.s32 $0xFFFFC000  }
0x255: {  	[tilespmem:s3], [sflag:$0x1] =	stream.linear.gather [hbm4b:s15+s3], $0x4000, $0x38;
	[tilespmem:$0x1C000] =	vst v63  }
0x256: {  	s4 =	simm.s32 $0x0  }
0x257: {  	[tilespmem:s21], [sflag:$0x2] =	stream.linear.gather [hbm4b:s16+s3], $0x4000, $0x38;
	[tilespmem:$0x1C000] =	vst v63  }
0x258: {  	s5 =	simm.s32 $0x0;
	s4 =	sand.u32 $0x3000, s4;
	s3 =	sand.u32 $0xC00, s3  }
0x259: {  	s7 =	sand.u32 $0x380, s5;
	s3 =	sor.u32 s3, s4  }
0x25a: {  	s3 =	sor.u32 s7, s3  }
0x25b: {  	v3 =	vld [tilespmem:s3+$0xC070]  }
0x25c: {  	v4 =	vld [tilespmem:s3+$0xC000]  }
0x25d: {  	v6 =	vld [tilespmem:s3+$0xC010]  }
0x25e: {  	v7 =	vld [tilespmem:s3+$0xC020]  }
0x25f: {  	v8 =	vld [tilespmem:s3+$0xC030]  }
0x260: {  	v9 =	vld [tilespmem:s3+$0xC040]  }
0x261: {  	v11 =	vld [tilespmem:s3+$0xC050]  }
0x262: {  	v12 =	vld [tilespmem:s3+$0xC060]  }
0x263: {  	v5 =	vld [tilespmem:s3+$0x8070]  }
0x264: {  	v13 =	vld [tilespmem:s3+$0x8000];
	vm0 =	vgt.s32 v3, $0x0;
	vm6 =	vgt.s32 v4, $0x0  }
0x265: {  	v15 =	vld [tilespmem:s3+$0x8010];
	v4 =	vshll.u32 v4, $0xD;
	vm7 =	vgt.s32 v6, $0x0;
	v6 =	vshll.u32 v6, $0xD  }
0x266: {  	v17 =	vld [tilespmem:s3+$0x8020];
	vm8 =	vgt.s32 v7, $0x0;
	v7 =	vshll.u32 v7, $0xD;
	vm9 =	vgt.s32 v8, $0x0  }
0x267: {  	v21 =	vld [tilespmem:s3+$0x8040];
	vm10 =	vgt.s32 v9, $0x0;
	vm11 =	vgt.s32 v11, $0x0;
	vm12 =	vgt.s32 v12, $0x0  }
0x268: {  	v8 =	vshll.u32 v8, $0xD;
	v3 =	vshll.u32 v3, $0xD;
	v9 =	vshll.u32 v9, $0xD  }
0x269: {  	v11 =	vshll.u32 v11, $0xD;
	v10 =	vsel vm0, $0x43924925, v1;
	v14 =	vsel vm7, $0x43924925, v1  }
0x26a: {  	v16 =	vsel vm8, $0x43924925, v1;
	v20 =	vsel vm10, $0x43924925, v1;
	v5 =	vmul.f32 v10, v5  }
0x26b: {  	v10 =	vsel vm6, $0x43924925, v1;
	v14 =	vmul.f32 v14, v15;
	v16 =	vmul.f32 v16, v17  }
0x26c: {  	v12 =	vshll.u32 v12, $0xD;
	v15 =	vld [tilespmem:s3+$0x8060];
	v17 =	vmul.f32 v20, v21;
	v10 =	vmul.f32 v10, v13  }
0x26d: {  	v18 =	vsel vm9, $0x43924925, v1;
	v13 =	vld [tilespmem:s3+$0x8050];
	v5 =	vadd.f32 $4.096000000e+03, v5;
	v16 =	vadd.f32 $4.096000000e+03, v16  }
0x26e: {  	s6 =	simm.s32 $0x400;
	s5 =	simm.s32 $0x80;
	v22 =	vsel vm11, $0x43924925, v1;
	v17 =	vadd.f32 $4.096000000e+03, v17;
	v10 =	vadd.f32 $4.096000000e+03, v10  }
0x26f: {  	s4 =	sand.u32 $0xC00, s6;
	s7 =	simm.s32 $0x20;
	v19 =	vld [tilespmem:s3+$0x8030];
	v23 =	vsel vm12, $0x43924925, v1;
	s3 =	sand.u32 $0x3000, s5;
	v5 =	vmax.f32 v5, $0.0e+00;
	v16 =	vmax.f32 v16, $0.0e+00  }
0x270: {  	s5 =	sand.u32 $0x380, s7;
	s3 =	sor.u32 s4, s3;
	v17 =	vmax.f32 v17, $0.0e+00;
	v5 =	vmin.f32 v5, $8.191000000e+03;
	v10 =	vmax.f32 v10, $0.0e+00  }
0x271: {  	s3 =	sor.u32 s5, s3;
	v15 =	vmul.f32 v23, v15;
	v16 =	vmin.f32 v16, $8.191000000e+03;
	v5 =	vtrunc.f32 v5  }
0x272: {  	v21 =	vld [tilespmem:s3+$0xC010];
	v17 =	vmin.f32 v17, $8.191000000e+03;
	v13 =	vmul.f32 v22, v13;
	v16 =	vtrunc.f32 v16  }
0x273: {  	v10 =	vmin.f32 v10, $8.191000000e+03;
	v17 =	vtrunc.f32 v17;
	v5 =	vcvt.f32.s32 v5  }
0x274: {  	v23 =	vld [tilespmem:s3+$0xC050];
	v15 =	vadd.f32 $4.096000000e+03, v15;
	v10 =	vtrunc.f32 v10;
	v16 =	vcvt.f32.s32 v16  }
0x275: {  	v13 =	vadd.f32 $4.096000000e+03, v13;
	v10 =	vcvt.f32.s32 v10;
	v3 =	vadd.s32 v5, v3  }
0x276: {  	v5 =	vadd.f32 $4.096000000e+03, v14;
	v14 =	vmul.f32 v18, v19;
	v15 =	vmax.f32 v15, $0.0e+00  }
0x277: {  	v18 =	vld [tilespmem:s3+$0xC070];
	v7 =	vadd.s32 v16, v7;
	vm14 =	vgt.s32 v21, $0x0;
	v13 =	vmax.f32 v13, $0.0e+00  }
0x278: {  	v15 =	vmin.f32 v15, $8.191000000e+03;
	v4 =	vadd.s32 v10, v4;
	v14 =	vadd.f32 $4.096000000e+03, v14  }
0x279: {  	v20 =	vld [tilespmem:s3+$0x8070];
	vm6 =	vgt.s32 v23, $0x0;
	v5 =	vmax.f32 v5, $0.0e+00;
	v13 =	vmin.f32 v13, $8.191000000e+03  }
0x27a: {  	v19 =	vld [tilespmem:s3+$0xC000];
	v15 =	vtrunc.f32 v15;
	v5 =	vmin.f32 v5, $8.191000000e+03;
	v14 =	vmax.f32 v14, $0.0e+00  }
0x27b: {  	v31 =	vsel vm6, $0x43924925, v1;
	v5 =	vtrunc.f32 v5;
	v14 =	vmin.f32 v14, $8.191000000e+03  }
0x27c: {  	v24 =	vld [tilespmem:s3+$0x8010];
	v5 =	vcvt.f32.s32 v5;
	vm13 =	vgt.s32 v18, $0x0;
	v14 =	vtrunc.f32 v14  }
0x27d: {  	v26 =	vld [tilespmem:s3+$0x8020];
	v13 =	vtrunc.f32 v13;
	v16 =	vsel vm13, $0x43924925, v1;
	v10 =	vcvt.f32.s32 v14  }
0x27e: {  	v14 =	vcvt.f32.s32 v17;
	v17 =	vld [tilespmem:s3+$0xC020];
	v5 =	vadd.s32 v5, v6;
	v6 =	vcvt.f32.s32 v13  }
0x27f: {  	vm1 =	vgt.s32 v19, $0x0;
	v13 =	vcvt.f32.s32 v15;
	v15 =	vld [tilespmem:s3+$0xC030];
	v16 =	vmul.f32 v16, v20  }
0x280: {  	v19 =	vshll.u32 v19, $0xD;
	v18 =	vshll.u32 v18, $0xD;
	v22 =	vsel vm1, $0x43924925, v1;
	v20 =	vld [tilespmem:s3+$0xC060]  }
0x281: {  	v8 =	vadd.s32 v10, v8;
	v10 =	vld [tilespmem:s3+$0xC040];
	v9 =	vadd.s32 v14, v9;
	v16 =	vadd.f32 $4.096000000e+03, v16  }
0x282: {  	v14 =	vshll.u32 v21, $0xD;
	v6 =	vadd.s32 v6, v11;
	v11 =	vld [tilespmem:s3+$0x8000];
	v21 =	vsel vm14, $0x43924925, v1  }
0x283: {  	v49 =	vld [tilespmem:s3+$0x8060];
	v21 =	vmul.f32 v21, v24;
	v16 =	vmax.f32 v16, $0.0e+00;
	vm15 =	vgt.s32 v17, $0x0  }
0x284: {  	vm4 =	vgt.s32 v15, $0x0;
	v17 =	vshll.u32 v17, $0xD;
	v16 =	vmin.f32 v16, $8.191000000e+03  }
0x285: {  	v28 =	vld [tilespmem:s3+$0x8030];
	vm7 =	vgt.s32 v20, $0x0;
	v15 =	vshll.u32 v15, $0xD;
	v25 =	vsel vm15, $0x43924925, v1  }
0x286: {  	v30 =	vld [tilespmem:s3+$0x8040];
	v27 =	vsel vm4, $0x43924925, v1;
	v16 =	vtrunc.f32 v16;
	v32 =	vsel vm7, $0x43924925, v1  }
0x287: {  	[tilespmem:v5+s29+$0x0] =	vst.idx.add.s32.msk $0xffff, v2;
	vm5 =	vgt.s32 v10, $0x0;
	v11 =	vmul.f32 v22, v11;
	v16 =	vcvt.f32.s32 v16  }
0x288: {  	v22 =	vld [tilespmem:s3+$0x8050];
	v25 =	vmul.f32 v25, v26;
	v5 =	vmul.f32 v32, v49;
	v29 =	vsel vm5, $0x43924925, v1  }
0x289: {  	v11 =	vadd.f32 $4.096000000e+03, v11;
	v16 =	vadd.s32 v16, v18;
	v18 =	vadd.f32 $4.096000000e+03, v21  }
0x28a: {  	[tilespmem:v3+s29+$0x0] =	vst.idx.add.s32.msk $0xffff, v2;
	v21 =	vmul.f32 v27, v28;
	v25 =	vadd.f32 $4.096000000e+03, v25;
	v5 =	vadd.f32 $4.096000000e+03, v5  }
0x28b: {  	[tilespmem:v7+s29+$0x0] =	vst.idx.add.s32.msk $0xffff, v2;
	v50 =	vmul.f32 v29, v30;
	v3 =	vmax.f32 v11, $0.0e+00;
	v11 =	vmax.f32 v18, $0.0e+00  }
0x28c: {  	s6 =	simm.s32 $0x100;
	[tilespmem:v4+s29+$0x0] =	vst.idx.add.s32.msk $0xffff, v2;
	s3 =	simm.s32 $0x800;
	v4 =	vadd.f32 $4.096000000e+03, v21;
	v21 =	vmax.f32 v25, $0.0e+00;
	v5 =	vmax.f32 v5, $0.0e+00  }
0x28d: {  	s4 =	sand.u32 $0x3000, s6;
	s6 =	simm.s32 $0x40;
	[tilespmem:v8+s29+$0x0] =	vst.idx.add.s32.msk $0xffff, v2;
	s7 =	sand.u32 $0xC00, s3;
	v18 =	vmul.f32 v31, v22;
	v22 =	vadd.f32 $4.096000000e+03, v50;
	v3 =	vmin.f32 v3, $8.191000000e+03  }
0x28e: {  	[tilespmem:v9+s29+$0x0] =	vst.idx.add.s32.msk $0xffff, v2;
	s4 =	sor.u32 s7, s4;
	s7 =	sand.u32 $0x380, s6;
	v7 =	vmin.f32 v11, $8.191000000e+03;
	v8 =	vmin.f32 v21, $8.191000000e+03;
	v5 =	vmin.f32 v5, $8.191000000e+03  }
0x28f: {  	[tilespmem:v6+s29+$0x0] =	vst.idx.add.s32.msk $0xffff, v2;
	s4 =	sor.u32 s7, s4;
	v4 =	vmax.f32 v4, $0.0e+00;
	v7 =	vtrunc.f32 v7;
	v6 =	vtrunc.f32 v8  }
0x290: {  	v21 =	vld [tilespmem:s4+$0xC070];
	v18 =	vadd.f32 $4.096000000e+03, v18;
	v11 =	vmax.f32 v22, $0.0e+00;
	v4 =	vmin.f32 v4, $8.191000000e+03  }
0x291: {  	[tilespmem:v16+s29+$0x0] =	vst.idx.add.s32.msk $0xffff, v2;
	v16 =	vtrunc.f32 v3;
	v3 =	vshll.u32 v20, $0xD;
	v20 =	vtrunc.f32 v5  }
0x292: {  	v5 =	vadd.s32 v13, v12;
	v12 =	vld [tilespmem:s4+$0x8070];
	v7 =	vcvt.f32.s32 v7;
	v9 =	vmin.f32 v11, $8.191000000e+03  }
0x293: {  	v13 =	vld [tilespmem:s4+$0xC010];
	v4 =	vtrunc.f32 v4;
	v16 =	vcvt.f32.s32 v16;
	v18 =	vmax.f32 v18, $0.0e+00  }
0x294: {  	v8 =	vtrunc.f32 v9;
	v11 =	vmin.f32 v18, $8.191000000e+03;
	v18 =	vshll.u32 v23, $0xD;
	v23 =	vld [tilespmem:s4+$0xC020]  }
0x295: {  	v16 =	vadd.s32 v16, v19;
	v19 =	vcvt.f32.s32 v4;
	v4 =	vcvt.f32.s32 v20;
	v20 =	vld [tilespmem:s4+$0xC030]  }
0x296: {  	v10 =	vshll.u32 v10, $0xD;
	v6 =	vcvt.f32.s32 v6;
	v22 =	vcvt.f32.s32 v8;
	v8 =	vld [tilespmem:s4+$0xC050]  }
0x297: {  	v14 =	vadd.s32 v7, v14;
	vm8 =	vgt.s32 v21, $0x0;
	v9 =	vtrunc.f32 v11;
	v11 =	vld [tilespmem:s4+$0xC000]  }
0x298: {  	v17 =	vadd.s32 v6, v17;
	v21 =	vshll.u32 v21, $0xD;
	v7 =	vsel vm8, $0x43924925, v1  }
0x299: {  	v53 =	vld [tilespmem:s4+$0x8010];
	v51 =	vcvt.f32.s32 v9;
	v15 =	vadd.s32 v19, v15;
	v12 =	vmul.f32 v7, v12  }
0x29a: {  	v60 =	vld [tilespmem:s4+$0x8050];
	v22 =	vadd.s32 v22, v10;
	vm10 =	vgt.s32 v13, $0x0;
	v7 =	vshll.u32 v13, $0xD  }
0x29b: {  	v19 =	vld [tilespmem:s4+$0xC040];
	v12 =	vadd.f32 $4.096000000e+03, v12;
	vm11 =	vgt.s32 v23, $0x0;
	v10 =	vshll.u32 v23, $0xD  }
0x29c: {  	v9 =	vld [tilespmem:s4+$0xC060];
	vm12 =	vgt.s32 v20, $0x0;
	vm14 =	vgt.s32 v8, $0x0;
	vm9 =	vgt.s32 v11, $0x0  }
0x29d: {  	v13 =	vld [tilespmem:s4+$0x8000];
	v6 =	vshll.u32 v11, $0xD;
	v11 =	vadd.s32 v51, v18;
	v18 =	vsel vm10, $0x43924925, v1  }
0x29e: {  	v23 =	vld [tilespmem:s4+$0x8020];
	v54 =	vsel vm11, $0x43924925, v1;
	v55 =	vsel vm12, $0x43924925, v1;
	v12 =	vmax.f32 v12, $0.0e+00  }
0x29f: {  	v56 =	vld [tilespmem:s4+$0x8030];
	v59 =	vsel vm14, $0x43924925, v1;
	v52 =	vsel vm9, $0x43924925, v1;
	v12 =	vmin.f32 v12, $8.191000000e+03  }
0x2a0: {  	v58 =	vld [tilespmem:s4+$0x8040];
	vm13 =	vgt.s32 v19, $0x0;
	v18 =	vmul.f32 v18, v53;
	v12 =	vtrunc.f32 v12  }
0x2a1: {  	vm15 =	vgt.s32 v9, $0x0;
	v25 =	vmul.f32 v59, v60;
	v33 =	vcvt.f32.s32 v12  }
0x2a2: {  	v57 =	vsel vm13, $0x43924925, v1;
	v13 =	vmul.f32 v52, v13;
	v12 =	vshll.u32 v20, $0xD;
	v20 =	vld [tilespmem:s4+$0x8060]  }
0x2a3: {  	[tilespmem:v14+s29+$0x0] =	vst.idx.add.s32.msk $0xffff, v2;
	v61 =	vsel vm15, $0x43924925, v1;
	v23 =	vmul.f32 v54, v23;
	v21 =	vadd.s32 v33, v21  }
0x2a4: {  	[tilespmem:v16+s29+$0x0] =	vst.idx.add.s32.msk $0xffff, v2;
	v16 =	vadd.f32 $4.096000000e+03, v18;
	v18 =	vmul.f32 v55, v56;
	v62 =	vadd.f32 $4.096000000e+03, v13  }
0x2a5: {  	[tilespmem:v17+s29+$0x0] =	vst.idx.add.s32.msk $0xffff, v2;
	v13 =	vshll.u32 v19, $0xD;
	v19 =	vadd.f32 $4.096000000e+03, v23;
	v23 =	vmul.f32 v57, v58  }
0x2a6: {  	[tilespmem:v15+s29+$0x0] =	vst.idx.add.s32.msk $0xffff, v2;
	v16 =	vmax.f32 v16, $0.0e+00;
	v63 =	vadd.f32 $4.096000000e+03, v18;
	v14 =	vmax.f32 v62, $0.0e+00  }
0x2a7: {  	[tilespmem:v22+s29+$0x0] =	vst.idx.add.s32.msk $0xffff, v2;
	v14 =	vmin.f32 v14, $8.191000000e+03;
	v17 =	vadd.f32 $4.096000000e+03, v23;
	v18 =	vmul.f32 v61, v20  }
0x2a8: {  	s4 =	simm.s32 $0x10;
	v15 =	vmax.f32 v19, $0.0e+00;
	v19 =	vmax.f32 v63, $0.0e+00;
	v20 =	vadd.f32 $4.096000000e+03, v25;
	[tilespmem:v21+s29+$0x0] =	vst.idx.add.s32.msk $0xffff, v2  }
.LBB2_12:
0x2a9: {  	s4 =	sadd.s32 $0x8, s4;
	v16 =	vmin.f32 v16, $8.191000000e+03;
	v17 =	vmax.f32 v17, $0.0e+00;
	v18 =	vadd.f32 $4.096000000e+03, v18;
	[tilespmem:v11+s29+$0x0] =	vst.idx.add.s32.msk $0xffff, v2  }
0x2aa: {  	v11 =	vmin.f32 v15, $8.191000000e+03;
	v15 =	vmin.f32 v19, $8.191000000e+03;
	s3 =	sadd.s32 $0x400, s3;
	s5 =	sshll.u32 s4, $0x4;
	p0 =	slt.u32 s4, $0x3F8;
	v19 =	vmax.f32 v20, $0.0e+00;
	[tilespmem:v5+s29+$0x0] =	vst.idx.add.s32.msk $0xffff, v2  }
0x2ab: {  	s6 =	sand.u32 $0xC00, s3;
	s7 =	sshll.u32 s4, $0x2;
	v5 =	vmin.f32 v17, $8.191000000e+03;
	s5 =	sand.u32 $0x3000, s5;
	v17 =	vmin.f32 v19, $8.191000000e+03;
	v18 =	vmax.f32 v18, $0.0e+00  }
0x2ac: {  	v14 =	vtrunc.f32 v14;
	v16 =	vtrunc.f32 v16;
	s5 =	sor.u32 s6, s5;
	s6 =	sand.u32 $0x380, s7;
	v18 =	vmin.f32 v18, $8.191000000e+03  }
0x2ad: {  	v11 =	vtrunc.f32 v11;
	v15 =	vtrunc.f32 v15;
	v19 =	vshll.u32 v8, $0xD;
	s5 =	sor.u32 s6, s5  }
0x2ae: {  	v9 =	vshll.u32 v9, $0xD;
	v8 =	vtrunc.f32 v5;
	v17 =	vtrunc.f32 v17;
	v20 =	vld [tilespmem:s5+$0xC070]  }
0x2af: {  	v14 =	vcvt.f32.s32 v14;
	v5 =	vadd.s32 v4, v3;
	v3 =	vmovc v9;
	v18 =	vtrunc.f32 v18;
	v21 =	vld [tilespmem:s5+$0xC000]  }
0x2b0: {  	v4 =	vcvt.f32.s32 v16;
	v11 =	vcvt.f32.s32 v11;
	v9 =	vld [tilespmem:s5+$0x8070]  }
0x2b1: {  	v14 =	vadd.s32 v14, v6;
	v6 =	vcvt.f32.s32 v15;
	v15 =	vcvt.f32.s32 v8;
	v16 =	vld [tilespmem:s5+$0xC010]  }
0x2b2: {  	v23 =	vadd.s32 v4, v7;
	v17 =	vcvt.f32.s32 v17;
	v4 =	vcvt.f32.s32 v18;
	v22 =	vld [tilespmem:s5+$0xC020]  }
0x2b3: {  	v24 =	vadd.s32 v11, v10;
	v25 =	vadd.s32 v6, v12;
	v18 =	vld [tilespmem:s5+$0xC030];
	vm0 =	vgt.s32 v20, $0x0  }
0x2b4: {  	vm1 =	vgt.s32 v21, $0x0;
	v6 =	vshll.u32 v21, $0xD;
	v21 =	vld [tilespmem:s5+$0xC040];
	v7 =	vsel vm0, $0x43924925, v1  }
0x2b5: {  	v26 =	vadd.s32 v15, v13;
	v12 =	vsel vm1, $0x43924925, v1;
	v8 =	vld [tilespmem:s5+$0xC050];
	v10 =	vmul.f32 v7, v9  }
0x2b6: {  	v11 =	vadd.s32 v17, v19;
	vm0 =	vgt.s32 v16, $0x0;
	v7 =	vshll.u32 v16, $0xD;
	v9 =	vld [tilespmem:s5+$0xC060]  }
0x2b7: {  	v13 =	vld [tilespmem:s5+$0x8000];
	v15 =	vsel vm0, $0x43924925, v1;
	vm0 =	vgt.s32 v22, $0x0;
	v16 =	vadd.f32 $4.096000000e+03, v10  }
0x2b8: {  	v10 =	vshll.u32 v22, $0xD;
	v17 =	vld [tilespmem:s5+$0x8010];
	v19 =	vsel vm0, $0x43924925, v1;
	vm0 =	vgt.s32 v18, $0x0  }
0x2b9: {  	v22 =	vld [tilespmem:s5+$0x8020];
	v27 =	vsel vm0, $0x43924925, v1;
	vm0 =	vgt.s32 v21, $0x0;
	v16 =	vmax.f32 v16, $0.0e+00  }
0x2ba: {  	v28 =	vld [tilespmem:s5+$0x8030];
	v29 =	vsel vm0, $0x43924925, v1;
	vm0 =	vgt.s32 v8, $0x0;
	v16 =	vmin.f32 v16, $8.191000000e+03  }
0x2bb: {  	v30 =	vld [tilespmem:s5+$0x8040];
	v31 =	vsel vm0, $0x43924925, v1;
	vm0 =	vgt.s32 v9, $0x0;
	v16 =	vtrunc.f32 v16  }
0x2bc: {  	v13 =	vmul.f32 v12, v13;
	v32 =	vld [tilespmem:s5+$0x8050];
	v33 =	vsel vm0, $0x43924925, v1;
	v16 =	vcvt.f32.s32 v16  }
0x2bd: {  	v12 =	vshll.u32 v18, $0xD;
	v15 =	vmul.f32 v15, v17;
	v18 =	vld [tilespmem:s5+$0x8060];
	v17 =	vshll.u32 v20, $0xD  }
0x2be: {  	v20 =	vadd.f32 $4.096000000e+03, v13;
	v19 =	vmul.f32 v19, v22;
	v22 =	vadd.s32 v16, v17;
	[tilespmem:v14+s29+$0x0] =	vst.idx.add.s32.msk $0xffff, v2  }
.Ltmp5:
0x2bf: {  	v13 =	vshll.u32 v21, $0xD;
	v14 =	vadd.f32 $4.096000000e+03, v15;
	v15 =	vmul.f32 v27, v28;
	[tilespmem:v23+s29+$0x0] =	vst.idx.add.s32.msk $0xffff, v2;
	(pc) =	sbr.rel @p0 .LBB2_12-.Ltmp5, $4  }
0x2c0: {  	v20 =	vmax.f32 v20, $0.0e+00;
	v17 =	vadd.f32 $4.096000000e+03, v19;
	v19 =	vmul.f32 v29, v30;
	[tilespmem:v24+s29+$0x0] =	vst.idx.add.s32.msk $0xffff, v2  }
0x2c1: {  	v16 =	vmax.f32 v14, $0.0e+00;
	v21 =	vadd.f32 $4.096000000e+03, v15;
	v23 =	vmul.f32 v31, v32;
	[tilespmem:v25+s29+$0x0] =	vst.idx.add.s32.msk $0xffff, v2  }
0x2c2: {  	v15 =	vmax.f32 v17, $0.0e+00;
	v17 =	vadd.f32 $4.096000000e+03, v19;
	v18 =	vmul.f32 v33, v18;
	[tilespmem:v26+s29+$0x0] =	vst.idx.add.s32.msk $0xffff, v2  }
0x2c3: {  	v14 =	vmin.f32 v20, $8.191000000e+03;
	v19 =	vmax.f32 v21, $0.0e+00;
	v20 =	vadd.f32 $4.096000000e+03, v23;
	[tilespmem:v22+s29+$0x0] =	vst.idx.add.s32.msk $0xffff, v2  }
0x2c4: {  	_ =	sdelay $0x1  }
0x2c5: {  	v16 =	vmin.f32 v16, $8.191000000e+03;
	v17 =	vmax.f32 v17, $0.0e+00  }
0x2c6: {  	v18 =	vadd.f32 $4.096000000e+03, v18;
	v15 =	vmin.f32 v15, $8.191000000e+03;
	v19 =	vmin.f32 v19, $8.191000000e+03  }
0x2c7: {  	v14 =	vtrunc.f32 v14;
	[tilespmem:v5+s29+$0x0] =	vst.idx.add.s32.msk $0xffff, v2;
	v5 =	vshll.u32 v8, $0xD;
	v3 =	vadd.s32 v4, v3  }
0x2c8: {  	v20 =	vmax.f32 v20, $0.0e+00;
	v16 =	vtrunc.f32 v16;
	v14 =	vcvt.f32.s32 v14  }
0x2c9: {  	v17 =	vmin.f32 v17, $8.191000000e+03;
	v15 =	vtrunc.f32 v15;
	v19 =	vtrunc.f32 v19  }
0x2ca: {  	v20 =	vmin.f32 v20, $8.191000000e+03;
	v18 =	vmax.f32 v18, $0.0e+00;
	v16 =	vcvt.f32.s32 v16  }
0x2cb: {  	v15 =	vcvt.f32.s32 v15;
	v6 =	vadd.s32 v14, v6;
	v14 =	vtrunc.f32 v17  }
0x2cc: {  	[tilespmem:v11+s29+$0x0] =	vst.idx.add.s32.msk $0xffff, v2;
	v17 =	vcvt.f32.s32 v19;
	v11 =	vmin.f32 v18, $8.191000000e+03;
	v7 =	vadd.s32 v16, v7  }
0x2cd: {  	v16 =	vtrunc.f32 v20;
	v14 =	vcvt.f32.s32 v14;
	v10 =	vadd.s32 v15, v10  }
0x2ce: {  	v8 =	vtrunc.f32 v11;
	v15 =	vcvt.f32.s32 v16;
	v12 =	vadd.s32 v17, v12  }
0x2cf: {  	v8 =	vcvt.f32.s32 v8;
	[tilespmem:v3+s29+$0x0] =	vst.idx.add.s32.msk $0xffff, v2;
	v11 =	vadd.s32 v14, v13  }
0x2d0: {  	v5 =	vadd.s32 v15, v5;
	[tilespmem:v6+s29+$0x0] =	vst.idx.add.s32.msk $0xffff, v2;
	v6 =	vshll.u32 v9, $0xD  }
0x2d1: {  	[tilespmem:v7+s29+$0x0] =	vst.idx.add.s32.msk $0xffff, v2;
	v4 =	vadd.s32 v8, v6  }
0x2d2: {  	[tilespmem:v10+s29+$0x0] =	vst.idx.add.s32.msk $0xffff, v2  }
0x2d3: {  	[tilespmem:v12+s29+$0x0] =	vst.idx.add.s32.msk $0xffff, v2  }
0x2d4: {  	[tilespmem:v11+s29+$0x0] =	vst.idx.add.s32.msk $0xffff, v2  }
0x2d5: {  	[tilespmem:v5+s29+$0x0] =	vst.idx.add.s32.msk $0xffff, v2  }
0x2d6: {  	[tilespmem:v4+s29+$0x0] =	vst.idx.add.s32.msk $0xffff, v2  }
0x2d7: {  	_ =	swait.ge [sflag:s0], $0x4000  }
0x2d8: {  	[sflag:s0] =	ssyncset.done $0x0  }
0x2d9: {  	[sflag:s0] =	ssyncadd.s32 $0xFFFFC000  }
0x2da: {  	_ =	swait.ge [sflag:s1], $0x4000  }
0x2db: {  	[sflag:s1] =	ssyncset.done $0x0  }
0x2dc: {  	s3 =	simm.s32 $0x0;
	[sflag:s1] =	ssyncadd.s32 $0xFFFFC000  }
0x2dd: {  	[tilespmem:s22], [sflag:$0x3] =	stream.linear.gather [hbm4b:s17+s3], $0x4000, $0x38;
	[tilespmem:$0x1C000] =	vst v63  }
0x2de: {  	s4 =	simm.s32 $0x0  }
0x2df: {  	[tilespmem:s23], [sflag:$0x4] =	stream.linear.gather [hbm4b:s18+s3], $0x4000, $0x38;
	[tilespmem:$0x1C000] =	vst v63  }
0x2e0: {  	s5 =	simm.s32 $0x0;
	s4 =	sand.u32 $0x3000, s4;
	s3 =	sand.u32 $0xC00, s3  }
0x2e1: {  	s7 =	sand.u32 $0x380, s5;
	s3 =	sor.u32 s3, s4  }
0x2e2: {  	s3 =	sor.u32 s7, s3  }
0x2e3: {  	v3 =	vld [tilespmem:s3+$0x14070]  }
0x2e4: {  	v4 =	vld [tilespmem:s3+$0x14000]  }
0x2e5: {  	v6 =	vld [tilespmem:s3+$0x14010]  }
0x2e6: {  	v7 =	vld [tilespmem:s3+$0x14020]  }
0x2e7: {  	v8 =	vld [tilespmem:s3+$0x14030]  }
0x2e8: {  	v9 =	vld [tilespmem:s3+$0x14040]  }
0x2e9: {  	v11 =	vld [tilespmem:s3+$0x14050]  }
0x2ea: {  	v12 =	vld [tilespmem:s3+$0x14060]  }
0x2eb: {  	v5 =	vld [tilespmem:s3+$0x10070]  }
0x2ec: {  	v13 =	vld [tilespmem:s3+$0x10000];
	vm0 =	vgt.s32 v3, $0x0;
	vm6 =	vgt.s32 v4, $0x0  }
0x2ed: {  	v15 =	vld [tilespmem:s3+$0x10010];
	v4 =	vshll.u32 v4, $0xD;
	vm7 =	vgt.s32 v6, $0x0;
	v6 =	vshll.u32 v6, $0xD  }
0x2ee: {  	v17 =	vld [tilespmem:s3+$0x10020];
	vm8 =	vgt.s32 v7, $0x0;
	v7 =	vshll.u32 v7, $0xD;
	vm9 =	vgt.s32 v8, $0x0  }
0x2ef: {  	v21 =	vld [tilespmem:s3+$0x10040];
	vm10 =	vgt.s32 v9, $0x0;
	vm11 =	vgt.s32 v11, $0x0;
	vm12 =	vgt.s32 v12, $0x0  }
0x2f0: {  	v8 =	vshll.u32 v8, $0xD;
	v3 =	vshll.u32 v3, $0xD;
	v9 =	vshll.u32 v9, $0xD  }
0x2f1: {  	v11 =	vshll.u32 v11, $0xD;
	v10 =	vsel vm0, $0x43924925, v1;
	v14 =	vsel vm7, $0x43924925, v1  }
0x2f2: {  	v16 =	vsel vm8, $0x43924925, v1;
	v20 =	vsel vm10, $0x43924925, v1;
	v5 =	vmul.f32 v10, v5  }
0x2f3: {  	v10 =	vsel vm6, $0x43924925, v1;
	v14 =	vmul.f32 v14, v15;
	v16 =	vmul.f32 v16, v17  }
0x2f4: {  	v12 =	vshll.u32 v12, $0xD;
	v15 =	vld [tilespmem:s3+$0x10060];
	v17 =	vmul.f32 v20, v21;
	v10 =	vmul.f32 v10, v13  }
0x2f5: {  	v18 =	vsel vm9, $0x43924925, v1;
	v13 =	vld [tilespmem:s3+$0x10050];
	v5 =	vadd.f32 $4.096000000e+03, v5;
	v16 =	vadd.f32 $4.096000000e+03, v16  }
0x2f6: {  	s6 =	simm.s32 $0x400;
	s5 =	simm.s32 $0x80;
	v22 =	vsel vm11, $0x43924925, v1;
	v17 =	vadd.f32 $4.096000000e+03, v17;
	v10 =	vadd.f32 $4.096000000e+03, v10  }
0x2f7: {  	s4 =	sand.u32 $0xC00, s6;
	s7 =	simm.s32 $0x20;
	v19 =	vld [tilespmem:s3+$0x10030];
	v23 =	vsel vm12, $0x43924925, v1;
	s3 =	sand.u32 $0x3000, s5;
	v5 =	vmax.f32 v5, $0.0e+00;
	v16 =	vmax.f32 v16, $0.0e+00  }
0x2f8: {  	s5 =	sand.u32 $0x380, s7;
	s3 =	sor.u32 s4, s3;
	v17 =	vmax.f32 v17, $0.0e+00;
	v5 =	vmin.f32 v5, $8.191000000e+03;
	v10 =	vmax.f32 v10, $0.0e+00  }
0x2f9: {  	s3 =	sor.u32 s5, s3;
	v15 =	vmul.f32 v23, v15;
	v16 =	vmin.f32 v16, $8.191000000e+03;
	v5 =	vtrunc.f32 v5  }
0x2fa: {  	v21 =	vld [tilespmem:s3+$0x14010];
	v17 =	vmin.f32 v17, $8.191000000e+03;
	v13 =	vmul.f32 v22, v13;
	v16 =	vtrunc.f32 v16  }
0x2fb: {  	v10 =	vmin.f32 v10, $8.191000000e+03;
	v17 =	vtrunc.f32 v17;
	v5 =	vcvt.f32.s32 v5  }
0x2fc: {  	v23 =	vld [tilespmem:s3+$0x14050];
	v15 =	vadd.f32 $4.096000000e+03, v15;
	v10 =	vtrunc.f32 v10;
	v16 =	vcvt.f32.s32 v16  }
0x2fd: {  	v13 =	vadd.f32 $4.096000000e+03, v13;
	v10 =	vcvt.f32.s32 v10;
	v3 =	vadd.s32 v5, v3  }
0x2fe: {  	v5 =	vadd.f32 $4.096000000e+03, v14;
	v14 =	vmul.f32 v18, v19;
	v15 =	vmax.f32 v15, $0.0e+00  }
0x2ff: {  	v18 =	vld [tilespmem:s3+$0x14070];
	v7 =	vadd.s32 v16, v7;
	vm14 =	vgt.s32 v21, $0x0;
	v13 =	vmax.f32 v13, $0.0e+00  }
0x300: {  	v15 =	vmin.f32 v15, $8.191000000e+03;
	v4 =	vadd.s32 v10, v4;
	v14 =	vadd.f32 $4.096000000e+03, v14  }
0x301: {  	v20 =	vld [tilespmem:s3+$0x10070];
	vm6 =	vgt.s32 v23, $0x0;
	v5 =	vmax.f32 v5, $0.0e+00;
	v13 =	vmin.f32 v13, $8.191000000e+03  }
0x302: {  	v19 =	vld [tilespmem:s3+$0x14000];
	v15 =	vtrunc.f32 v15;
	v5 =	vmin.f32 v5, $8.191000000e+03;
	v14 =	vmax.f32 v14, $0.0e+00  }
0x303: {  	v31 =	vsel vm6, $0x43924925, v1;
	v5 =	vtrunc.f32 v5;
	v14 =	vmin.f32 v14, $8.191000000e+03  }
0x304: {  	v24 =	vld [tilespmem:s3+$0x10010];
	v5 =	vcvt.f32.s32 v5;
	vm13 =	vgt.s32 v18, $0x0;
	v14 =	vtrunc.f32 v14  }
0x305: {  	v26 =	vld [tilespmem:s3+$0x10020];
	v13 =	vtrunc.f32 v13;
	v16 =	vsel vm13, $0x43924925, v1;
	v10 =	vcvt.f32.s32 v14  }
0x306: {  	v14 =	vcvt.f32.s32 v17;
	v17 =	vld [tilespmem:s3+$0x14020];
	v5 =	vadd.s32 v5, v6;
	v6 =	vcvt.f32.s32 v13  }
0x307: {  	vm1 =	vgt.s32 v19, $0x0;
	v13 =	vcvt.f32.s32 v15;
	v15 =	vld [tilespmem:s3+$0x14030];
	v16 =	vmul.f32 v16, v20  }
0x308: {  	v19 =	vshll.u32 v19, $0xD;
	v18 =	vshll.u32 v18, $0xD;
	v22 =	vsel vm1, $0x43924925, v1;
	v20 =	vld [tilespmem:s3+$0x14060]  }
0x309: {  	v8 =	vadd.s32 v10, v8;
	v10 =	vld [tilespmem:s3+$0x14040];
	v9 =	vadd.s32 v14, v9;
	v16 =	vadd.f32 $4.096000000e+03, v16  }
0x30a: {  	v14 =	vshll.u32 v21, $0xD;
	v6 =	vadd.s32 v6, v11;
	v11 =	vld [tilespmem:s3+$0x10000];
	v21 =	vsel vm14, $0x43924925, v1  }
0x30b: {  	v49 =	vld [tilespmem:s3+$0x10060];
	v21 =	vmul.f32 v21, v24;
	v16 =	vmax.f32 v16, $0.0e+00;
	vm15 =	vgt.s32 v17, $0x0  }
0x30c: {  	vm4 =	vgt.s32 v15, $0x0;
	v17 =	vshll.u32 v17, $0xD;
	v16 =	vmin.f32 v16, $8.191000000e+03  }
0x30d: {  	v28 =	vld [tilespmem:s3+$0x10030];
	vm7 =	vgt.s32 v20, $0x0;
	v15 =	vshll.u32 v15, $0xD;
	v25 =	vsel vm15, $0x43924925, v1  }
0x30e: {  	v30 =	vld [tilespmem:s3+$0x10040];
	v27 =	vsel vm4, $0x43924925, v1;
	v16 =	vtrunc.f32 v16;
	v32 =	vsel vm7, $0x43924925, v1  }
0x30f: {  	[tilespmem:v5+s29+$0x0] =	vst.idx.add.s32.msk $0xffff, v2;
	vm5 =	vgt.s32 v10, $0x0;
	v11 =	vmul.f32 v22, v11;
	v16 =	vcvt.f32.s32 v16  }
0x310: {  	v22 =	vld [tilespmem:s3+$0x10050];
	v25 =	vmul.f32 v25, v26;
	v5 =	vmul.f32 v32, v49;
	v29 =	vsel vm5, $0x43924925, v1  }
0x311: {  	v11 =	vadd.f32 $4.096000000e+03, v11;
	v16 =	vadd.s32 v16, v18;
	v18 =	vadd.f32 $4.096000000e+03, v21  }
0x312: {  	[tilespmem:v3+s29+$0x0] =	vst.idx.add.s32.msk $0xffff, v2;
	v21 =	vmul.f32 v27, v28;
	v25 =	vadd.f32 $4.096000000e+03, v25;
	v5 =	vadd.f32 $4.096000000e+03, v5  }
0x313: {  	[tilespmem:v7+s29+$0x0] =	vst.idx.add.s32.msk $0xffff, v2;
	v50 =	vmul.f32 v29, v30;
	v3 =	vmax.f32 v11, $0.0e+00;
	v11 =	vmax.f32 v18, $0.0e+00  }
0x314: {  	s6 =	simm.s32 $0x100;
	[tilespmem:v4+s29+$0x0] =	vst.idx.add.s32.msk $0xffff, v2;
	s3 =	simm.s32 $0x800;
	v4 =	vadd.f32 $4.096000000e+03, v21;
	v21 =	vmax.f32 v25, $0.0e+00;
	v5 =	vmax.f32 v5, $0.0e+00  }
0x315: {  	s4 =	sand.u32 $0x3000, s6;
	s6 =	simm.s32 $0x40;
	[tilespmem:v8+s29+$0x0] =	vst.idx.add.s32.msk $0xffff, v2;
	s7 =	sand.u32 $0xC00, s3;
	v18 =	vmul.f32 v31, v22;
	v22 =	vadd.f32 $4.096000000e+03, v50;
	v3 =	vmin.f32 v3, $8.191000000e+03  }
0x316: {  	[tilespmem:v9+s29+$0x0] =	vst.idx.add.s32.msk $0xffff, v2;
	s4 =	sor.u32 s7, s4;
	s7 =	sand.u32 $0x380, s6;
	v7 =	vmin.f32 v11, $8.191000000e+03;
	v8 =	vmin.f32 v21, $8.191000000e+03;
	v5 =	vmin.f32 v5, $8.191000000e+03  }
0x317: {  	[tilespmem:v6+s29+$0x0] =	vst.idx.add.s32.msk $0xffff, v2;
	s4 =	sor.u32 s7, s4;
	v4 =	vmax.f32 v4, $0.0e+00;
	v7 =	vtrunc.f32 v7;
	v6 =	vtrunc.f32 v8  }
0x318: {  	v21 =	vld [tilespmem:s4+$0x14070];
	v18 =	vadd.f32 $4.096000000e+03, v18;
	v11 =	vmax.f32 v22, $0.0e+00;
	v4 =	vmin.f32 v4, $8.191000000e+03  }
0x319: {  	[tilespmem:v16+s29+$0x0] =	vst.idx.add.s32.msk $0xffff, v2;
	v16 =	vtrunc.f32 v3;
	v3 =	vshll.u32 v20, $0xD;
	v20 =	vtrunc.f32 v5  }
0x31a: {  	v5 =	vadd.s32 v13, v12;
	v12 =	vld [tilespmem:s4+$0x10070];
	v7 =	vcvt.f32.s32 v7;
	v9 =	vmin.f32 v11, $8.191000000e+03  }
0x31b: {  	v13 =	vld [tilespmem:s4+$0x14010];
	v4 =	vtrunc.f32 v4;
	v16 =	vcvt.f32.s32 v16;
	v18 =	vmax.f32 v18, $0.0e+00  }
0x31c: {  	v8 =	vtrunc.f32 v9;
	v11 =	vmin.f32 v18, $8.191000000e+03;
	v18 =	vshll.u32 v23, $0xD;
	v23 =	vld [tilespmem:s4+$0x14020]  }
0x31d: {  	v16 =	vadd.s32 v16, v19;
	v19 =	vcvt.f32.s32 v4;
	v4 =	vcvt.f32.s32 v20;
	v20 =	vld [tilespmem:s4+$0x14030]  }
0x31e: {  	v10 =	vshll.u32 v10, $0xD;
	v6 =	vcvt.f32.s32 v6;
	v22 =	vcvt.f32.s32 v8;
	v8 =	vld [tilespmem:s4+$0x14050]  }
0x31f: {  	v14 =	vadd.s32 v7, v14;
	vm8 =	vgt.s32 v21, $0x0;
	v9 =	vtrunc.f32 v11;
	v11 =	vld [tilespmem:s4+$0x14000]  }
0x320: {  	v17 =	vadd.s32 v6, v17;
	v21 =	vshll.u32 v21, $0xD;
	v7 =	vsel vm8, $0x43924925, v1  }
0x321: {  	v53 =	vld [tilespmem:s4+$0x10010];
	v51 =	vcvt.f32.s32 v9;
	v15 =	vadd.s32 v19, v15;
	v12 =	vmul.f32 v7, v12  }
0x322: {  	v60 =	vld [tilespmem:s4+$0x10050];
	v22 =	vadd.s32 v22, v10;
	vm10 =	vgt.s32 v13, $0x0;
	v7 =	vshll.u32 v13, $0xD  }
0x323: {  	v19 =	vld [tilespmem:s4+$0x14040];
	v12 =	vadd.f32 $4.096000000e+03, v12;
	vm11 =	vgt.s32 v23, $0x0;
	v10 =	vshll.u32 v23, $0xD  }
0x324: {  	v9 =	vld [tilespmem:s4+$0x14060];
	vm12 =	vgt.s32 v20, $0x0;
	vm14 =	vgt.s32 v8, $0x0;
	vm9 =	vgt.s32 v11, $0x0  }
0x325: {  	v13 =	vld [tilespmem:s4+$0x10000];
	v6 =	vshll.u32 v11, $0xD;
	v11 =	vadd.s32 v51, v18;
	v18 =	vsel vm10, $0x43924925, v1  }
0x326: {  	v23 =	vld [tilespmem:s4+$0x10020];
	v54 =	vsel vm11, $0x43924925, v1;
	v55 =	vsel vm12, $0x43924925, v1;
	v12 =	vmax.f32 v12, $0.0e+00  }
0x327: {  	v56 =	vld [tilespmem:s4+$0x10030];
	v59 =	vsel vm14, $0x43924925, v1;
	v52 =	vsel vm9, $0x43924925, v1;
	v12 =	vmin.f32 v12, $8.191000000e+03  }
0x328: {  	v58 =	vld [tilespmem:s4+$0x10040];
	vm13 =	vgt.s32 v19, $0x0;
	v18 =	vmul.f32 v18, v53;
	v12 =	vtrunc.f32 v12  }
0x329: {  	vm15 =	vgt.s32 v9, $0x0;
	v25 =	vmul.f32 v59, v60;
	v33 =	vcvt.f32.s32 v12  }
0x32a: {  	v57 =	vsel vm13, $0x43924925, v1;
	v13 =	vmul.f32 v52, v13;
	v12 =	vshll.u32 v20, $0xD;
	v20 =	vld [tilespmem:s4+$0x10060]  }
0x32b: {  	[tilespmem:v14+s29+$0x0] =	vst.idx.add.s32.msk $0xffff, v2;
	v61 =	vsel vm15, $0x43924925, v1;
	v23 =	vmul.f32 v54, v23;
	v21 =	vadd.s32 v33, v21  }
0x32c: {  	[tilespmem:v16+s29+$0x0] =	vst.idx.add.s32.msk $0xffff, v2;
	v16 =	vadd.f32 $4.096000000e+03, v18;
	v18 =	vmul.f32 v55, v56;
	v62 =	vadd.f32 $4.096000000e+03, v13  }
0x32d: {  	[tilespmem:v17+s29+$0x0] =	vst.idx.add.s32.msk $0xffff, v2;
	v13 =	vshll.u32 v19, $0xD;
	v19 =	vadd.f32 $4.096000000e+03, v23;
	v23 =	vmul.f32 v57, v58  }
0x32e: {  	[tilespmem:v15+s29+$0x0] =	vst.idx.add.s32.msk $0xffff, v2;
	v16 =	vmax.f32 v16, $0.0e+00;
	v63 =	vadd.f32 $4.096000000e+03, v18;
	v14 =	vmax.f32 v62, $0.0e+00  }
0x32f: {  	[tilespmem:v22+s29+$0x0] =	vst.idx.add.s32.msk $0xffff, v2;
	v14 =	vmin.f32 v14, $8.191000000e+03;
	v17 =	vadd.f32 $4.096000000e+03, v23;
	v18 =	vmul.f32 v61, v20  }
0x330: {  	s4 =	simm.s32 $0x10;
	v15 =	vmax.f32 v19, $0.0e+00;
	v19 =	vmax.f32 v63, $0.0e+00;
	v20 =	vadd.f32 $4.096000000e+03, v25;
	[tilespmem:v21+s29+$0x0] =	vst.idx.add.s32.msk $0xffff, v2  }
.LBB2_14:
0x331: {  	s4 =	sadd.s32 $0x8, s4;
	v16 =	vmin.f32 v16, $8.191000000e+03;
	v17 =	vmax.f32 v17, $0.0e+00;
	v18 =	vadd.f32 $4.096000000e+03, v18;
	[tilespmem:v11+s29+$0x0] =	vst.idx.add.s32.msk $0xffff, v2  }
0x332: {  	v11 =	vmin.f32 v15, $8.191000000e+03;
	v15 =	vmin.f32 v19, $8.191000000e+03;
	s3 =	sadd.s32 $0x400, s3;
	s5 =	sshll.u32 s4, $0x4;
	p0 =	slt.u32 s4, $0x3F8;
	v19 =	vmax.f32 v20, $0.0e+00;
	[tilespmem:v5+s29+$0x0] =	vst.idx.add.s32.msk $0xffff, v2  }
0x333: {  	s6 =	sand.u32 $0xC00, s3;
	s7 =	sshll.u32 s4, $0x2;
	v5 =	vmin.f32 v17, $8.191000000e+03;
	s5 =	sand.u32 $0x3000, s5;
	v17 =	vmin.f32 v19, $8.191000000e+03;
	v18 =	vmax.f32 v18, $0.0e+00  }
0x334: {  	v14 =	vtrunc.f32 v14;
	v16 =	vtrunc.f32 v16;
	s5 =	sor.u32 s6, s5;
	s6 =	sand.u32 $0x380, s7;
	v18 =	vmin.f32 v18, $8.191000000e+03  }
0x335: {  	v11 =	vtrunc.f32 v11;
	v15 =	vtrunc.f32 v15;
	v19 =	vshll.u32 v8, $0xD;
	s5 =	sor.u32 s6, s5  }
0x336: {  	v9 =	vshll.u32 v9, $0xD;
	v8 =	vtrunc.f32 v5;
	v17 =	vtrunc.f32 v17;
	v20 =	vld [tilespmem:s5+$0x14070]  }
0x337: {  	v14 =	vcvt.f32.s32 v14;
	v5 =	vadd.s32 v4, v3;
	v3 =	vmovc v9;
	v18 =	vtrunc.f32 v18;
	v21 =	vld [tilespmem:s5+$0x14000]  }
0x338: {  	v4 =	vcvt.f32.s32 v16;
	v11 =	vcvt.f32.s32 v11;
	v9 =	vld [tilespmem:s5+$0x10070]  }
0x339: {  	v14 =	vadd.s32 v14, v6;
	v6 =	vcvt.f32.s32 v15;
	v15 =	vcvt.f32.s32 v8;
	v16 =	vld [tilespmem:s5+$0x14010]  }
0x33a: {  	v23 =	vadd.s32 v4, v7;
	v17 =	vcvt.f32.s32 v17;
	v4 =	vcvt.f32.s32 v18;
	v22 =	vld [tilespmem:s5+$0x14020]  }
0x33b: {  	v24 =	vadd.s32 v11, v10;
	v25 =	vadd.s32 v6, v12;
	v18 =	vld [tilespmem:s5+$0x14030];
	vm0 =	vgt.s32 v20, $0x0  }
0x33c: {  	vm1 =	vgt.s32 v21, $0x0;
	v6 =	vshll.u32 v21, $0xD;
	v21 =	vld [tilespmem:s5+$0x14040];
	v7 =	vsel vm0, $0x43924925, v1  }
0x33d: {  	v26 =	vadd.s32 v15, v13;
	v12 =	vsel vm1, $0x43924925, v1;
	v8 =	vld [tilespmem:s5+$0x14050];
	v10 =	vmul.f32 v7, v9  }
0x33e: {  	v11 =	vadd.s32 v17, v19;
	vm0 =	vgt.s32 v16, $0x0;
	v7 =	vshll.u32 v16, $0xD;
	v9 =	vld [tilespmem:s5+$0x14060]  }
0x33f: {  	v13 =	vld [tilespmem:s5+$0x10000];
	v15 =	vsel vm0, $0x43924925, v1;
	vm0 =	vgt.s32 v22, $0x0;
	v16 =	vadd.f32 $4.096000000e+03, v10  }
0x340: {  	v10 =	vshll.u32 v22, $0xD;
	v17 =	vld [tilespmem:s5+$0x10010];
	v19 =	vsel vm0, $0x43924925, v1;
	vm0 =	vgt.s32 v18, $0x0  }
0x341: {  	v22 =	vld [tilespmem:s5+$0x10020];
	v27 =	vsel vm0, $0x43924925, v1;
	vm0 =	vgt.s32 v21, $0x0;
	v16 =	vmax.f32 v16, $0.0e+00  }
0x342: {  	v28 =	vld [tilespmem:s5+$0x10030];
	v29 =	vsel vm0, $0x43924925, v1;
	vm0 =	vgt.s32 v8, $0x0;
	v16 =	vmin.f32 v16, $8.191000000e+03  }
0x343: {  	v30 =	vld [tilespmem:s5+$0x10040];
	v31 =	vsel vm0, $0x43924925, v1;
	vm0 =	vgt.s32 v9, $0x0;
	v16 =	vtrunc.f32 v16  }
0x344: {  	v13 =	vmul.f32 v12, v13;
	v32 =	vld [tilespmem:s5+$0x10050];
	v33 =	vsel vm0, $0x43924925, v1;
	v16 =	vcvt.f32.s32 v16  }
0x345: {  	v12 =	vshll.u32 v18, $0xD;
	v15 =	vmul.f32 v15, v17;
	v18 =	vld [tilespmem:s5+$0x10060];
	v17 =	vshll.u32 v20, $0xD  }
0x346: {  	v20 =	vadd.f32 $4.096000000e+03, v13;
	v19 =	vmul.f32 v19, v22;
	v22 =	vadd.s32 v16, v17;
	[tilespmem:v14+s29+$0x0] =	vst.idx.add.s32.msk $0xffff, v2  }
.Ltmp6:
0x347: {  	v13 =	vshll.u32 v21, $0xD;
	v14 =	vadd.f32 $4.096000000e+03, v15;
	v15 =	vmul.f32 v27, v28;
	[tilespmem:v23+s29+$0x0] =	vst.idx.add.s32.msk $0xffff, v2;
	(pc) =	sbr.rel @p0 .LBB2_14-.Ltmp6, $4  }
0x348: {  	v20 =	vmax.f32 v20, $0.0e+00;
	v17 =	vadd.f32 $4.096000000e+03, v19;
	v19 =	vmul.f32 v29, v30;
	[tilespmem:v24+s29+$0x0] =	vst.idx.add.s32.msk $0xffff, v2  }
0x349: {  	v16 =	vmax.f32 v14, $0.0e+00;
	v21 =	vadd.f32 $4.096000000e+03, v15;
	v23 =	vmul.f32 v31, v32;
	[tilespmem:v25+s29+$0x0] =	vst.idx.add.s32.msk $0xffff, v2  }
0x34a: {  	v15 =	vmax.f32 v17, $0.0e+00;
	v17 =	vadd.f32 $4.096000000e+03, v19;
	v18 =	vmul.f32 v33, v18;
	[tilespmem:v26+s29+$0x0] =	vst.idx.add.s32.msk $0xffff, v2  }
0x34b: {  	v14 =	vmin.f32 v20, $8.191000000e+03;
	v19 =	vmax.f32 v21, $0.0e+00;
	v20 =	vadd.f32 $4.096000000e+03, v23;
	[tilespmem:v22+s29+$0x0] =	vst.idx.add.s32.msk $0xffff, v2  }
0x34c: {  	_ =	sdelay $0x1  }
0x34d: {  	v16 =	vmin.f32 v16, $8.191000000e+03;
	v17 =	vmax.f32 v17, $0.0e+00  }
0x34e: {  	v18 =	vadd.f32 $4.096000000e+03, v18;
	v15 =	vmin.f32 v15, $8.191000000e+03;
	v19 =	vmin.f32 v19, $8.191000000e+03  }
0x34f: {  	v14 =	vtrunc.f32 v14;
	[tilespmem:v5+s29+$0x0] =	vst.idx.add.s32.msk $0xffff, v2;
	v5 =	vshll.u32 v8, $0xD;
	v3 =	vadd.s32 v4, v3  }
0x350: {  	v20 =	vmax.f32 v20, $0.0e+00;
	v16 =	vtrunc.f32 v16;
	v14 =	vcvt.f32.s32 v14  }
0x351: {  	v17 =	vmin.f32 v17, $8.191000000e+03;
	v15 =	vtrunc.f32 v15;
	v19 =	vtrunc.f32 v19  }
0x352: {  	v20 =	vmin.f32 v20, $8.191000000e+03;
	v18 =	vmax.f32 v18, $0.0e+00;
	v16 =	vcvt.f32.s32 v16  }
0x353: {  	v15 =	vcvt.f32.s32 v15;
	v6 =	vadd.s32 v14, v6;
	v14 =	vtrunc.f32 v17  }
0x354: {  	[tilespmem:v11+s29+$0x0] =	vst.idx.add.s32.msk $0xffff, v2;
	v17 =	vcvt.f32.s32 v19;
	v11 =	vmin.f32 v18, $8.191000000e+03;
	v7 =	vadd.s32 v16, v7  }
0x355: {  	v16 =	vtrunc.f32 v20;
	v14 =	vcvt.f32.s32 v14;
	v10 =	vadd.s32 v15, v10  }
0x356: {  	v8 =	vtrunc.f32 v11;
	v15 =	vcvt.f32.s32 v16;
	v12 =	vadd.s32 v17, v12  }
0x357: {  	v8 =	vcvt.f32.s32 v8;
	[tilespmem:v3+s29+$0x0] =	vst.idx.add.s32.msk $0xffff, v2;
	v11 =	vadd.s32 v14, v13  }
0x358: {  	v5 =	vadd.s32 v15, v5;
	[tilespmem:v6+s29+$0x0] =	vst.idx.add.s32.msk $0xffff, v2;
	v6 =	vshll.u32 v9, $0xD  }
0x359: {  	[tilespmem:v7+s29+$0x0] =	vst.idx.add.s32.msk $0xffff, v2;
	v4 =	vadd.s32 v8, v6  }
0x35a: {  	[tilespmem:v10+s29+$0x0] =	vst.idx.add.s32.msk $0xffff, v2  }
0x35b: {  	[tilespmem:v12+s29+$0x0] =	vst.idx.add.s32.msk $0xffff, v2  }
0x35c: {  	[tilespmem:v11+s29+$0x0] =	vst.idx.add.s32.msk $0xffff, v2  }
0x35d: {  	[tilespmem:v5+s29+$0x0] =	vst.idx.add.s32.msk $0xffff, v2  }
0x35e: {  	[tilespmem:v4+s29+$0x0] =	vst.idx.add.s32.msk $0xffff, v2  }
0x35f: {  	_ =	swait.ge [sflag:s24], $0x4000  }
0x360: {  	s3 =	simm.s32 $0x0;
	[sflag:s24] =	ssyncset.done $0x0  }
0x361: {  	s4 =	simm.s32 $0x0;
	s5 =	simm.s32 $0x0;
	[sflag:s24] =	ssyncadd.s32 $0xFFFFC000  }
0x362: {  	s4 =	sand.u32 $0x3000, s4;
	s3 =	sand.u32 $0xC00, s3;
	_ =	swait.ge [sflag:s25], $0x4000  }
0x363: {  	s7 =	sand.u32 $0x380, s5;
	s3 =	sor.u32 s3, s4;
	[sflag:s25] =	ssyncset.done $0x0  }
0x364: {  	s3 =	sor.u32 s7, s3;
	[sflag:s25] =	ssyncadd.s32 $0xFFFFC000  }
0x365: {  	v3 =	vld [tilespmem:s3+$0x4070]  }
0x366: {  	v4 =	vld [tilespmem:s3+$0x4000]  }
0x367: {  	v6 =	vld [tilespmem:s3+$0x4010]  }
0x368: {  	v7 =	vld [tilespmem:s3+$0x4020]  }
0x369: {  	v8 =	vld [tilespmem:s3+$0x4030]  }
0x36a: {  	v9 =	vld [tilespmem:s3+$0x4040]  }
0x36b: {  	v11 =	vld [tilespmem:s3+$0x4050]  }
0x36c: {  	v12 =	vld [tilespmem:s3+$0x4060]  }
0x36d: {  	v5 =	vld [tilespmem:s3+$0x70]  }
0x36e: {  	v13 =	vld [tilespmem:s3+$0x0];
	vm0 =	vgt.s32 v3, $0x0;
	vm6 =	vgt.s32 v4, $0x0  }
0x36f: {  	v15 =	vld [tilespmem:s3+$0x10];
	v4 =	vshll.u32 v4, $0xD;
	vm7 =	vgt.s32 v6, $0x0;
	v6 =	vshll.u32 v6, $0xD  }
0x370: {  	v17 =	vld [tilespmem:s3+$0x20];
	vm8 =	vgt.s32 v7, $0x0;
	v7 =	vshll.u32 v7, $0xD;
	vm9 =	vgt.s32 v8, $0x0  }
0x371: {  	v21 =	vld [tilespmem:s3+$0x40];
	vm10 =	vgt.s32 v9, $0x0;
	vm11 =	vgt.s32 v11, $0x0;
	vm12 =	vgt.s32 v12, $0x0  }
0x372: {  	v8 =	vshll.u32 v8, $0xD;
	v3 =	vshll.u32 v3, $0xD;
	v9 =	vshll.u32 v9, $0xD  }
0x373: {  	v11 =	vshll.u32 v11, $0xD;
	v10 =	vsel vm0, $0x43924925, v1;
	v14 =	vsel vm7, $0x43924925, v1  }
0x374: {  	v16 =	vsel vm8, $0x43924925, v1;
	v20 =	vsel vm10, $0x43924925, v1;
	v5 =	vmul.f32 v10, v5  }
0x375: {  	v10 =	vsel vm6, $0x43924925, v1;
	v14 =	vmul.f32 v14, v15;
	v16 =	vmul.f32 v16, v17  }
0x376: {  	v12 =	vshll.u32 v12, $0xD;
	v15 =	vld [tilespmem:s3+$0x60];
	v17 =	vmul.f32 v20, v21;
	v10 =	vmul.f32 v10, v13  }
0x377: {  	v18 =	vsel vm9, $0x43924925, v1;
	v13 =	vld [tilespmem:s3+$0x50];
	v5 =	vadd.f32 $4.096000000e+03, v5;
	v16 =	vadd.f32 $4.096000000e+03, v16  }
0x378: {  	s6 =	simm.s32 $0x400;
	s5 =	simm.s32 $0x80;
	v22 =	vsel vm11, $0x43924925, v1;
	v17 =	vadd.f32 $4.096000000e+03, v17;
	v10 =	vadd.f32 $4.096000000e+03, v10  }
0x379: {  	s4 =	sand.u32 $0xC00, s6;
	s7 =	simm.s32 $0x20;
	v19 =	vld [tilespmem:s3+$0x30];
	v23 =	vsel vm12, $0x43924925, v1;
	s3 =	sand.u32 $0x3000, s5;
	v5 =	vmax.f32 v5, $0.0e+00;
	v16 =	vmax.f32 v16, $0.0e+00  }
0x37a: {  	s5 =	sand.u32 $0x380, s7;
	s3 =	sor.u32 s4, s3;
	v17 =	vmax.f32 v17, $0.0e+00;
	v5 =	vmin.f32 v5, $8.191000000e+03;
	v10 =	vmax.f32 v10, $0.0e+00  }
0x37b: {  	s3 =	sor.u32 s5, s3;
	v15 =	vmul.f32 v23, v15;
	v16 =	vmin.f32 v16, $8.191000000e+03;
	v5 =	vtrunc.f32 v5  }
0x37c: {  	v21 =	vld [tilespmem:s3+$0x4010];
	v17 =	vmin.f32 v17, $8.191000000e+03;
	v13 =	vmul.f32 v22, v13;
	v16 =	vtrunc.f32 v16  }
0x37d: {  	v10 =	vmin.f32 v10, $8.191000000e+03;
	v17 =	vtrunc.f32 v17;
	v5 =	vcvt.f32.s32 v5  }
0x37e: {  	v23 =	vld [tilespmem:s3+$0x4050];
	v15 =	vadd.f32 $4.096000000e+03, v15;
	v10 =	vtrunc.f32 v10;
	v16 =	vcvt.f32.s32 v16  }
0x37f: {  	v13 =	vadd.f32 $4.096000000e+03, v13;
	v10 =	vcvt.f32.s32 v10;
	v3 =	vadd.s32 v5, v3  }
0x380: {  	v5 =	vadd.f32 $4.096000000e+03, v14;
	v14 =	vmul.f32 v18, v19;
	v15 =	vmax.f32 v15, $0.0e+00  }
0x381: {  	v18 =	vld [tilespmem:s3+$0x4070];
	v7 =	vadd.s32 v16, v7;
	vm14 =	vgt.s32 v21, $0x0;
	v13 =	vmax.f32 v13, $0.0e+00  }
0x382: {  	v15 =	vmin.f32 v15, $8.191000000e+03;
	v4 =	vadd.s32 v10, v4;
	v14 =	vadd.f32 $4.096000000e+03, v14  }
0x383: {  	v20 =	vld [tilespmem:s3+$0x70];
	vm6 =	vgt.s32 v23, $0x0;
	v5 =	vmax.f32 v5, $0.0e+00;
	v13 =	vmin.f32 v13, $8.191000000e+03  }
0x384: {  	v19 =	vld [tilespmem:s3+$0x4000];
	v15 =	vtrunc.f32 v15;
	v5 =	vmin.f32 v5, $8.191000000e+03;
	v14 =	vmax.f32 v14, $0.0e+00  }
0x385: {  	v31 =	vsel vm6, $0x43924925, v1;
	v5 =	vtrunc.f32 v5;
	v14 =	vmin.f32 v14, $8.191000000e+03  }
0x386: {  	v24 =	vld [tilespmem:s3+$0x10];
	v5 =	vcvt.f32.s32 v5;
	vm13 =	vgt.s32 v18, $0x0;
	v14 =	vtrunc.f32 v14  }
0x387: {  	v26 =	vld [tilespmem:s3+$0x20];
	v13 =	vtrunc.f32 v13;
	v16 =	vsel vm13, $0x43924925, v1;
	v10 =	vcvt.f32.s32 v14  }
0x388: {  	v14 =	vcvt.f32.s32 v17;
	v17 =	vld [tilespmem:s3+$0x4020];
	v5 =	vadd.s32 v5, v6;
	v6 =	vcvt.f32.s32 v13  }
0x389: {  	vm1 =	vgt.s32 v19, $0x0;
	v13 =	vcvt.f32.s32 v15;
	v15 =	vld [tilespmem:s3+$0x4030];
	v16 =	vmul.f32 v16, v20  }
0x38a: {  	v19 =	vshll.u32 v19, $0xD;
	v18 =	vshll.u32 v18, $0xD;
	v22 =	vsel vm1, $0x43924925, v1;
	v20 =	vld [tilespmem:s3+$0x4060]  }
0x38b: {  	v8 =	vadd.s32 v10, v8;
	v10 =	vld [tilespmem:s3+$0x4040];
	v9 =	vadd.s32 v14, v9;
	v16 =	vadd.f32 $4.096000000e+03, v16  }
0x38c: {  	v14 =	vshll.u32 v21, $0xD;
	v6 =	vadd.s32 v6, v11;
	v11 =	vld [tilespmem:s3+$0x0];
	v21 =	vsel vm14, $0x43924925, v1  }
0x38d: {  	v49 =	vld [tilespmem:s3+$0x60];
	v21 =	vmul.f32 v21, v24;
	v16 =	vmax.f32 v16, $0.0e+00;
	vm15 =	vgt.s32 v17, $0x0  }
0x38e: {  	vm4 =	vgt.s32 v15, $0x0;
	v17 =	vshll.u32 v17, $0xD;
	v16 =	vmin.f32 v16, $8.191000000e+03  }
0x38f: {  	v28 =	vld [tilespmem:s3+$0x30];
	vm7 =	vgt.s32 v20, $0x0;
	v15 =	vshll.u32 v15, $0xD;
	v25 =	vsel vm15, $0x43924925, v1  }
0x390: {  	v30 =	vld [tilespmem:s3+$0x40];
	v27 =	vsel vm4, $0x43924925, v1;
	v16 =	vtrunc.f32 v16;
	v32 =	vsel vm7, $0x43924925, v1  }
0x391: {  	[tilespmem:v5+s29+$0x0] =	vst.idx.add.s32.msk $0xffff, v2;
	vm5 =	vgt.s32 v10, $0x0;
	v11 =	vmul.f32 v22, v11;
	v16 =	vcvt.f32.s32 v16  }
0x392: {  	v22 =	vld [tilespmem:s3+$0x50];
	v25 =	vmul.f32 v25, v26;
	v5 =	vmul.f32 v32, v49;
	v29 =	vsel vm5, $0x43924925, v1  }
0x393: {  	v11 =	vadd.f32 $4.096000000e+03, v11;
	v16 =	vadd.s32 v16, v18;
	v18 =	vadd.f32 $4.096000000e+03, v21  }
0x394: {  	[tilespmem:v3+s29+$0x0] =	vst.idx.add.s32.msk $0xffff, v2;
	v21 =	vmul.f32 v27, v28;
	v25 =	vadd.f32 $4.096000000e+03, v25;
	v5 =	vadd.f32 $4.096000000e+03, v5  }
0x395: {  	[tilespmem:v7+s29+$0x0] =	vst.idx.add.s32.msk $0xffff, v2;
	v50 =	vmul.f32 v29, v30;
	v3 =	vmax.f32 v11, $0.0e+00;
	v11 =	vmax.f32 v18, $0.0e+00  }
0x396: {  	s6 =	simm.s32 $0x100;
	[tilespmem:v4+s29+$0x0] =	vst.idx.add.s32.msk $0xffff, v2;
	s3 =	simm.s32 $0x800;
	v4 =	vadd.f32 $4.096000000e+03, v21;
	v21 =	vmax.f32 v25, $0.0e+00;
	v5 =	vmax.f32 v5, $0.0e+00  }
0x397: {  	s4 =	sand.u32 $0x3000, s6;
	s6 =	simm.s32 $0x40;
	[tilespmem:v8+s29+$0x0] =	vst.idx.add.s32.msk $0xffff, v2;
	s7 =	sand.u32 $0xC00, s3;
	v18 =	vmul.f32 v31, v22;
	v22 =	vadd.f32 $4.096000000e+03, v50;
	v3 =	vmin.f32 v3, $8.191000000e+03  }
0x398: {  	[tilespmem:v9+s29+$0x0] =	vst.idx.add.s32.msk $0xffff, v2;
	s4 =	sor.u32 s7, s4;
	s7 =	sand.u32 $0x380, s6;
	v7 =	vmin.f32 v11, $8.191000000e+03;
	v8 =	vmin.f32 v21, $8.191000000e+03;
	v5 =	vmin.f32 v5, $8.191000000e+03  }
0x399: {  	[tilespmem:v6+s29+$0x0] =	vst.idx.add.s32.msk $0xffff, v2;
	s4 =	sor.u32 s7, s4;
	v4 =	vmax.f32 v4, $0.0e+00;
	v7 =	vtrunc.f32 v7;
	v6 =	vtrunc.f32 v8  }
0x39a: {  	v21 =	vld [tilespmem:s4+$0x4070];
	v18 =	vadd.f32 $4.096000000e+03, v18;
	v11 =	vmax.f32 v22, $0.0e+00;
	v4 =	vmin.f32 v4, $8.191000000e+03  }
0x39b: {  	[tilespmem:v16+s29+$0x0] =	vst.idx.add.s32.msk $0xffff, v2;
	v16 =	vtrunc.f32 v3;
	v3 =	vshll.u32 v20, $0xD;
	v20 =	vtrunc.f32 v5  }
0x39c: {  	v5 =	vadd.s32 v13, v12;
	v12 =	vld [tilespmem:s4+$0x70];
	v7 =	vcvt.f32.s32 v7;
	v9 =	vmin.f32 v11, $8.191000000e+03  }
0x39d: {  	v13 =	vld [tilespmem:s4+$0x4010];
	v4 =	vtrunc.f32 v4;
	v16 =	vcvt.f32.s32 v16;
	v18 =	vmax.f32 v18, $0.0e+00  }
0x39e: {  	v8 =	vtrunc.f32 v9;
	v11 =	vmin.f32 v18, $8.191000000e+03;
	v18 =	vshll.u32 v23, $0xD;
	v23 =	vld [tilespmem:s4+$0x4020]  }
0x39f: {  	v16 =	vadd.s32 v16, v19;
	v19 =	vcvt.f32.s32 v4;
	v4 =	vcvt.f32.s32 v20;
	v20 =	vld [tilespmem:s4+$0x4030]  }
0x3a0: {  	v10 =	vshll.u32 v10, $0xD;
	v6 =	vcvt.f32.s32 v6;
	v22 =	vcvt.f32.s32 v8;
	v8 =	vld [tilespmem:s4+$0x4050]  }
0x3a1: {  	v14 =	vadd.s32 v7, v14;
	vm8 =	vgt.s32 v21, $0x0;
	v9 =	vtrunc.f32 v11;
	v11 =	vld [tilespmem:s4+$0x4000]  }
0x3a2: {  	v17 =	vadd.s32 v6, v17;
	v21 =	vshll.u32 v21, $0xD;
	v7 =	vsel vm8, $0x43924925, v1  }
0x3a3: {  	v53 =	vld [tilespmem:s4+$0x10];
	v51 =	vcvt.f32.s32 v9;
	v15 =	vadd.s32 v19, v15;
	v12 =	vmul.f32 v7, v12  }
0x3a4: {  	v60 =	vld [tilespmem:s4+$0x50];
	v22 =	vadd.s32 v22, v10;
	vm10 =	vgt.s32 v13, $0x0;
	v7 =	vshll.u32 v13, $0xD  }
0x3a5: {  	v19 =	vld [tilespmem:s4+$0x4040];
	v12 =	vadd.f32 $4.096000000e+03, v12;
	vm11 =	vgt.s32 v23, $0x0;
	v10 =	vshll.u32 v23, $0xD  }
0x3a6: {  	v9 =	vld [tilespmem:s4+$0x4060];
	vm12 =	vgt.s32 v20, $0x0;
	vm14 =	vgt.s32 v8, $0x0;
	vm9 =	vgt.s32 v11, $0x0  }
0x3a7: {  	v13 =	vld [tilespmem:s4+$0x0];
	v6 =	vshll.u32 v11, $0xD;
	v11 =	vadd.s32 v51, v18;
	v18 =	vsel vm10, $0x43924925, v1  }
0x3a8: {  	v23 =	vld [tilespmem:s4+$0x20];
	v54 =	vsel vm11, $0x43924925, v1;
	v55 =	vsel vm12, $0x43924925, v1;
	v12 =	vmax.f32 v12, $0.0e+00  }
0x3a9: {  	v56 =	vld [tilespmem:s4+$0x30];
	v59 =	vsel vm14, $0x43924925, v1;
	v52 =	vsel vm9, $0x43924925, v1;
	v12 =	vmin.f32 v12, $8.191000000e+03  }
0x3aa: {  	v58 =	vld [tilespmem:s4+$0x40];
	vm13 =	vgt.s32 v19, $0x0;
	v18 =	vmul.f32 v18, v53;
	v12 =	vtrunc.f32 v12  }
0x3ab: {  	vm15 =	vgt.s32 v9, $0x0;
	v25 =	vmul.f32 v59, v60;
	v33 =	vcvt.f32.s32 v12  }
0x3ac: {  	v57 =	vsel vm13, $0x43924925, v1;
	v13 =	vmul.f32 v52, v13;
	v12 =	vshll.u32 v20, $0xD;
	v20 =	vld [tilespmem:s4+$0x60]  }
0x3ad: {  	[tilespmem:v14+s29+$0x0] =	vst.idx.add.s32.msk $0xffff, v2;
	v61 =	vsel vm15, $0x43924925, v1;
	v23 =	vmul.f32 v54, v23;
	v21 =	vadd.s32 v33, v21  }
0x3ae: {  	[tilespmem:v16+s29+$0x0] =	vst.idx.add.s32.msk $0xffff, v2;
	v16 =	vadd.f32 $4.096000000e+03, v18;
	v18 =	vmul.f32 v55, v56;
	v62 =	vadd.f32 $4.096000000e+03, v13  }
0x3af: {  	[tilespmem:v17+s29+$0x0] =	vst.idx.add.s32.msk $0xffff, v2;
	v13 =	vshll.u32 v19, $0xD;
	v19 =	vadd.f32 $4.096000000e+03, v23;
	v23 =	vmul.f32 v57, v58  }
0x3b0: {  	[tilespmem:v15+s29+$0x0] =	vst.idx.add.s32.msk $0xffff, v2;
	v16 =	vmax.f32 v16, $0.0e+00;
	v63 =	vadd.f32 $4.096000000e+03, v18;
	v14 =	vmax.f32 v62, $0.0e+00  }
0x3b1: {  	[tilespmem:v22+s29+$0x0] =	vst.idx.add.s32.msk $0xffff, v2;
	v14 =	vmin.f32 v14, $8.191000000e+03;
	v17 =	vadd.f32 $4.096000000e+03, v23;
	v18 =	vmul.f32 v61, v20  }
0x3b2: {  	s4 =	simm.s32 $0x10;
	v15 =	vmax.f32 v19, $0.0e+00;
	v19 =	vmax.f32 v63, $0.0e+00;
	v20 =	vadd.f32 $4.096000000e+03, v25;
	[tilespmem:v21+s29+$0x0] =	vst.idx.add.s32.msk $0xffff, v2  }
.LBB2_16:
0x3b3: {  	s4 =	sadd.s32 $0x8, s4;
	v16 =	vmin.f32 v16, $8.191000000e+03;
	v17 =	vmax.f32 v17, $0.0e+00;
	v18 =	vadd.f32 $4.096000000e+03, v18;
	[tilespmem:v11+s29+$0x0] =	vst.idx.add.s32.msk $0xffff, v2  }
0x3b4: {  	v11 =	vmin.f32 v15, $8.191000000e+03;
	v15 =	vmin.f32 v19, $8.191000000e+03;
	s3 =	sadd.s32 $0x400, s3;
	s5 =	sshll.u32 s4, $0x4;
	p0 =	slt.u32 s4, $0x3F8;
	v19 =	vmax.f32 v20, $0.0e+00;
	[tilespmem:v5+s29+$0x0] =	vst.idx.add.s32.msk $0xffff, v2  }
0x3b5: {  	s6 =	sand.u32 $0xC00, s3;
	s7 =	sshll.u32 s4, $0x2;
	v5 =	vmin.f32 v17, $8.191000000e+03;
	s5 =	sand.u32 $0x3000, s5;
	v17 =	vmin.f32 v19, $8.191000000e+03;
	v18 =	vmax.f32 v18, $0.0e+00  }
0x3b6: {  	v14 =	vtrunc.f32 v14;
	v16 =	vtrunc.f32 v16;
	s5 =	sor.u32 s6, s5;
	s6 =	sand.u32 $0x380, s7;
	v18 =	vmin.f32 v18, $8.191000000e+03  }
0x3b7: {  	v11 =	vtrunc.f32 v11;
	v15 =	vtrunc.f32 v15;
	v19 =	vshll.u32 v8, $0xD;
	s5 =	sor.u32 s6, s5  }
0x3b8: {  	v9 =	vshll.u32 v9, $0xD;
	v8 =	vtrunc.f32 v5;
	v17 =	vtrunc.f32 v17;
	v20 =	vld [tilespmem:s5+$0x4070]  }
0x3b9: {  	v14 =	vcvt.f32.s32 v14;
	v5 =	vadd.s32 v4, v3;
	v3 =	vmovc v9;
	v18 =	vtrunc.f32 v18;
	v21 =	vld [tilespmem:s5+$0x4000]  }
0x3ba: {  	v4 =	vcvt.f32.s32 v16;
	v11 =	vcvt.f32.s32 v11;
	v9 =	vld [tilespmem:s5+$0x70]  }
0x3bb: {  	v14 =	vadd.s32 v14, v6;
	v6 =	vcvt.f32.s32 v15;
	v15 =	vcvt.f32.s32 v8;
	v16 =	vld [tilespmem:s5+$0x4010]  }
0x3bc: {  	v23 =	vadd.s32 v4, v7;
	v17 =	vcvt.f32.s32 v17;
	v4 =	vcvt.f32.s32 v18;
	v22 =	vld [tilespmem:s5+$0x4020]  }
0x3bd: {  	v24 =	vadd.s32 v11, v10;
	v25 =	vadd.s32 v6, v12;
	v18 =	vld [tilespmem:s5+$0x4030];
	vm0 =	vgt.s32 v20, $0x0  }
0x3be: {  	vm1 =	vgt.s32 v21, $0x0;
	v6 =	vshll.u32 v21, $0xD;
	v21 =	vld [tilespmem:s5+$0x4040];
	v7 =	vsel vm0, $0x43924925, v1  }
0x3bf: {  	v26 =	vadd.s32 v15, v13;
	v12 =	vsel vm1, $0x43924925, v1;
	v8 =	vld [tilespmem:s5+$0x4050];
	v10 =	vmul.f32 v7, v9  }
0x3c0: {  	v11 =	vadd.s32 v17, v19;
	vm0 =	vgt.s32 v16, $0x0;
	v7 =	vshll.u32 v16, $0xD;
	v9 =	vld [tilespmem:s5+$0x4060]  }
0x3c1: {  	v13 =	vld [tilespmem:s5+$0x0];
	v15 =	vsel vm0, $0x43924925, v1;
	vm0 =	vgt.s32 v22, $0x0;
	v16 =	vadd.f32 $4.096000000e+03, v10  }
0x3c2: {  	v10 =	vshll.u32 v22, $0xD;
	v17 =	vld [tilespmem:s5+$0x10];
	v19 =	vsel vm0, $0x43924925, v1;
	vm0 =	vgt.s32 v18, $0x0  }
0x3c3: {  	v22 =	vld [tilespmem:s5+$0x20];
	v27 =	vsel vm0, $0x43924925, v1;
	vm0 =	vgt.s32 v21, $0x0;
	v16 =	vmax.f32 v16, $0.0e+00  }
0x3c4: {  	v28 =	vld [tilespmem:s5+$0x30];
	v29 =	vsel vm0, $0x43924925, v1;
	vm0 =	vgt.s32 v8, $0x0;
	v16 =	vmin.f32 v16, $8.191000000e+03  }
0x3c5: {  	v30 =	vld [tilespmem:s5+$0x40];
	v31 =	vsel vm0, $0x43924925, v1;
	vm0 =	vgt.s32 v9, $0x0;
	v16 =	vtrunc.f32 v16  }
0x3c6: {  	v13 =	vmul.f32 v12, v13;
	v32 =	vld [tilespmem:s5+$0x50];
	v33 =	vsel vm0, $0x43924925, v1;
	v16 =	vcvt.f32.s32 v16  }
0x3c7: {  	v12 =	vshll.u32 v18, $0xD;
	v15 =	vmul.f32 v15, v17;
	v18 =	vld [tilespmem:s5+$0x60];
	v17 =	vshll.u32 v20, $0xD  }
0x3c8: {  	v20 =	vadd.f32 $4.096000000e+03, v13;
	v19 =	vmul.f32 v19, v22;
	v22 =	vadd.s32 v16, v17;
	[tilespmem:v14+s29+$0x0] =	vst.idx.add.s32.msk $0xffff, v2  }
.Ltmp7:
0x3c9: {  	v13 =	vshll.u32 v21, $0xD;
	v14 =	vadd.f32 $4.096000000e+03, v15;
	v15 =	vmul.f32 v27, v28;
	[tilespmem:v23+s29+$0x0] =	vst.idx.add.s32.msk $0xffff, v2;
	(pc) =	sbr.rel @p0 .LBB2_16-.Ltmp7, $4  }
0x3ca: {  	v20 =	vmax.f32 v20, $0.0e+00;
	v17 =	vadd.f32 $4.096000000e+03, v19;
	v19 =	vmul.f32 v29, v30;
	[tilespmem:v24+s29+$0x0] =	vst.idx.add.s32.msk $0xffff, v2  }
0x3cb: {  	v16 =	vmax.f32 v14, $0.0e+00;
	v21 =	vadd.f32 $4.096000000e+03, v15;
	v23 =	vmul.f32 v31, v32;
	[tilespmem:v25+s29+$0x0] =	vst.idx.add.s32.msk $0xffff, v2  }
0x3cc: {  	v15 =	vmax.f32 v17, $0.0e+00;
	v17 =	vadd.f32 $4.096000000e+03, v19;
	v18 =	vmul.f32 v33, v18;
	[tilespmem:v26+s29+$0x0] =	vst.idx.add.s32.msk $0xffff, v2  }
0x3cd: {  	v14 =	vmin.f32 v20, $8.191000000e+03;
	v19 =	vmax.f32 v21, $0.0e+00;
	v20 =	vadd.f32 $4.096000000e+03, v23;
	[tilespmem:v22+s29+$0x0] =	vst.idx.add.s32.msk $0xffff, v2  }
0x3ce: {  	_ =	sdelay $0x1  }
0x3cf: {  	v16 =	vmin.f32 v16, $8.191000000e+03;
	v17 =	vmax.f32 v17, $0.0e+00  }
0x3d0: {  	v18 =	vadd.f32 $4.096000000e+03, v18;
	v15 =	vmin.f32 v15, $8.191000000e+03;
	v19 =	vmin.f32 v19, $8.191000000e+03  }
0x3d1: {  	v14 =	vtrunc.f32 v14;
	[tilespmem:v5+s29+$0x0] =	vst.idx.add.s32.msk $0xffff, v2;
	v5 =	vshll.u32 v8, $0xD;
	v3 =	vadd.s32 v4, v3  }
0x3d2: {  	v20 =	vmax.f32 v20, $0.0e+00;
	v16 =	vtrunc.f32 v16;
	v14 =	vcvt.f32.s32 v14  }
0x3d3: {  	v17 =	vmin.f32 v17, $8.191000000e+03;
	v15 =	vtrunc.f32 v15;
	v19 =	vtrunc.f32 v19  }
0x3d4: {  	v20 =	vmin.f32 v20, $8.191000000e+03;
	v18 =	vmax.f32 v18, $0.0e+00;
	v16 =	vcvt.f32.s32 v16  }
0x3d5: {  	v15 =	vcvt.f32.s32 v15;
	v6 =	vadd.s32 v14, v6;
	v14 =	vtrunc.f32 v17  }
0x3d6: {  	[tilespmem:v11+s29+$0x0] =	vst.idx.add.s32.msk $0xffff, v2;
	v17 =	vcvt.f32.s32 v19;
	v11 =	vmin.f32 v18, $8.191000000e+03;
	v7 =	vadd.s32 v16, v7  }
0x3d7: {  	v16 =	vtrunc.f32 v20;
	v14 =	vcvt.f32.s32 v14;
	v10 =	vadd.s32 v15, v10  }
0x3d8: {  	v8 =	vtrunc.f32 v11;
	v15 =	vcvt.f32.s32 v16;
	v12 =	vadd.s32 v17, v12  }
0x3d9: {  	v8 =	vcvt.f32.s32 v8;
	[tilespmem:v3+s29+$0x0] =	vst.idx.add.s32.msk $0xffff, v2;
	v11 =	vadd.s32 v14, v13  }
0x3da: {  	v5 =	vadd.s32 v15, v5;
	[tilespmem:v6+s29+$0x0] =	vst.idx.add.s32.msk $0xffff, v2;
	v6 =	vshll.u32 v9, $0xD  }
0x3db: {  	[tilespmem:v7+s29+$0x0] =	vst.idx.add.s32.msk $0xffff, v2;
	v4 =	vadd.s32 v8, v6  }
0x3dc: {  	[tilespmem:v10+s29+$0x0] =	vst.idx.add.s32.msk $0xffff, v2  }
0x3dd: {  	[tilespmem:v12+s29+$0x0] =	vst.idx.add.s32.msk $0xffff, v2  }
0x3de: {  	[tilespmem:v11+s29+$0x0] =	vst.idx.add.s32.msk $0xffff, v2  }
0x3df: {  	[tilespmem:v5+s29+$0x0] =	vst.idx.add.s32.msk $0xffff, v2  }
0x3e0: {  	[tilespmem:v4+s29+$0x0] =	vst.idx.add.s32.msk $0xffff, v2  }
0x3e1: {  	_ =	swait.ge [sflag:s30], $0x4000  }
0x3e2: {  	s3 =	simm.s32 $0x0;
	[sflag:s30] =	ssyncset.done $0x0  }
0x3e3: {  	s4 =	simm.s32 $0x0;
	s5 =	simm.s32 $0x0;
	[sflag:s30] =	ssyncadd.s32 $0xFFFFC000  }
0x3e4: {  	s4 =	sand.u32 $0x3000, s4;
	s3 =	sand.u32 $0xC00, s3;
	_ =	swait.ge [sflag:s31], $0x4000  }
0x3e5: {  	s7 =	sand.u32 $0x380, s5;
	s3 =	sor.u32 s3, s4;
	[sflag:s31] =	ssyncset.done $0x0  }
0x3e6: {  	s3 =	sor.u32 s7, s3;
	[sflag:s31] =	ssyncadd.s32 $0xFFFFC000  }
0x3e7: {  	v3 =	vld [tilespmem:s3+$0xC070]  }
0x3e8: {  	v4 =	vld [tilespmem:s3+$0xC000]  }
0x3e9: {  	v6 =	vld [tilespmem:s3+$0xC010]  }
0x3ea: {  	v7 =	vld [tilespmem:s3+$0xC020]  }
0x3eb: {  	v8 =	vld [tilespmem:s3+$0xC030]  }
0x3ec: {  	v9 =	vld [tilespmem:s3+$0xC040]  }
0x3ed: {  	v11 =	vld [tilespmem:s3+$0xC050]  }
0x3ee: {  	v12 =	vld [tilespmem:s3+$0xC060]  }
0x3ef: {  	v5 =	vld [tilespmem:s3+$0x8070]  }
0x3f0: {  	v13 =	vld [tilespmem:s3+$0x8000];
	vm0 =	vgt.s32 v3, $0x0;
	vm6 =	vgt.s32 v4, $0x0  }
0x3f1: {  	v15 =	vld [tilespmem:s3+$0x8010];
	v4 =	vshll.u32 v4, $0xD;
	vm7 =	vgt.s32 v6, $0x0;
	v6 =	vshll.u32 v6, $0xD  }
0x3f2: {  	v17 =	vld [tilespmem:s3+$0x8020];
	vm8 =	vgt.s32 v7, $0x0;
	v7 =	vshll.u32 v7, $0xD;
	vm9 =	vgt.s32 v8, $0x0  }
0x3f3: {  	v21 =	vld [tilespmem:s3+$0x8040];
	vm10 =	vgt.s32 v9, $0x0;
	vm11 =	vgt.s32 v11, $0x0;
	vm12 =	vgt.s32 v12, $0x0  }
0x3f4: {  	v8 =	vshll.u32 v8, $0xD;
	v3 =	vshll.u32 v3, $0xD;
	v9 =	vshll.u32 v9, $0xD  }
0x3f5: {  	v11 =	vshll.u32 v11, $0xD;
	v10 =	vsel vm0, $0x43924925, v1;
	v14 =	vsel vm7, $0x43924925, v1  }
0x3f6: {  	v16 =	vsel vm8, $0x43924925, v1;
	v20 =	vsel vm10, $0x43924925, v1;
	v5 =	vmul.f32 v10, v5  }
0x3f7: {  	v10 =	vsel vm6, $0x43924925, v1;
	v14 =	vmul.f32 v14, v15;
	v16 =	vmul.f32 v16, v17  }
0x3f8: {  	v12 =	vshll.u32 v12, $0xD;
	v15 =	vld [tilespmem:s3+$0x8060];
	v17 =	vmul.f32 v20, v21;
	v10 =	vmul.f32 v10, v13  }
0x3f9: {  	v18 =	vsel vm9, $0x43924925, v1;
	v13 =	vld [tilespmem:s3+$0x8050];
	v5 =	vadd.f32 $4.096000000e+03, v5;
	v16 =	vadd.f32 $4.096000000e+03, v16  }
0x3fa: {  	s6 =	simm.s32 $0x400;
	s5 =	simm.s32 $0x80;
	v22 =	vsel vm11, $0x43924925, v1;
	v17 =	vadd.f32 $4.096000000e+03, v17;
	v10 =	vadd.f32 $4.096000000e+03, v10  }
0x3fb: {  	s4 =	sand.u32 $0xC00, s6;
	s7 =	simm.s32 $0x20;
	v19 =	vld [tilespmem:s3+$0x8030];
	v23 =	vsel vm12, $0x43924925, v1;
	s3 =	sand.u32 $0x3000, s5;
	v5 =	vmax.f32 v5, $0.0e+00;
	v16 =	vmax.f32 v16, $0.0e+00  }
0x3fc: {  	s5 =	sand.u32 $0x380, s7;
	s3 =	sor.u32 s4, s3;
	v17 =	vmax.f32 v17, $0.0e+00;
	v5 =	vmin.f32 v5, $8.191000000e+03;
	v10 =	vmax.f32 v10, $0.0e+00  }
0x3fd: {  	s3 =	sor.u32 s5, s3;
	v15 =	vmul.f32 v23, v15;
	v16 =	vmin.f32 v16, $8.191000000e+03;
	v5 =	vtrunc.f32 v5  }
0x3fe: {  	v21 =	vld [tilespmem:s3+$0xC010];
	v17 =	vmin.f32 v17, $8.191000000e+03;
	v13 =	vmul.f32 v22, v13;
	v16 =	vtrunc.f32 v16  }
0x3ff: {  	v10 =	vmin.f32 v10, $8.191000000e+03;
	v17 =	vtrunc.f32 v17;
	v5 =	vcvt.f32.s32 v5  }
0x400: {  	v23 =	vld [tilespmem:s3+$0xC050];
	v15 =	vadd.f32 $4.096000000e+03, v15;
	v10 =	vtrunc.f32 v10;
	v16 =	vcvt.f32.s32 v16  }
0x401: {  	v13 =	vadd.f32 $4.096000000e+03, v13;
	v10 =	vcvt.f32.s32 v10;
	v3 =	vadd.s32 v5, v3  }
0x402: {  	v5 =	vadd.f32 $4.096000000e+03, v14;
	v14 =	vmul.f32 v18, v19;
	v15 =	vmax.f32 v15, $0.0e+00  }
0x403: {  	v18 =	vld [tilespmem:s3+$0xC070];
	v7 =	vadd.s32 v16, v7;
	vm14 =	vgt.s32 v21, $0x0;
	v13 =	vmax.f32 v13, $0.0e+00  }
0x404: {  	v15 =	vmin.f32 v15, $8.191000000e+03;
	v4 =	vadd.s32 v10, v4;
	v14 =	vadd.f32 $4.096000000e+03, v14  }
0x405: {  	v20 =	vld [tilespmem:s3+$0x8070];
	vm6 =	vgt.s32 v23, $0x0;
	v5 =	vmax.f32 v5, $0.0e+00;
	v13 =	vmin.f32 v13, $8.191000000e+03  }
0x406: {  	v19 =	vld [tilespmem:s3+$0xC000];
	v15 =	vtrunc.f32 v15;
	v5 =	vmin.f32 v5, $8.191000000e+03;
	v14 =	vmax.f32 v14, $0.0e+00  }
0x407: {  	v31 =	vsel vm6, $0x43924925, v1;
	v5 =	vtrunc.f32 v5;
	v14 =	vmin.f32 v14, $8.191000000e+03  }
0x408: {  	v24 =	vld [tilespmem:s3+$0x8010];
	v5 =	vcvt.f32.s32 v5;
	vm13 =	vgt.s32 v18, $0x0;
	v14 =	vtrunc.f32 v14  }
0x409: {  	v26 =	vld [tilespmem:s3+$0x8020];
	v13 =	vtrunc.f32 v13;
	v16 =	vsel vm13, $0x43924925, v1;
	v10 =	vcvt.f32.s32 v14  }
0x40a: {  	v14 =	vcvt.f32.s32 v17;
	v17 =	vld [tilespmem:s3+$0xC020];
	v5 =	vadd.s32 v5, v6;
	v6 =	vcvt.f32.s32 v13  }
0x40b: {  	vm1 =	vgt.s32 v19, $0x0;
	v13 =	vcvt.f32.s32 v15;
	v15 =	vld [tilespmem:s3+$0xC030];
	v16 =	vmul.f32 v16, v20  }
0x40c: {  	v19 =	vshll.u32 v19, $0xD;
	v18 =	vshll.u32 v18, $0xD;
	v22 =	vsel vm1, $0x43924925, v1;
	v20 =	vld [tilespmem:s3+$0xC060]  }
0x40d: {  	v8 =	vadd.s32 v10, v8;
	v10 =	vld [tilespmem:s3+$0xC040];
	v9 =	vadd.s32 v14, v9;
	v16 =	vadd.f32 $4.096000000e+03, v16  }
0x40e: {  	v14 =	vshll.u32 v21, $0xD;
	v6 =	vadd.s32 v6, v11;
	v11 =	vld [tilespmem:s3+$0x8000];
	v21 =	vsel vm14, $0x43924925, v1  }
0x40f: {  	v49 =	vld [tilespmem:s3+$0x8060];
	v21 =	vmul.f32 v21, v24;
	v16 =	vmax.f32 v16, $0.0e+00;
	vm15 =	vgt.s32 v17, $0x0  }
0x410: {  	vm4 =	vgt.s32 v15, $0x0;
	v17 =	vshll.u32 v17, $0xD;
	v16 =	vmin.f32 v16, $8.191000000e+03  }
0x411: {  	v28 =	vld [tilespmem:s3+$0x8030];
	vm7 =	vgt.s32 v20, $0x0;
	v15 =	vshll.u32 v15, $0xD;
	v25 =	vsel vm15, $0x43924925, v1  }
0x412: {  	v30 =	vld [tilespmem:s3+$0x8040];
	v27 =	vsel vm4, $0x43924925, v1;
	v16 =	vtrunc.f32 v16;
	v32 =	vsel vm7, $0x43924925, v1  }
0x413: {  	[tilespmem:v5+s29+$0x0] =	vst.idx.add.s32.msk $0xffff, v2;
	vm5 =	vgt.s32 v10, $0x0;
	v11 =	vmul.f32 v22, v11;
	v16 =	vcvt.f32.s32 v16  }
0x414: {  	v22 =	vld [tilespmem:s3+$0x8050];
	v25 =	vmul.f32 v25, v26;
	v5 =	vmul.f32 v32, v49;
	v29 =	vsel vm5, $0x43924925, v1  }
0x415: {  	v11 =	vadd.f32 $4.096000000e+03, v11;
	v16 =	vadd.s32 v16, v18;
	v18 =	vadd.f32 $4.096000000e+03, v21  }
0x416: {  	[tilespmem:v3+s29+$0x0] =	vst.idx.add.s32.msk $0xffff, v2;
	v21 =	vmul.f32 v27, v28;
	v25 =	vadd.f32 $4.096000000e+03, v25;
	v5 =	vadd.f32 $4.096000000e+03, v5  }
0x417: {  	[tilespmem:v7+s29+$0x0] =	vst.idx.add.s32.msk $0xffff, v2;
	v50 =	vmul.f32 v29, v30;
	v3 =	vmax.f32 v11, $0.0e+00;
	v11 =	vmax.f32 v18, $0.0e+00  }
0x418: {  	s6 =	simm.s32 $0x100;
	[tilespmem:v4+s29+$0x0] =	vst.idx.add.s32.msk $0xffff, v2;
	s3 =	simm.s32 $0x800;
	v4 =	vadd.f32 $4.096000000e+03, v21;
	v21 =	vmax.f32 v25, $0.0e+00;
	v5 =	vmax.f32 v5, $0.0e+00  }
0x419: {  	s4 =	sand.u32 $0x3000, s6;
	s6 =	simm.s32 $0x40;
	[tilespmem:v8+s29+$0x0] =	vst.idx.add.s32.msk $0xffff, v2;
	s7 =	sand.u32 $0xC00, s3;
	v18 =	vmul.f32 v31, v22;
	v22 =	vadd.f32 $4.096000000e+03, v50;
	v3 =	vmin.f32 v3, $8.191000000e+03  }
0x41a: {  	[tilespmem:v9+s29+$0x0] =	vst.idx.add.s32.msk $0xffff, v2;
	s4 =	sor.u32 s7, s4;
	s7 =	sand.u32 $0x380, s6;
	v7 =	vmin.f32 v11, $8.191000000e+03;
	v8 =	vmin.f32 v21, $8.191000000e+03;
	v5 =	vmin.f32 v5, $8.191000000e+03  }
0x41b: {  	[tilespmem:v6+s29+$0x0] =	vst.idx.add.s32.msk $0xffff, v2;
	s4 =	sor.u32 s7, s4;
	v4 =	vmax.f32 v4, $0.0e+00;
	v7 =	vtrunc.f32 v7;
	v6 =	vtrunc.f32 v8  }
0x41c: {  	v21 =	vld [tilespmem:s4+$0xC070];
	v18 =	vadd.f32 $4.096000000e+03, v18;
	v11 =	vmax.f32 v22, $0.0e+00;
	v4 =	vmin.f32 v4, $8.191000000e+03  }
0x41d: {  	[tilespmem:v16+s29+$0x0] =	vst.idx.add.s32.msk $0xffff, v2;
	v16 =	vtrunc.f32 v3;
	v3 =	vshll.u32 v20, $0xD;
	v20 =	vtrunc.f32 v5  }
0x41e: {  	v5 =	vadd.s32 v13, v12;
	v12 =	vld [tilespmem:s4+$0x8070];
	v7 =	vcvt.f32.s32 v7;
	v9 =	vmin.f32 v11, $8.191000000e+03  }
0x41f: {  	v13 =	vld [tilespmem:s4+$0xC010];
	v4 =	vtrunc.f32 v4;
	v16 =	vcvt.f32.s32 v16;
	v18 =	vmax.f32 v18, $0.0e+00  }
0x420: {  	v8 =	vtrunc.f32 v9;
	v11 =	vmin.f32 v18, $8.191000000e+03;
	v18 =	vshll.u32 v23, $0xD;
	v23 =	vld [tilespmem:s4+$0xC020]  }
0x421: {  	v16 =	vadd.s32 v16, v19;
	v19 =	vcvt.f32.s32 v4;
	v4 =	vcvt.f32.s32 v20;
	v20 =	vld [tilespmem:s4+$0xC030]  }
0x422: {  	v10 =	vshll.u32 v10, $0xD;
	v6 =	vcvt.f32.s32 v6;
	v22 =	vcvt.f32.s32 v8;
	v8 =	vld [tilespmem:s4+$0xC050]  }
0x423: {  	v14 =	vadd.s32 v7, v14;
	vm8 =	vgt.s32 v21, $0x0;
	v9 =	vtrunc.f32 v11;
	v11 =	vld [tilespmem:s4+$0xC000]  }
0x424: {  	v17 =	vadd.s32 v6, v17;
	v21 =	vshll.u32 v21, $0xD;
	v7 =	vsel vm8, $0x43924925, v1  }
0x425: {  	v53 =	vld [tilespmem:s4+$0x8010];
	v51 =	vcvt.f32.s32 v9;
	v15 =	vadd.s32 v19, v15;
	v12 =	vmul.f32 v7, v12  }
0x426: {  	v60 =	vld [tilespmem:s4+$0x8050];
	v22 =	vadd.s32 v22, v10;
	vm10 =	vgt.s32 v13, $0x0;
	v7 =	vshll.u32 v13, $0xD  }
0x427: {  	v19 =	vld [tilespmem:s4+$0xC040];
	v12 =	vadd.f32 $4.096000000e+03, v12;
	vm11 =	vgt.s32 v23, $0x0;
	v10 =	vshll.u32 v23, $0xD  }
0x428: {  	v9 =	vld [tilespmem:s4+$0xC060];
	vm12 =	vgt.s32 v20, $0x0;
	vm14 =	vgt.s32 v8, $0x0;
	vm9 =	vgt.s32 v11, $0x0  }
0x429: {  	v13 =	vld [tilespmem:s4+$0x8000];
	v6 =	vshll.u32 v11, $0xD;
	v11 =	vadd.s32 v51, v18;
	v18 =	vsel vm10, $0x43924925, v1  }
0x42a: {  	v23 =	vld [tilespmem:s4+$0x8020];
	v54 =	vsel vm11, $0x43924925, v1;
	v55 =	vsel vm12, $0x43924925, v1;
	v12 =	vmax.f32 v12, $0.0e+00  }
0x42b: {  	v56 =	vld [tilespmem:s4+$0x8030];
	v59 =	vsel vm14, $0x43924925, v1;
	v52 =	vsel vm9, $0x43924925, v1;
	v12 =	vmin.f32 v12, $8.191000000e+03  }
0x42c: {  	v58 =	vld [tilespmem:s4+$0x8040];
	vm13 =	vgt.s32 v19, $0x0;
	v18 =	vmul.f32 v18, v53;
	v12 =	vtrunc.f32 v12  }
0x42d: {  	vm15 =	vgt.s32 v9, $0x0;
	v25 =	vmul.f32 v59, v60;
	v33 =	vcvt.f32.s32 v12  }
0x42e: {  	v57 =	vsel vm13, $0x43924925, v1;
	v13 =	vmul.f32 v52, v13;
	v12 =	vshll.u32 v20, $0xD;
	v20 =	vld [tilespmem:s4+$0x8060]  }
0x42f: {  	[tilespmem:v14+s29+$0x0] =	vst.idx.add.s32.msk $0xffff, v2;
	v61 =	vsel vm15, $0x43924925, v1;
	v23 =	vmul.f32 v54, v23;
	v21 =	vadd.s32 v33, v21  }
0x430: {  	[tilespmem:v16+s29+$0x0] =	vst.idx.add.s32.msk $0xffff, v2;
	v16 =	vadd.f32 $4.096000000e+03, v18;
	v18 =	vmul.f32 v55, v56;
	v62 =	vadd.f32 $4.096000000e+03, v13  }
0x431: {  	[tilespmem:v17+s29+$0x0] =	vst.idx.add.s32.msk $0xffff, v2;
	v13 =	vshll.u32 v19, $0xD;
	v19 =	vadd.f32 $4.096000000e+03, v23;
	v23 =	vmul.f32 v57, v58  }
0x432: {  	[tilespmem:v15+s29+$0x0] =	vst.idx.add.s32.msk $0xffff, v2;
	v16 =	vmax.f32 v16, $0.0e+00;
	v63 =	vadd.f32 $4.096000000e+03, v18;
	v14 =	vmax.f32 v62, $0.0e+00  }
0x433: {  	[tilespmem:v22+s29+$0x0] =	vst.idx.add.s32.msk $0xffff, v2;
	v14 =	vmin.f32 v14, $8.191000000e+03;
	v17 =	vadd.f32 $4.096000000e+03, v23;
	v18 =	vmul.f32 v61, v20  }
0x434: {  	s4 =	simm.s32 $0x10;
	v15 =	vmax.f32 v19, $0.0e+00;
	v19 =	vmax.f32 v63, $0.0e+00;
	v20 =	vadd.f32 $4.096000000e+03, v25;
	[tilespmem:v21+s29+$0x0] =	vst.idx.add.s32.msk $0xffff, v2  }
.LBB2_18:
0x435: {  	s4 =	sadd.s32 $0x8, s4;
	v16 =	vmin.f32 v16, $8.191000000e+03;
	v17 =	vmax.f32 v17, $0.0e+00;
	v18 =	vadd.f32 $4.096000000e+03, v18;
	[tilespmem:v11+s29+$0x0] =	vst.idx.add.s32.msk $0xffff, v2  }
0x436: {  	v11 =	vmin.f32 v15, $8.191000000e+03;
	v15 =	vmin.f32 v19, $8.191000000e+03;
	s3 =	sadd.s32 $0x400, s3;
	s5 =	sshll.u32 s4, $0x4;
	p0 =	slt.u32 s4, $0x3F8;
	v19 =	vmax.f32 v20, $0.0e+00;
	[tilespmem:v5+s29+$0x0] =	vst.idx.add.s32.msk $0xffff, v2  }
0x437: {  	s6 =	sand.u32 $0xC00, s3;
	s7 =	sshll.u32 s4, $0x2;
	v5 =	vmin.f32 v17, $8.191000000e+03;
	s5 =	sand.u32 $0x3000, s5;
	v17 =	vmin.f32 v19, $8.191000000e+03;
	v18 =	vmax.f32 v18, $0.0e+00  }
0x438: {  	v14 =	vtrunc.f32 v14;
	v16 =	vtrunc.f32 v16;
	s5 =	sor.u32 s6, s5;
	s6 =	sand.u32 $0x380, s7;
	v18 =	vmin.f32 v18, $8.191000000e+03  }
0x439: {  	v11 =	vtrunc.f32 v11;
	v15 =	vtrunc.f32 v15;
	v19 =	vshll.u32 v8, $0xD;
	s5 =	sor.u32 s6, s5  }
0x43a: {  	v9 =	vshll.u32 v9, $0xD;
	v8 =	vtrunc.f32 v5;
	v17 =	vtrunc.f32 v17;
	v20 =	vld [tilespmem:s5+$0xC070]  }
0x43b: {  	v14 =	vcvt.f32.s32 v14;
	v5 =	vadd.s32 v4, v3;
	v3 =	vmovc v9;
	v18 =	vtrunc.f32 v18;
	v21 =	vld [tilespmem:s5+$0xC000]  }
0x43c: {  	v4 =	vcvt.f32.s32 v16;
	v11 =	vcvt.f32.s32 v11;
	v9 =	vld [tilespmem:s5+$0x8070]  }
0x43d: {  	v14 =	vadd.s32 v14, v6;
	v6 =	vcvt.f32.s32 v15;
	v15 =	vcvt.f32.s32 v8;
	v16 =	vld [tilespmem:s5+$0xC010]  }
0x43e: {  	v23 =	vadd.s32 v4, v7;
	v17 =	vcvt.f32.s32 v17;
	v4 =	vcvt.f32.s32 v18;
	v22 =	vld [tilespmem:s5+$0xC020]  }
0x43f: {  	v24 =	vadd.s32 v11, v10;
	v25 =	vadd.s32 v6, v12;
	v18 =	vld [tilespmem:s5+$0xC030];
	vm0 =	vgt.s32 v20, $0x0  }
0x440: {  	vm1 =	vgt.s32 v21, $0x0;
	v6 =	vshll.u32 v21, $0xD;
	v21 =	vld [tilespmem:s5+$0xC040];
	v7 =	vsel vm0, $0x43924925, v1  }
0x441: {  	v26 =	vadd.s32 v15, v13;
	v12 =	vsel vm1, $0x43924925, v1;
	v8 =	vld [tilespmem:s5+$0xC050];
	v10 =	vmul.f32 v7, v9  }
0x442: {  	v11 =	vadd.s32 v17, v19;
	vm0 =	vgt.s32 v16, $0x0;
	v7 =	vshll.u32 v16, $0xD;
	v9 =	vld [tilespmem:s5+$0xC060]  }
0x443: {  	v13 =	vld [tilespmem:s5+$0x8000];
	v15 =	vsel vm0, $0x43924925, v1;
	vm0 =	vgt.s32 v22, $0x0;
	v16 =	vadd.f32 $4.096000000e+03, v10  }
0x444: {  	v10 =	vshll.u32 v22, $0xD;
	v17 =	vld [tilespmem:s5+$0x8010];
	v19 =	vsel vm0, $0x43924925, v1;
	vm0 =	vgt.s32 v18, $0x0  }
0x445: {  	v22 =	vld [tilespmem:s5+$0x8020];
	v27 =	vsel vm0, $0x43924925, v1;
	vm0 =	vgt.s32 v21, $0x0;
	v16 =	vmax.f32 v16, $0.0e+00  }
0x446: {  	v28 =	vld [tilespmem:s5+$0x8030];
	v29 =	vsel vm0, $0x43924925, v1;
	vm0 =	vgt.s32 v8, $0x0;
	v16 =	vmin.f32 v16, $8.191000000e+03  }
0x447: {  	v30 =	vld [tilespmem:s5+$0x8040];
	v31 =	vsel vm0, $0x43924925, v1;
	vm0 =	vgt.s32 v9, $0x0;
	v16 =	vtrunc.f32 v16  }
0x448: {  	v13 =	vmul.f32 v12, v13;
	v32 =	vld [tilespmem:s5+$0x8050];
	v33 =	vsel vm0, $0x43924925, v1;
	v16 =	vcvt.f32.s32 v16  }
0x449: {  	v12 =	vshll.u32 v18, $0xD;
	v15 =	vmul.f32 v15, v17;
	v18 =	vld [tilespmem:s5+$0x8060];
	v17 =	vshll.u32 v20, $0xD  }
0x44a: {  	v20 =	vadd.f32 $4.096000000e+03, v13;
	v19 =	vmul.f32 v19, v22;
	v22 =	vadd.s32 v16, v17;
	[tilespmem:v14+s29+$0x0] =	vst.idx.add.s32.msk $0xffff, v2  }
.Ltmp8:
0x44b: {  	v13 =	vshll.u32 v21, $0xD;
	v14 =	vadd.f32 $4.096000000e+03, v15;
	v15 =	vmul.f32 v27, v28;
	[tilespmem:v23+s29+$0x0] =	vst.idx.add.s32.msk $0xffff, v2;
	(pc) =	sbr.rel @p0 .LBB2_18-.Ltmp8, $4  }
0x44c: {  	v20 =	vmax.f32 v20, $0.0e+00;
	v17 =	vadd.f32 $4.096000000e+03, v19;
	v19 =	vmul.f32 v29, v30;
	[tilespmem:v24+s29+$0x0] =	vst.idx.add.s32.msk $0xffff, v2  }
0x44d: {  	v16 =	vmax.f32 v14, $0.0e+00;
	v21 =	vadd.f32 $4.096000000e+03, v15;
	v23 =	vmul.f32 v31, v32;
	[tilespmem:v25+s29+$0x0] =	vst.idx.add.s32.msk $0xffff, v2  }
0x44e: {  	v15 =	vmax.f32 v17, $0.0e+00;
	v17 =	vadd.f32 $4.096000000e+03, v19;
	v18 =	vmul.f32 v33, v18;
	[tilespmem:v26+s29+$0x0] =	vst.idx.add.s32.msk $0xffff, v2  }
0x44f: {  	v14 =	vmin.f32 v20, $8.191000000e+03;
	v19 =	vmax.f32 v21, $0.0e+00;
	v20 =	vadd.f32 $4.096000000e+03, v23;
	[tilespmem:v22+s29+$0x0] =	vst.idx.add.s32.msk $0xffff, v2  }
0x450: {  	v16 =	vmin.f32 v16, $8.191000000e+03  }
0x451: {  	v17 =	vmax.f32 v17, $0.0e+00;
	v18 =	vadd.f32 $4.096000000e+03, v18;
	v15 =	vmin.f32 v15, $8.191000000e+03  }
0x452: {  	v19 =	vmin.f32 v19, $8.191000000e+03;
	v14 =	vtrunc.f32 v14;
	v3 =	vadd.s32 v4, v3  }
0x453: {  	v20 =	vmax.f32 v20, $0.0e+00;
	v16 =	vtrunc.f32 v16;
	v14 =	vcvt.f32.s32 v14  }
0x454: {  	v17 =	vmin.f32 v17, $8.191000000e+03;
	v15 =	vtrunc.f32 v15;
	v19 =	vtrunc.f32 v19  }
0x455: {  	v20 =	vmin.f32 v20, $8.191000000e+03;
	v18 =	vmax.f32 v18, $0.0e+00;
	v16 =	vcvt.f32.s32 v16  }
0x456: {  	v15 =	vcvt.f32.s32 v15;
	v54 =	vtrunc.f32 v17;
	v6 =	vadd.s32 v14, v6  }
0x457: {  	v55 =	vcvt.f32.s32 v19;
	v56 =	vtrunc.f32 v20;
	v7 =	vadd.s32 v16, v7  }
0x458: {  	[tilespmem:v11+s29+$0x0] =	vst.idx.add.s32.msk $0xffff, v2;
	v14 =	vcvt.f32.s32 v54;
	v57 =	vmin.f32 v18, $8.191000000e+03;
	v10 =	vadd.s32 v15, v10  }
0x459: {  	[tilespmem:v5+s29+$0x0] =	vst.idx.add.s32.msk $0xffff, v2;
	v58 =	vcvt.f32.s32 v56;
	v12 =	vadd.s32 v55, v12;
	v60 =	vtrunc.f32 v57  }
0x45a: {  	v59 =	vshll.u32 v8, $0xD;
	v61 =	vadd.s32 v14, v13;
	v8 =	vcvt.f32.s32 v60;
	[tilespmem:v3+s29+$0x0] =	vst.idx.add.s32.msk $0xffff, v2  }
0x45b: {  	v62 =	vshll.u32 v9, $0xD;
	v5 =	vadd.s32 v58, v59;
	[tilespmem:v6+s29+$0x0] =	vst.idx.add.s32.msk $0xffff, v2  }
0x45c: {  	v63 =	vadd.s32 v8, v62;
	[tilespmem:v7+s29+$0x0] =	vst.idx.add.s32.msk $0xffff, v2  }
0x45d: {  	[tilespmem:v10+s29+$0x0] =	vst.idx.add.s32.msk $0xffff, v2  }
0x45e: {  	[tilespmem:v12+s29+$0x0] =	vst.idx.add.s32.msk $0xffff, v2  }
0x45f: {  	s28 =	sadd.s32 $0x1, s28;
	[tilespmem:v61+s29+$0x0] =	vst.idx.add.s32.msk $0xffff, v2  }
0x460: {  	p0 =	sne.s32 s28, s20;
	[tilespmem:v5+s29+$0x0] =	vst.idx.add.s32.msk $0xffff, v2  }
.Ltmp9:
0x461: {  	[tilespmem:v63+s29+$0x0] =	vst.idx.add.s32.msk $0xffff, v2;
	(pc) =	sbr.rel @p0 .LBB2_1-.Ltmp9, $4  }
0x462: {  	[hbm4b:s19+s2] =	stream.linear.scatter [tilespmem:s29], [sflag:$0x7], $0x4000, $0x38;
	[tilespmem:$0x1C000] =	vst v63  }
0x463: {  	_ =	swait.ge [sflag:s26], $0x4000  }
0x464: {  	[sflag:s26] =	ssyncset.done $0x0  }
0x465: {  	[sflag:s26] =	ssyncadd.s32 $0xFFFFC000  }
0x466: {  	_ =	sfence.sel $0x180000  }
0x467: {  	[bflag:$0x0] =	sbarrier.arrive $0xFFFF  }
0x468: {  	_ =	strace $0x90000047  }
0x469: {  	s0 =	stileid.u32;
	[bflag:$0x2] =	sbarrier.arrive $0xFFFF  }
0x46a: {  	p0 =	sne.s32 s0, $0x0;
	s0 =	rddreg [dreg:$0x3]  }
0x46b: {  	s0 =	sadd.s32 @!p0 $0x100000, s0  }
0x46c: {  	[sflag:s0] =	ssyncadd.tile.s32 @!p0 $0x1;
	_ =	shalt  }
.Lfunc_end2:
_tile_overlayer_lowered:
.L_overlay_start_2:
0x46d: {  	(tag) =	ssettag $0x2  }
0x46e: {  	s0 =	rddreg [dreg:$0x0];
	s2 =	stileid.u32  }
0x46f: {  	s1 =	rddreg [dreg:$0x1];
	p0 =	sne.s32 s2, $0x0  }
0x470: {  	s3 =	rddreg [dreg:$0x2];
	[bflag:$0x3] =	sbarrier.arrive $0xFFFF;
	s2 =	simm.s32 @!p0 $0x1C07  }
0x471: {  	[timem:s3], [sflag:s2] =	dma.local @!p0 [hbm:s0], s1  }
0x472: {  	s0 =	simm.s32 @!p0 $0x7  }
0x473: {  	_ =	swait.ge @!p0 [sflag:s0], s1  }
0x474: {  	s1 =	ssub.s32 @!p0 $0x0, s1;
	[sflag:s0] =	ssyncset.done @!p0 $0x0  }
0x475: {  	[sflag:s0] =	ssyncadd.s32 @!p0 s1  }
0x476: {  	[bflag:$0x3] =	sbarrier.arrive $0xFFFF  }
0x477: {  	_ =	shalt  }

</sc_bundles>
